<compile_context>
chip_gen: v7x
topology: tpu7x:2x2x1
jax: 0.10.2.dev20260603
libtpu: 0.0.44.dev20260713+nightly
codegen_flags: <defaults>
</compile_context>

<pallas_src>
import functools

import jax
import jax.numpy as jnp
from jax import lax
from jax.experimental import pallas as pl
from jax.experimental.pallas import tpu as pltpu
from jax.experimental.pallas import tpu_sc as plsc

N_FIELDS = 26
EMB = 16
BATCH = 16384
NUM_CORES = 2
NUM_SUBCORES = 16
NUM_WORKERS = NUM_CORES * NUM_SUBCORES
B_PER = BATCH // NUM_WORKERS

_mesh = plsc.VectorSubcoreMesh(core_axis_name="c", subcore_axis_name="s")


@functools.partial(
    pl.kernel,
    out_type=jax.ShapeDtypeStruct((BATCH, N_FIELDS * EMB), jnp.float32),
    mesh=_mesh,
    compiler_params=pltpu.CompilerParams(use_tc_tiling_on_sc=False),
    scratch_types=(
        [pltpu.VMEM((B_PER,), jnp.int32) for _ in range(N_FIELDS)]
        + [
            pltpu.VMEM((B_PER, EMB), jnp.float32),
            pltpu.VMEM((B_PER, EMB), jnp.float32),
            pltpu.SemaphoreType.DMA,
            pltpu.SemaphoreType.DMA,
            pltpu.SemaphoreType.DMA,
            pltpu.SemaphoreType.DMA,
            pltpu.SemaphoreType.DMA,
        ]
    ),
)
def _cat_embedding_sc(*refs):
    fields = refs[:N_FIELDS]
    tables = refs[N_FIELDS:2 * N_FIELDS]
    out_hbm = refs[2 * N_FIELDS]
    scratches = refs[2 * N_FIELDS + 1:]
    idx_v = scratches[:N_FIELDS]
    buf0, buf1, gsem0, gsem1, ssem0, ssem1, isem = scratches[N_FIELDS:]
    bufs = (buf0, buf1)
    gsems = (gsem0, gsem1)
    ssems = (ssem0, ssem1)

    wid = lax.axis_index("s") * NUM_CORES + lax.axis_index("c")
    base = wid * B_PER

    idesc = [
        pltpu.async_copy(fields[i].at[pl.ds(base, B_PER)], idx_v[i], isem)
        for i in range(N_FIELDS)
    ]
    for d in idesc:
        d.wait()

    gdesc = [None] * N_FIELDS
    sdesc = [None] * N_FIELDS
    gdesc[0] = pltpu.async_copy(tables[0].at[idx_v[0]], bufs[0], gsems[0])
    for i in range(N_FIELDS):
        b = i % 2
        gdesc[i].wait()
        sdesc[i] = pltpu.async_copy(
            bufs[b],
            out_hbm.at[pl.ds(base, B_PER), pl.ds(i * EMB, EMB)],
            ssems[b],
        )
        if i + 1 < N_FIELDS:
            nb = (i + 1) % 2
            if i >= 1:
                sdesc[i - 1].wait()
            gdesc[i + 1] = pltpu.async_copy(
                tables[i + 1].at[idx_v[i + 1]], bufs[nb], gsems[nb]
            )
    sdesc[N_FIELDS - 2].wait()
    sdesc[N_FIELDS - 1].wait()


def kernel(f00, f01, f02, f03, f04, f05, f06, f07, f08, f09, f10, f11, f12,
           f13, f14, f15, f16, f17, f18, f19, f20, f21, f22, f23, f24, f25,
           W_f00, W_f01, W_f02, W_f03, W_f04, W_f05, W_f06, W_f07, W_f08,
           W_f09, W_f10, W_f11, W_f12, W_f13, W_f14, W_f15, W_f16, W_f17,
           W_f18, W_f19, W_f20, W_f21, W_f22, W_f23, W_f24, W_f25):
    return _cat_embedding_sc(
        f00, f01, f02, f03, f04, f05, f06, f07, f08, f09, f10, f11, f12,
        f13, f14, f15, f16, f17, f18, f19, f20, f21, f22, f23, f24, f25,
        W_f00, W_f01, W_f02, W_f03, W_f04, W_f05, W_f06, W_f07, W_f08,
        W_f09, W_f10, W_f11, W_f12, W_f13, W_f14, W_f15, W_f16, W_f17,
        W_f18, W_f19, W_f20, W_f21, W_f22, W_f23, W_f24, W_f25,
    )

# --- scband reference (transcript-rebuilt; emitter-appended) ---
"""Pipeline reference for scband-cat-embedding-2929167696321 (READ-ONLY COPY).

The authoritative reference and input builder live on the scoring server;
editing this copy changes nothing except your own understanding.
"""

import jax, jax.numpy as jnp
import numpy as np

N_FIELDS = 26
VOCAB = 100000
EMB = 16
BATCH = 16384


def setup_inputs(seed: int = 0) -> dict:
    key = jax.random.key(seed)
    inp = {}
    for i in range(N_FIELDS):
        k_idx = jax.random.fold_in(key, i)
        inp['f%02d' % i] = jax.random.randint(k_idx, (BATCH,), 0, VOCAB)
    for i in range(N_FIELDS):
        k_w = jax.random.fold_in(key, 1000 + i)
        inp['W_f%02d' % i] = jax.random.normal(k_w, (VOCAB, EMB), dtype=jnp.float32) * 0.02
    return inp


def reference(f00, f01, f02, f03, f04, f05, f06, f07, f08, f09,
              f10, f11, f12, f13, f14, f15, f16, f17, f18, f19,
              f20, f21, f22, f23, f24, f25,
              W_f00, W_f01, W_f02, W_f03, W_f04, W_f05, W_f06, W_f07,
              W_f08, W_f09, W_f10, W_f11, W_f12, W_f13, W_f14, W_f15,
              W_f16, W_f17, W_f18, W_f19, W_f20, W_f21, W_f22, W_f23,
              W_f24, W_f25) -> jnp.ndarray:
    # Faithful translation of CatEmbedding.forward: per-column embedding lookup
    # followed by concatenation along the last axis (column order = f00..f25).
    kwargs = dict(locals())
    embs = []
    for i in range(N_FIELDS):
        table = kwargs['W_f%02d' % i]
        idx = kwargs['f%02d' % i]
        embs.append(jnp.take(table, idx, axis=0))
    return jnp.concatenate(embs, axis=-1)

if __name__ == "__main__":
    import jax
    _d = setup_inputs()
    print(jax.jit(kernel)(*tuple(_d.values())))

</pallas_src>

<mosaic_0001>
#map = affine_map<(d0, d1) -> (0)>
#map1 = affine_map<(d0, d1) -> (0, 0)>
module attributes {stable_mosaic.version = 14 : i64} {
  func.func @_cat_embedding_sc(%arg0: i32, %arg1: i32, %arg2: memref<16384xi32, #tpu.memory_space<hbm>>, %arg3: memref<16384xi32, #tpu.memory_space<hbm>>, %arg4: memref<16384xi32, #tpu.memory_space<hbm>>, %arg5: memref<16384xi32, #tpu.memory_space<hbm>>, %arg6: memref<16384xi32, #tpu.memory_space<hbm>>, %arg7: memref<16384xi32, #tpu.memory_space<hbm>>, %arg8: memref<16384xi32, #tpu.memory_space<hbm>>, %arg9: memref<16384xi32, #tpu.memory_space<hbm>>, %arg10: memref<16384xi32, #tpu.memory_space<hbm>>, %arg11: memref<16384xi32, #tpu.memory_space<hbm>>, %arg12: memref<16384xi32, #tpu.memory_space<hbm>>, %arg13: memref<16384xi32, #tpu.memory_space<hbm>>, %arg14: memref<16384xi32, #tpu.memory_space<hbm>>, %arg15: memref<16384xi32, #tpu.memory_space<hbm>>, %arg16: memref<16384xi32, #tpu.memory_space<hbm>>, %arg17: memref<16384xi32, #tpu.memory_space<hbm>>, %arg18: memref<16384xi32, #tpu.memory_space<hbm>>, %arg19: memref<16384xi32, #tpu.memory_space<hbm>>, %arg20: memref<16384xi32, #tpu.memory_space<hbm>>, %arg21: memref<16384xi32, #tpu.memory_space<hbm>>, %arg22: memref<16384xi32, #tpu.memory_space<hbm>>, %arg23: memref<16384xi32, #tpu.memory_space<hbm>>, %arg24: memref<16384xi32, #tpu.memory_space<hbm>>, %arg25: memref<16384xi32, #tpu.memory_space<hbm>>, %arg26: memref<16384xi32, #tpu.memory_space<hbm>>, %arg27: memref<16384xi32, #tpu.memory_space<hbm>>, %arg28: memref<100000x16xf32, #tpu.memory_space<hbm>>, %arg29: memref<100000x16xf32, #tpu.memory_space<hbm>>, %arg30: memref<100000x16xf32, #tpu.memory_space<hbm>>, %arg31: memref<100000x16xf32, #tpu.memory_space<hbm>>, %arg32: memref<100000x16xf32, #tpu.memory_space<hbm>>, %arg33: memref<100000x16xf32, #tpu.memory_space<hbm>>, %arg34: memref<100000x16xf32, #tpu.memory_space<hbm>>, %arg35: memref<100000x16xf32, #tpu.memory_space<hbm>>, %arg36: memref<100000x16xf32, #tpu.memory_space<hbm>>, %arg37: memref<100000x16xf32, #tpu.memory_space<hbm>>, %arg38: memref<100000x16xf32, #tpu.memory_space<hbm>>, %arg39: memref<100000x16xf32, #tpu.memory_space<hbm>>, %arg40: memref<100000x16xf32, #tpu.memory_space<hbm>>, %arg41: memref<100000x16xf32, #tpu.memory_space<hbm>>, %arg42: memref<100000x16xf32, #tpu.memory_space<hbm>>, %arg43: memref<100000x16xf32, #tpu.memory_space<hbm>>, %arg44: memref<100000x16xf32, #tpu.memory_space<hbm>>, %arg45: memref<100000x16xf32, #tpu.memory_space<hbm>>, %arg46: memref<100000x16xf32, #tpu.memory_space<hbm>>, %arg47: memref<100000x16xf32, #tpu.memory_space<hbm>>, %arg48: memref<100000x16xf32, #tpu.memory_space<hbm>>, %arg49: memref<100000x16xf32, #tpu.memory_space<hbm>>, %arg50: memref<100000x16xf32, #tpu.memory_space<hbm>>, %arg51: memref<100000x16xf32, #tpu.memory_space<hbm>>, %arg52: memref<100000x16xf32, #tpu.memory_space<hbm>>, %arg53: memref<100000x16xf32, #tpu.memory_space<hbm>>, %arg54: memref<16384x416xf32, #tpu.memory_space<hbm>>, %arg55: memref<512xi32, #tpu.memory_space<vmem>>, %arg56: memref<512xi32, #tpu.memory_space<vmem>>, %arg57: memref<512xi32, #tpu.memory_space<vmem>>, %arg58: memref<512xi32, #tpu.memory_space<vmem>>, %arg59: memref<512xi32, #tpu.memory_space<vmem>>, %arg60: memref<512xi32, #tpu.memory_space<vmem>>, %arg61: memref<512xi32, #tpu.memory_space<vmem>>, %arg62: memref<512xi32, #tpu.memory_space<vmem>>, %arg63: memref<512xi32, #tpu.memory_space<vmem>>, %arg64: memref<512xi32, #tpu.memory_space<vmem>>, %arg65: memref<512xi32, #tpu.memory_space<vmem>>, %arg66: memref<512xi32, #tpu.memory_space<vmem>>, %arg67: memref<512xi32, #tpu.memory_space<vmem>>, %arg68: memref<512xi32, #tpu.memory_space<vmem>>, %arg69: memref<512xi32, #tpu.memory_space<vmem>>, %arg70: memref<512xi32, #tpu.memory_space<vmem>>, %arg71: memref<512xi32, #tpu.memory_space<vmem>>, %arg72: memref<512xi32, #tpu.memory_space<vmem>>, %arg73: memref<512xi32, #tpu.memory_space<vmem>>, %arg74: memref<512xi32, #tpu.memory_space<vmem>>, %arg75: memref<512xi32, #tpu.memory_space<vmem>>, %arg76: memref<512xi32, #tpu.memory_space<vmem>>, %arg77: memref<512xi32, #tpu.memory_space<vmem>>, %arg78: memref<512xi32, #tpu.memory_space<vmem>>, %arg79: memref<512xi32, #tpu.memory_space<vmem>>, %arg80: memref<512xi32, #tpu.memory_space<vmem>>, %arg81: memref<512x16xf32, #tpu.memory_space<vmem>>, %arg82: memref<512x16xf32, #tpu.memory_space<vmem>>, %arg83: memref<!tpu.dma_semaphore, #tpu.memory_space<semaphore_mem>>, %arg84: memref<!tpu.dma_semaphore, #tpu.memory_space<semaphore_mem>>, %arg85: memref<!tpu.dma_semaphore, #tpu.memory_space<semaphore_mem>>, %arg86: memref<!tpu.dma_semaphore, #tpu.memory_space<semaphore_mem>>, %arg87: memref<!tpu.dma_semaphore, #tpu.memory_space<semaphore_mem>>) attributes {dimension_semantics = [#tpu.dimension_semantics<core_parallel>, #tpu.dimension_semantics<subcore_parallel>], iteration_bounds = array<i64: 2, 16>, scalar_prefetch = 0 : i64, scratch_operands = 33 : i64, tpu.core_type = #tpu.core_type<sc_vector_subcore>, window_params = [{transform_indices = #map}, {transform_indices = #map}, {transform_indices = #map}, {transform_indices = #map}, {transform_indices = #map}, {transform_indices = #map}, {transform_indices = #map}, {transform_indices = #map}, {transform_indices = #map}, {transform_indices = #map}, {transform_indices = #map}, {transform_indices = #map}, {transform_indices = #map}, {transform_indices = #map}, {transform_indices = #map}, {transform_indices = #map}, {transform_indices = #map}, {transform_indices = #map}, {transform_indices = #map}, {transform_indices = #map}, {transform_indices = #map}, {transform_indices = #map}, {transform_indices = #map}, {transform_indices = #map}, {transform_indices = #map}, {transform_indices = #map}, {transform_indices = #map1}, {transform_indices = #map1}, {transform_indices = #map1}, {transform_indices = #map1}, {transform_indices = #map1}, {transform_indices = #map1}, {transform_indices = #map1}, {transform_indices = #map1}, {transform_indices = #map1}, {transform_indices = #map1}, {transform_indices = #map1}, {transform_indices = #map1}, {transform_indices = #map1}, {transform_indices = #map1}, {transform_indices = #map1}, {transform_indices = #map1}, {transform_indices = #map1}, {transform_indices = #map1}, {transform_indices = #map1}, {transform_indices = #map1}, {transform_indices = #map1}, {transform_indices = #map1}, {transform_indices = #map1}, {transform_indices = #map1}, {transform_indices = #map1}, {transform_indices = #map1}, {transform_indices = #map1}]} {
    %mul3A = arith.constant 2 : i32
    %mul3A_0 = arith.muli %arg1, %mul3A : i32
    %add3A = arith.addi %mul3A_0, %arg0 : i32
    %mul3A_1 = arith.constant 512 : i32
    %mul3A_2 = arith.muli %add3A, %mul3A_1 : i32
    %dma_start3A = tpu.memref_slice %arg2[%mul3A_2] : memref<16384xi32, #tpu.memory_space<hbm>> -> memref<512xi32, #tpu.memory_space<hbm>>
    %dma_start3A_3 = tpu.memref_slice %arg2[%mul3A_2] : memref<16384xi32, #tpu.memory_space<hbm>> -> memref<512xi32, #tpu.memory_space<hbm>>
    tpu.enqueue_dma source(%dma_start3A_3 : memref<512xi32, #tpu.memory_space<hbm>>) target(%arg55 : memref<512xi32, #tpu.memory_space<vmem>>) target_semaphore(%arg87 : memref<!tpu.dma_semaphore, #tpu.memory_space<semaphore_mem>>)
    %dma_start3A_4 = tpu.memref_slice %arg3[%mul3A_2] : memref<16384xi32, #tpu.memory_space<hbm>> -> memref<512xi32, #tpu.memory_space<hbm>>
    %dma_start3A_5 = tpu.memref_slice %arg3[%mul3A_2] : memref<16384xi32, #tpu.memory_space<hbm>> -> memref<512xi32, #tpu.memory_space<hbm>>
    tpu.enqueue_dma source(%dma_start3A_5 : memref<512xi32, #tpu.memory_space<hbm>>) target(%arg56 : memref<512xi32, #tpu.memory_space<vmem>>) target_semaphore(%arg87 : memref<!tpu.dma_semaphore, #tpu.memory_space<semaphore_mem>>)
    %dma_start3A_6 = tpu.memref_slice %arg4[%mul3A_2] : memref<16384xi32, #tpu.memory_space<hbm>> -> memref<512xi32, #tpu.memory_space<hbm>>
    %dma_start3A_7 = tpu.memref_slice %arg4[%mul3A_2] : memref<16384xi32, #tpu.memory_space<hbm>> -> memref<512xi32, #tpu.memory_space<hbm>>
    tpu.enqueue_dma source(%dma_start3A_7 : memref<512xi32, #tpu.memory_space<hbm>>) target(%arg57 : memref<512xi32, #tpu.memory_space<vmem>>) target_semaphore(%arg87 : memref<!tpu.dma_semaphore, #tpu.memory_space<semaphore_mem>>)
    %dma_start3A_8 = tpu.memref_slice %arg5[%mul3A_2] : memref<16384xi32, #tpu.memory_space<hbm>> -> memref<512xi32, #tpu.memory_space<hbm>>
    %dma_start3A_9 = tpu.memref_slice %arg5[%mul3A_2] : memref<16384xi32, #tpu.memory_space<hbm>> -> memref<512xi32, #tpu.memory_space<hbm>>
    tpu.enqueue_dma source(%dma_start3A_9 : memref<512xi32, #tpu.memory_space<hbm>>) target(%arg58 : memref<512xi32, #tpu.memory_space<vmem>>) target_semaphore(%arg87 : memref<!tpu.dma_semaphore, #tpu.memory_space<semaphore_mem>>)
    %dma_start3A_10 = tpu.memref_slice %arg6[%mul3A_2] : memref<16384xi32, #tpu.memory_space<hbm>> -> memref<512xi32, #tpu.memory_space<hbm>>
    %dma_start3A_11 = tpu.memref_slice %arg6[%mul3A_2] : memref<16384xi32, #tpu.memory_space<hbm>> -> memref<512xi32, #tpu.memory_space<hbm>>
    tpu.enqueue_dma source(%dma_start3A_11 : memref<512xi32, #tpu.memory_space<hbm>>) target(%arg59 : memref<512xi32, #tpu.memory_space<vmem>>) target_semaphore(%arg87 : memref<!tpu.dma_semaphore, #tpu.memory_space<semaphore_mem>>)
    %dma_start3A_12 = tpu.memref_slice %arg7[%mul3A_2] : memref<16384xi32, #tpu.memory_space<hbm>> -> memref<512xi32, #tpu.memory_space<hbm>>
    %dma_start3A_13 = tpu.memref_slice %arg7[%mul3A_2] : memref<16384xi32, #tpu.memory_space<hbm>> -> memref<512xi32, #tpu.memory_space<hbm>>
    tpu.enqueue_dma source(%dma_start3A_13 : memref<512xi32, #tpu.memory_space<hbm>>) target(%arg60 : memref<512xi32, #tpu.memory_space<vmem>>) target_semaphore(%arg87 : memref<!tpu.dma_semaphore, #tpu.memory_space<semaphore_mem>>)
    %dma_start3A_14 = tpu.memref_slice %arg8[%mul3A_2] : memref<16384xi32, #tpu.memory_space<hbm>> -> memref<512xi32, #tpu.memory_space<hbm>>
    %dma_start3A_15 = tpu.memref_slice %arg8[%mul3A_2] : memref<16384xi32, #tpu.memory_space<hbm>> -> memref<512xi32, #tpu.memory_space<hbm>>
    tpu.enqueue_dma source(%dma_start3A_15 : memref<512xi32, #tpu.memory_space<hbm>>) target(%arg61 : memref<512xi32, #tpu.memory_space<vmem>>) target_semaphore(%arg87 : memref<!tpu.dma_semaphore, #tpu.memory_space<semaphore_mem>>)
    %dma_start3A_16 = tpu.memref_slice %arg9[%mul3A_2] : memref<16384xi32, #tpu.memory_space<hbm>> -> memref<512xi32, #tpu.memory_space<hbm>>
    %dma_start3A_17 = tpu.memref_slice %arg9[%mul3A_2] : memref<16384xi32, #tpu.memory_space<hbm>> -> memref<512xi32, #tpu.memory_space<hbm>>
    tpu.enqueue_dma source(%dma_start3A_17 : memref<512xi32, #tpu.memory_space<hbm>>) target(%arg62 : memref<512xi32, #tpu.memory_space<vmem>>) target_semaphore(%arg87 : memref<!tpu.dma_semaphore, #tpu.memory_space<semaphore_mem>>)
    %dma_start3A_18 = tpu.memref_slice %arg10[%mul3A_2] : memref<16384xi32, #tpu.memory_space<hbm>> -> memref<512xi32, #tpu.memory_space<hbm>>
    %dma_start3A_19 = tpu.memref_slice %arg10[%mul3A_2] : memref<16384xi32, #tpu.memory_space<hbm>> -> memref<512xi32, #tpu.memory_space<hbm>>
    tpu.enqueue_dma source(%dma_start3A_19 : memref<512xi32, #tpu.memory_space<hbm>>) target(%arg63 : memref<512xi32, #tpu.memory_space<vmem>>) target_semaphore(%arg87 : memref<!tpu.dma_semaphore, #tpu.memory_space<semaphore_mem>>)
    %dma_start3A_20 = tpu.memref_slice %arg11[%mul3A_2] : memref<16384xi32, #tpu.memory_space<hbm>> -> memref<512xi32, #tpu.memory_space<hbm>>
    %dma_start3A_21 = tpu.memref_slice %arg11[%mul3A_2] : memref<16384xi32, #tpu.memory_space<hbm>> -> memref<512xi32, #tpu.memory_space<hbm>>
    tpu.enqueue_dma source(%dma_start3A_21 : memref<512xi32, #tpu.memory_space<hbm>>) target(%arg64 : memref<512xi32, #tpu.memory_space<vmem>>) target_semaphore(%arg87 : memref<!tpu.dma_semaphore, #tpu.memory_space<semaphore_mem>>)
    %dma_start3A_22 = tpu.memref_slice %arg12[%mul3A_2] : memref<16384xi32, #tpu.memory_space<hbm>> -> memref<512xi32, #tpu.memory_space<hbm>>
    %dma_start3A_23 = tpu.memref_slice %arg12[%mul3A_2] : memref<16384xi32, #tpu.memory_space<hbm>> -> memref<512xi32, #tpu.memory_space<hbm>>
    tpu.enqueue_dma source(%dma_start3A_23 : memref<512xi32, #tpu.memory_space<hbm>>) target(%arg65 : memref<512xi32, #tpu.memory_space<vmem>>) target_semaphore(%arg87 : memref<!tpu.dma_semaphore, #tpu.memory_space<semaphore_mem>>)
    %dma_start3A_24 = tpu.memref_slice %arg13[%mul3A_2] : memref<16384xi32, #tpu.memory_space<hbm>> -> memref<512xi32, #tpu.memory_space<hbm>>
    %dma_start3A_25 = tpu.memref_slice %arg13[%mul3A_2] : memref<16384xi32, #tpu.memory_space<hbm>> -> memref<512xi32, #tpu.memory_space<hbm>>
    tpu.enqueue_dma source(%dma_start3A_25 : memref<512xi32, #tpu.memory_space<hbm>>) target(%arg66 : memref<512xi32, #tpu.memory_space<vmem>>) target_semaphore(%arg87 : memref<!tpu.dma_semaphore, #tpu.memory_space<semaphore_mem>>)
    %dma_start3A_26 = tpu.memref_slice %arg14[%mul3A_2] : memref<16384xi32, #tpu.memory_space<hbm>> -> memref<512xi32, #tpu.memory_space<hbm>>
    %dma_start3A_27 = tpu.memref_slice %arg14[%mul3A_2] : memref<16384xi32, #tpu.memory_space<hbm>> -> memref<512xi32, #tpu.memory_space<hbm>>
    tpu.enqueue_dma source(%dma_start3A_27 : memref<512xi32, #tpu.memory_space<hbm>>) target(%arg67 : memref<512xi32, #tpu.memory_space<vmem>>) target_semaphore(%arg87 : memref<!tpu.dma_semaphore, #tpu.memory_space<semaphore_mem>>)
    %dma_start3A_28 = tpu.memref_slice %arg15[%mul3A_2] : memref<16384xi32, #tpu.memory_space<hbm>> -> memref<512xi32, #tpu.memory_space<hbm>>
    %dma_start3A_29 = tpu.memref_slice %arg15[%mul3A_2] : memref<16384xi32, #tpu.memory_space<hbm>> -> memref<512xi32, #tpu.memory_space<hbm>>
    tpu.enqueue_dma source(%dma_start3A_29 : memref<512xi32, #tpu.memory_space<hbm>>) target(%arg68 : memref<512xi32, #tpu.memory_space<vmem>>) target_semaphore(%arg87 : memref<!tpu.dma_semaphore, #tpu.memory_space<semaphore_mem>>)
    %dma_start3A_30 = tpu.memref_slice %arg16[%mul3A_2] : memref<16384xi32, #tpu.memory_space<hbm>> -> memref<512xi32, #tpu.memory_space<hbm>>
    %dma_start3A_31 = tpu.memref_slice %arg16[%mul3A_2] : memref<16384xi32, #tpu.memory_space<hbm>> -> memref<512xi32, #tpu.memory_space<hbm>>
    tpu.enqueue_dma source(%dma_start3A_31 : memref<512xi32, #tpu.memory_space<hbm>>) target(%arg69 : memref<512xi32, #tpu.memory_space<vmem>>) target_semaphore(%arg87 : memref<!tpu.dma_semaphore, #tpu.memory_space<semaphore_mem>>)
    %dma_start3A_32 = tpu.memref_slice %arg17[%mul3A_2] : memref<16384xi32, #tpu.memory_space<hbm>> -> memref<512xi32, #tpu.memory_space<hbm>>
    %dma_start3A_33 = tpu.memref_slice %arg17[%mul3A_2] : memref<16384xi32, #tpu.memory_space<hbm>> -> memref<512xi32, #tpu.memory_space<hbm>>
    tpu.enqueue_dma source(%dma_start3A_33 : memref<512xi32, #tpu.memory_space<hbm>>) target(%arg70 : memref<512xi32, #tpu.memory_space<vmem>>) target_semaphore(%arg87 : memref<!tpu.dma_semaphore, #tpu.memory_space<semaphore_mem>>)
    %dma_start3A_34 = tpu.memref_slice %arg18[%mul3A_2] : memref<16384xi32, #tpu.memory_space<hbm>> -> memref<512xi32, #tpu.memory_space<hbm>>
    %dma_start3A_35 = tpu.memref_slice %arg18[%mul3A_2] : memref<16384xi32, #tpu.memory_space<hbm>> -> memref<512xi32, #tpu.memory_space<hbm>>
    tpu.enqueue_dma source(%dma_start3A_35 : memref<512xi32, #tpu.memory_space<hbm>>) target(%arg71 : memref<512xi32, #tpu.memory_space<vmem>>) target_semaphore(%arg87 : memref<!tpu.dma_semaphore, #tpu.memory_space<semaphore_mem>>)
    %dma_start3A_36 = tpu.memref_slice %arg19[%mul3A_2] : memref<16384xi32, #tpu.memory_space<hbm>> -> memref<512xi32, #tpu.memory_space<hbm>>
    %dma_start3A_37 = tpu.memref_slice %arg19[%mul3A_2] : memref<16384xi32, #tpu.memory_space<hbm>> -> memref<512xi32, #tpu.memory_space<hbm>>
    tpu.enqueue_dma source(%dma_start3A_37 : memref<512xi32, #tpu.memory_space<hbm>>) target(%arg72 : memref<512xi32, #tpu.memory_space<vmem>>) target_semaphore(%arg87 : memref<!tpu.dma_semaphore, #tpu.memory_space<semaphore_mem>>)
    %dma_start3A_38 = tpu.memref_slice %arg20[%mul3A_2] : memref<16384xi32, #tpu.memory_space<hbm>> -> memref<512xi32, #tpu.memory_space<hbm>>
    %dma_start3A_39 = tpu.memref_slice %arg20[%mul3A_2] : memref<16384xi32, #tpu.memory_space<hbm>> -> memref<512xi32, #tpu.memory_space<hbm>>
    tpu.enqueue_dma source(%dma_start3A_39 : memref<512xi32, #tpu.memory_space<hbm>>) target(%arg73 : memref<512xi32, #tpu.memory_space<vmem>>) target_semaphore(%arg87 : memref<!tpu.dma_semaphore, #tpu.memory_space<semaphore_mem>>)
    %dma_start3A_40 = tpu.memref_slice %arg21[%mul3A_2] : memref<16384xi32, #tpu.memory_space<hbm>> -> memref<512xi32, #tpu.memory_space<hbm>>
    %dma_start3A_41 = tpu.memref_slice %arg21[%mul3A_2] : memref<16384xi32, #tpu.memory_space<hbm>> -> memref<512xi32, #tpu.memory_space<hbm>>
    tpu.enqueue_dma source(%dma_start3A_41 : memref<512xi32, #tpu.memory_space<hbm>>) target(%arg74 : memref<512xi32, #tpu.memory_space<vmem>>) target_semaphore(%arg87 : memref<!tpu.dma_semaphore, #tpu.memory_space<semaphore_mem>>)
    %dma_start3A_42 = tpu.memref_slice %arg22[%mul3A_2] : memref<16384xi32, #tpu.memory_space<hbm>> -> memref<512xi32, #tpu.memory_space<hbm>>
    %dma_start3A_43 = tpu.memref_slice %arg22[%mul3A_2] : memref<16384xi32, #tpu.memory_space<hbm>> -> memref<512xi32, #tpu.memory_space<hbm>>
    tpu.enqueue_dma source(%dma_start3A_43 : memref<512xi32, #tpu.memory_space<hbm>>) target(%arg75 : memref<512xi32, #tpu.memory_space<vmem>>) target_semaphore(%arg87 : memref<!tpu.dma_semaphore, #tpu.memory_space<semaphore_mem>>)
    %dma_start3A_44 = tpu.memref_slice %arg23[%mul3A_2] : memref<16384xi32, #tpu.memory_space<hbm>> -> memref<512xi32, #tpu.memory_space<hbm>>
    %dma_start3A_45 = tpu.memref_slice %arg23[%mul3A_2] : memref<16384xi32, #tpu.memory_space<hbm>> -> memref<512xi32, #tpu.memory_space<hbm>>
    tpu.enqueue_dma source(%dma_start3A_45 : memref<512xi32, #tpu.memory_space<hbm>>) target(%arg76 : memref<512xi32, #tpu.memory_space<vmem>>) target_semaphore(%arg87 : memref<!tpu.dma_semaphore, #tpu.memory_space<semaphore_mem>>)
    %dma_start3A_46 = tpu.memref_slice %arg24[%mul3A_2] : memref<16384xi32, #tpu.memory_space<hbm>> -> memref<512xi32, #tpu.memory_space<hbm>>
    %dma_start3A_47 = tpu.memref_slice %arg24[%mul3A_2] : memref<16384xi32, #tpu.memory_space<hbm>> -> memref<512xi32, #tpu.memory_space<hbm>>
    tpu.enqueue_dma source(%dma_start3A_47 : memref<512xi32, #tpu.memory_space<hbm>>) target(%arg77 : memref<512xi32, #tpu.memory_space<vmem>>) target_semaphore(%arg87 : memref<!tpu.dma_semaphore, #tpu.memory_space<semaphore_mem>>)
    %dma_start3A_48 = tpu.memref_slice %arg25[%mul3A_2] : memref<16384xi32, #tpu.memory_space<hbm>> -> memref<512xi32, #tpu.memory_space<hbm>>
    %dma_start3A_49 = tpu.memref_slice %arg25[%mul3A_2] : memref<16384xi32, #tpu.memory_space<hbm>> -> memref<512xi32, #tpu.memory_space<hbm>>
    tpu.enqueue_dma source(%dma_start3A_49 : memref<512xi32, #tpu.memory_space<hbm>>) target(%arg78 : memref<512xi32, #tpu.memory_space<vmem>>) target_semaphore(%arg87 : memref<!tpu.dma_semaphore, #tpu.memory_space<semaphore_mem>>)
    %dma_start3A_50 = tpu.memref_slice %arg26[%mul3A_2] : memref<16384xi32, #tpu.memory_space<hbm>> -> memref<512xi32, #tpu.memory_space<hbm>>
    %dma_start3A_51 = tpu.memref_slice %arg26[%mul3A_2] : memref<16384xi32, #tpu.memory_space<hbm>> -> memref<512xi32, #tpu.memory_space<hbm>>
    tpu.enqueue_dma source(%dma_start3A_51 : memref<512xi32, #tpu.memory_space<hbm>>) target(%arg79 : memref<512xi32, #tpu.memory_space<vmem>>) target_semaphore(%arg87 : memref<!tpu.dma_semaphore, #tpu.memory_space<semaphore_mem>>)
    %dma_start3A_52 = tpu.memref_slice %arg27[%mul3A_2] : memref<16384xi32, #tpu.memory_space<hbm>> -> memref<512xi32, #tpu.memory_space<hbm>>
    %dma_start3A_53 = tpu.memref_slice %arg27[%mul3A_2] : memref<16384xi32, #tpu.memory_space<hbm>> -> memref<512xi32, #tpu.memory_space<hbm>>
    tpu.enqueue_dma source(%dma_start3A_53 : memref<512xi32, #tpu.memory_space<hbm>>) target(%arg80 : memref<512xi32, #tpu.memory_space<vmem>>) target_semaphore(%arg87 : memref<!tpu.dma_semaphore, #tpu.memory_space<semaphore_mem>>)
    %dma_wait3A = tpu.memref_slice %arg2[%mul3A_2] : memref<16384xi32, #tpu.memory_space<hbm>> -> memref<512xi32, #tpu.memory_space<hbm>>
    %dma_wait3A_54 = tpu.memref_slice %arg2[%mul3A_2] : memref<16384xi32, #tpu.memory_space<hbm>> -> memref<512xi32, #tpu.memory_space<hbm>>
    tpu.wait_dma2 semaphore(%arg87 : memref<!tpu.dma_semaphore, #tpu.memory_space<semaphore_mem>>) src(%dma_wait3A_54 : memref<512xi32, #tpu.memory_space<hbm>>) dst(%arg55 : memref<512xi32, #tpu.memory_space<vmem>>)
    %dma_wait3A_55 = tpu.memref_slice %arg3[%mul3A_2] : memref<16384xi32, #tpu.memory_space<hbm>> -> memref<512xi32, #tpu.memory_space<hbm>>
    %dma_wait3A_56 = tpu.memref_slice %arg3[%mul3A_2] : memref<16384xi32, #tpu.memory_space<hbm>> -> memref<512xi32, #tpu.memory_space<hbm>>
    tpu.wait_dma2 semaphore(%arg87 : memref<!tpu.dma_semaphore, #tpu.memory_space<semaphore_mem>>) src(%dma_wait3A_56 : memref<512xi32, #tpu.memory_space<hbm>>) dst(%arg56 : memref<512xi32, #tpu.memory_space<vmem>>)
    %dma_wait3A_57 = tpu.memref_slice %arg4[%mul3A_2] : memref<16384xi32, #tpu.memory_space<hbm>> -> memref<512xi32, #tpu.memory_space<hbm>>
    %dma_wait3A_58 = tpu.memref_slice %arg4[%mul3A_2] : memref<16384xi32, #tpu.memory_space<hbm>> -> memref<512xi32, #tpu.memory_space<hbm>>
    tpu.wait_dma2 semaphore(%arg87 : memref<!tpu.dma_semaphore, #tpu.memory_space<semaphore_mem>>) src(%dma_wait3A_58 : memref<512xi32, #tpu.memory_space<hbm>>) dst(%arg57 : memref<512xi32, #tpu.memory_space<vmem>>)
    %dma_wait3A_59 = tpu.memref_slice %arg5[%mul3A_2] : memref<16384xi32, #tpu.memory_space<hbm>> -> memref<512xi32, #tpu.memory_space<hbm>>
    %dma_wait3A_60 = tpu.memref_slice %arg5[%mul3A_2] : memref<16384xi32, #tpu.memory_space<hbm>> -> memref<512xi32, #tpu.memory_space<hbm>>
    tpu.wait_dma2 semaphore(%arg87 : memref<!tpu.dma_semaphore, #tpu.memory_space<semaphore_mem>>) src(%dma_wait3A_60 : memref<512xi32, #tpu.memory_space<hbm>>) dst(%arg58 : memref<512xi32, #tpu.memory_space<vmem>>)
    %dma_wait3A_61 = tpu.memref_slice %arg6[%mul3A_2] : memref<16384xi32, #tpu.memory_space<hbm>> -> memref<512xi32, #tpu.memory_space<hbm>>
    %dma_wait3A_62 = tpu.memref_slice %arg6[%mul3A_2] : memref<16384xi32, #tpu.memory_space<hbm>> -> memref<512xi32, #tpu.memory_space<hbm>>
    tpu.wait_dma2 semaphore(%arg87 : memref<!tpu.dma_semaphore, #tpu.memory_space<semaphore_mem>>) src(%dma_wait3A_62 : memref<512xi32, #tpu.memory_space<hbm>>) dst(%arg59 : memref<512xi32, #tpu.memory_space<vmem>>)
    %dma_wait3A_63 = tpu.memref_slice %arg7[%mul3A_2] : memref<16384xi32, #tpu.memory_space<hbm>> -> memref<512xi32, #tpu.memory_space<hbm>>
    %dma_wait3A_64 = tpu.memref_slice %arg7[%mul3A_2] : memref<16384xi32, #tpu.memory_space<hbm>> -> memref<512xi32, #tpu.memory_space<hbm>>
    tpu.wait_dma2 semaphore(%arg87 : memref<!tpu.dma_semaphore, #tpu.memory_space<semaphore_mem>>) src(%dma_wait3A_64 : memref<512xi32, #tpu.memory_space<hbm>>) dst(%arg60 : memref<512xi32, #tpu.memory_space<vmem>>)
    %dma_wait3A_65 = tpu.memref_slice %arg8[%mul3A_2] : memref<16384xi32, #tpu.memory_space<hbm>> -> memref<512xi32, #tpu.memory_space<hbm>>
    %dma_wait3A_66 = tpu.memref_slice %arg8[%mul3A_2] : memref<16384xi32, #tpu.memory_space<hbm>> -> memref<512xi32, #tpu.memory_space<hbm>>
    tpu.wait_dma2 semaphore(%arg87 : memref<!tpu.dma_semaphore, #tpu.memory_space<semaphore_mem>>) src(%dma_wait3A_66 : memref<512xi32, #tpu.memory_space<hbm>>) dst(%arg61 : memref<512xi32, #tpu.memory_space<vmem>>)
    %dma_wait3A_67 = tpu.memref_slice %arg9[%mul3A_2] : memref<16384xi32, #tpu.memory_space<hbm>> -> memref<512xi32, #tpu.memory_space<hbm>>
    %dma_wait3A_68 = tpu.memref_slice %arg9[%mul3A_2] : memref<16384xi32, #tpu.memory_space<hbm>> -> memref<512xi32, #tpu.memory_space<hbm>>
    tpu.wait_dma2 semaphore(%arg87 : memref<!tpu.dma_semaphore, #tpu.memory_space<semaphore_mem>>) src(%dma_wait3A_68 : memref<512xi32, #tpu.memory_space<hbm>>) dst(%arg62 : memref<512xi32, #tpu.memory_space<vmem>>)
    %dma_wait3A_69 = tpu.memref_slice %arg10[%mul3A_2] : memref<16384xi32, #tpu.memory_space<hbm>> -> memref<512xi32, #tpu.memory_space<hbm>>
    %dma_wait3A_70 = tpu.memref_slice %arg10[%mul3A_2] : memref<16384xi32, #tpu.memory_space<hbm>> -> memref<512xi32, #tpu.memory_space<hbm>>
    tpu.wait_dma2 semaphore(%arg87 : memref<!tpu.dma_semaphore, #tpu.memory_space<semaphore_mem>>) src(%dma_wait3A_70 : memref<512xi32, #tpu.memory_space<hbm>>) dst(%arg63 : memref<512xi32, #tpu.memory_space<vmem>>)
    %dma_wait3A_71 = tpu.memref_slice %arg11[%mul3A_2] : memref<16384xi32, #tpu.memory_space<hbm>> -> memref<512xi32, #tpu.memory_space<hbm>>
    %dma_wait3A_72 = tpu.memref_slice %arg11[%mul3A_2] : memref<16384xi32, #tpu.memory_space<hbm>> -> memref<512xi32, #tpu.memory_space<hbm>>
    tpu.wait_dma2 semaphore(%arg87 : memref<!tpu.dma_semaphore, #tpu.memory_space<semaphore_mem>>) src(%dma_wait3A_72 : memref<512xi32, #tpu.memory_space<hbm>>) dst(%arg64 : memref<512xi32, #tpu.memory_space<vmem>>)
    %dma_wait3A_73 = tpu.memref_slice %arg12[%mul3A_2] : memref<16384xi32, #tpu.memory_space<hbm>> -> memref<512xi32, #tpu.memory_space<hbm>>
    %dma_wait3A_74 = tpu.memref_slice %arg12[%mul3A_2] : memref<16384xi32, #tpu.memory_space<hbm>> -> memref<512xi32, #tpu.memory_space<hbm>>
    tpu.wait_dma2 semaphore(%arg87 : memref<!tpu.dma_semaphore, #tpu.memory_space<semaphore_mem>>) src(%dma_wait3A_74 : memref<512xi32, #tpu.memory_space<hbm>>) dst(%arg65 : memref<512xi32, #tpu.memory_space<vmem>>)
    %dma_wait3A_75 = tpu.memref_slice %arg13[%mul3A_2] : memref<16384xi32, #tpu.memory_space<hbm>> -> memref<512xi32, #tpu.memory_space<hbm>>
    %dma_wait3A_76 = tpu.memref_slice %arg13[%mul3A_2] : memref<16384xi32, #tpu.memory_space<hbm>> -> memref<512xi32, #tpu.memory_space<hbm>>
    tpu.wait_dma2 semaphore(%arg87 : memref<!tpu.dma_semaphore, #tpu.memory_space<semaphore_mem>>) src(%dma_wait3A_76 : memref<512xi32, #tpu.memory_space<hbm>>) dst(%arg66 : memref<512xi32, #tpu.memory_space<vmem>>)
    %dma_wait3A_77 = tpu.memref_slice %arg14[%mul3A_2] : memref<16384xi32, #tpu.memory_space<hbm>> -> memref<512xi32, #tpu.memory_space<hbm>>
    %dma_wait3A_78 = tpu.memref_slice %arg14[%mul3A_2] : memref<16384xi32, #tpu.memory_space<hbm>> -> memref<512xi32, #tpu.memory_space<hbm>>
    tpu.wait_dma2 semaphore(%arg87 : memref<!tpu.dma_semaphore, #tpu.memory_space<semaphore_mem>>) src(%dma_wait3A_78 : memref<512xi32, #tpu.memory_space<hbm>>) dst(%arg67 : memref<512xi32, #tpu.memory_space<vmem>>)
    %dma_wait3A_79 = tpu.memref_slice %arg15[%mul3A_2] : memref<16384xi32, #tpu.memory_space<hbm>> -> memref<512xi32, #tpu.memory_space<hbm>>
    %dma_wait3A_80 = tpu.memref_slice %arg15[%mul3A_2] : memref<16384xi32, #tpu.memory_space<hbm>> -> memref<512xi32, #tpu.memory_space<hbm>>
    tpu.wait_dma2 semaphore(%arg87 : memref<!tpu.dma_semaphore, #tpu.memory_space<semaphore_mem>>) src(%dma_wait3A_80 : memref<512xi32, #tpu.memory_space<hbm>>) dst(%arg68 : memref<512xi32, #tpu.memory_space<vmem>>)
    %dma_wait3A_81 = tpu.memref_slice %arg16[%mul3A_2] : memref<16384xi32, #tpu.memory_space<hbm>> -> memref<512xi32, #tpu.memory_space<hbm>>
    %dma_wait3A_82 = tpu.memref_slice %arg16[%mul3A_2] : memref<16384xi32, #tpu.memory_space<hbm>> -> memref<512xi32, #tpu.memory_space<hbm>>
    tpu.wait_dma2 semaphore(%arg87 : memref<!tpu.dma_semaphore, #tpu.memory_space<semaphore_mem>>) src(%dma_wait3A_82 : memref<512xi32, #tpu.memory_space<hbm>>) dst(%arg69 : memref<512xi32, #tpu.memory_space<vmem>>)
    %dma_wait3A_83 = tpu.memref_slice %arg17[%mul3A_2] : memref<16384xi32, #tpu.memory_space<hbm>> -> memref<512xi32, #tpu.memory_space<hbm>>
    %dma_wait3A_84 = tpu.memref_slice %arg17[%mul3A_2] : memref<16384xi32, #tpu.memory_space<hbm>> -> memref<512xi32, #tpu.memory_space<hbm>>
    tpu.wait_dma2 semaphore(%arg87 : memref<!tpu.dma_semaphore, #tpu.memory_space<semaphore_mem>>) src(%dma_wait3A_84 : memref<512xi32, #tpu.memory_space<hbm>>) dst(%arg70 : memref<512xi32, #tpu.memory_space<vmem>>)
    %dma_wait3A_85 = tpu.memref_slice %arg18[%mul3A_2] : memref<16384xi32, #tpu.memory_space<hbm>> -> memref<512xi32, #tpu.memory_space<hbm>>
    %dma_wait3A_86 = tpu.memref_slice %arg18[%mul3A_2] : memref<16384xi32, #tpu.memory_space<hbm>> -> memref<512xi32, #tpu.memory_space<hbm>>
    tpu.wait_dma2 semaphore(%arg87 : memref<!tpu.dma_semaphore, #tpu.memory_space<semaphore_mem>>) src(%dma_wait3A_86 : memref<512xi32, #tpu.memory_space<hbm>>) dst(%arg71 : memref<512xi32, #tpu.memory_space<vmem>>)
    %dma_wait3A_87 = tpu.memref_slice %arg19[%mul3A_2] : memref<16384xi32, #tpu.memory_space<hbm>> -> memref<512xi32, #tpu.memory_space<hbm>>
    %dma_wait3A_88 = tpu.memref_slice %arg19[%mul3A_2] : memref<16384xi32, #tpu.memory_space<hbm>> -> memref<512xi32, #tpu.memory_space<hbm>>
    tpu.wait_dma2 semaphore(%arg87 : memref<!tpu.dma_semaphore, #tpu.memory_space<semaphore_mem>>) src(%dma_wait3A_88 : memref<512xi32, #tpu.memory_space<hbm>>) dst(%arg72 : memref<512xi32, #tpu.memory_space<vmem>>)
    %dma_wait3A_89 = tpu.memref_slice %arg20[%mul3A_2] : memref<16384xi32, #tpu.memory_space<hbm>> -> memref<512xi32, #tpu.memory_space<hbm>>
    %dma_wait3A_90 = tpu.memref_slice %arg20[%mul3A_2] : memref<16384xi32, #tpu.memory_space<hbm>> -> memref<512xi32, #tpu.memory_space<hbm>>
    tpu.wait_dma2 semaphore(%arg87 : memref<!tpu.dma_semaphore, #tpu.memory_space<semaphore_mem>>) src(%dma_wait3A_90 : memref<512xi32, #tpu.memory_space<hbm>>) dst(%arg73 : memref<512xi32, #tpu.memory_space<vmem>>)
    %dma_wait3A_91 = tpu.memref_slice %arg21[%mul3A_2] : memref<16384xi32, #tpu.memory_space<hbm>> -> memref<512xi32, #tpu.memory_space<hbm>>
    %dma_wait3A_92 = tpu.memref_slice %arg21[%mul3A_2] : memref<16384xi32, #tpu.memory_space<hbm>> -> memref<512xi32, #tpu.memory_space<hbm>>
    tpu.wait_dma2 semaphore(%arg87 : memref<!tpu.dma_semaphore, #tpu.memory_space<semaphore_mem>>) src(%dma_wait3A_92 : memref<512xi32, #tpu.memory_space<hbm>>) dst(%arg74 : memref<512xi32, #tpu.memory_space<vmem>>)
    %dma_wait3A_93 = tpu.memref_slice %arg22[%mul3A_2] : memref<16384xi32, #tpu.memory_space<hbm>> -> memref<512xi32, #tpu.memory_space<hbm>>
    %dma_wait3A_94 = tpu.memref_slice %arg22[%mul3A_2] : memref<16384xi32, #tpu.memory_space<hbm>> -> memref<512xi32, #tpu.memory_space<hbm>>
    tpu.wait_dma2 semaphore(%arg87 : memref<!tpu.dma_semaphore, #tpu.memory_space<semaphore_mem>>) src(%dma_wait3A_94 : memref<512xi32, #tpu.memory_space<hbm>>) dst(%arg75 : memref<512xi32, #tpu.memory_space<vmem>>)
    %dma_wait3A_95 = tpu.memref_slice %arg23[%mul3A_2] : memref<16384xi32, #tpu.memory_space<hbm>> -> memref<512xi32, #tpu.memory_space<hbm>>
    %dma_wait3A_96 = tpu.memref_slice %arg23[%mul3A_2] : memref<16384xi32, #tpu.memory_space<hbm>> -> memref<512xi32, #tpu.memory_space<hbm>>
    tpu.wait_dma2 semaphore(%arg87 : memref<!tpu.dma_semaphore, #tpu.memory_space<semaphore_mem>>) src(%dma_wait3A_96 : memref<512xi32, #tpu.memory_space<hbm>>) dst(%arg76 : memref<512xi32, #tpu.memory_space<vmem>>)
    %dma_wait3A_97 = tpu.memref_slice %arg24[%mul3A_2] : memref<16384xi32, #tpu.memory_space<hbm>> -> memref<512xi32, #tpu.memory_space<hbm>>
    %dma_wait3A_98 = tpu.memref_slice %arg24[%mul3A_2] : memref<16384xi32, #tpu.memory_space<hbm>> -> memref<512xi32, #tpu.memory_space<hbm>>
    tpu.wait_dma2 semaphore(%arg87 : memref<!tpu.dma_semaphore, #tpu.memory_space<semaphore_mem>>) src(%dma_wait3A_98 : memref<512xi32, #tpu.memory_space<hbm>>) dst(%arg77 : memref<512xi32, #tpu.memory_space<vmem>>)
    %dma_wait3A_99 = tpu.memref_slice %arg25[%mul3A_2] : memref<16384xi32, #tpu.memory_space<hbm>> -> memref<512xi32, #tpu.memory_space<hbm>>
    %dma_wait3A_100 = tpu.memref_slice %arg25[%mul3A_2] : memref<16384xi32, #tpu.memory_space<hbm>> -> memref<512xi32, #tpu.memory_space<hbm>>
    tpu.wait_dma2 semaphore(%arg87 : memref<!tpu.dma_semaphore, #tpu.memory_space<semaphore_mem>>) src(%dma_wait3A_100 : memref<512xi32, #tpu.memory_space<hbm>>) dst(%arg78 : memref<512xi32, #tpu.memory_space<vmem>>)
    %dma_wait3A_101 = tpu.memref_slice %arg26[%mul3A_2] : memref<16384xi32, #tpu.memory_space<hbm>> -> memref<512xi32, #tpu.memory_space<hbm>>
    %dma_wait3A_102 = tpu.memref_slice %arg26[%mul3A_2] : memref<16384xi32, #tpu.memory_space<hbm>> -> memref<512xi32, #tpu.memory_space<hbm>>
    tpu.wait_dma2 semaphore(%arg87 : memref<!tpu.dma_semaphore, #tpu.memory_space<semaphore_mem>>) src(%dma_wait3A_102 : memref<512xi32, #tpu.memory_space<hbm>>) dst(%arg79 : memref<512xi32, #tpu.memory_space<vmem>>)
    %dma_wait3A_103 = tpu.memref_slice %arg27[%mul3A_2] : memref<16384xi32, #tpu.memory_space<hbm>> -> memref<512xi32, #tpu.memory_space<hbm>>
    %dma_wait3A_104 = tpu.memref_slice %arg27[%mul3A_2] : memref<16384xi32, #tpu.memory_space<hbm>> -> memref<512xi32, #tpu.memory_space<hbm>>
    tpu.wait_dma2 semaphore(%arg87 : memref<!tpu.dma_semaphore, #tpu.memory_space<semaphore_mem>>) src(%dma_wait3A_104 : memref<512xi32, #tpu.memory_space<hbm>>) dst(%arg80 : memref<512xi32, #tpu.memory_space<vmem>>)
    %dma_start3A_105 = arith.constant 0 : i32
    %dma_start3A_106 = arith.constant 0 : i32
    %dma_start3A_107 = tpu.memref_slice %arg28[%dma_start3A_105, %dma_start3A_106] : memref<100000x16xf32, #tpu.memory_space<hbm>> -> memref<100000x16xf32, #tpu.memory_space<hbm>>
    tpu.enqueue_indirect_dma source(%dma_start3A_107 : memref<100000x16xf32, #tpu.memory_space<hbm>>) target(%arg81 : memref<512x16xf32, #tpu.memory_space<vmem>>) offsets(%arg55 : memref<512xi32, #tpu.memory_space<vmem>>) semaphore(%arg83 : memref<!tpu.dma_semaphore, #tpu.memory_space<semaphore_mem>>)
    %dma_wait3A_108 = arith.constant 0 : i32
    %dma_wait3A_109 = arith.constant 0 : i32
    %dma_wait3A_110 = tpu.memref_slice %arg28[%dma_wait3A_108, %dma_wait3A_109] : memref<100000x16xf32, #tpu.memory_space<hbm>> -> memref<100000x16xf32, #tpu.memory_space<hbm>>
    tpu.wait_indirect_dma semaphore(%arg83 : memref<!tpu.dma_semaphore, #tpu.memory_space<semaphore_mem>>) src(%dma_wait3A_110 : memref<100000x16xf32, #tpu.memory_space<hbm>>) dst(%arg81 : memref<512x16xf32, #tpu.memory_space<vmem>>)
    %dma_start3A_111 = arith.constant 0 : i32
    %dma_start3A_112 = tpu.memref_slice %arg54[%mul3A_2, %dma_start3A_111] : memref<16384x416xf32, #tpu.memory_space<hbm>> -> memref<512x16xf32, #tpu.memory_space<hbm>>
    %dma_start3A_113 = arith.constant 0 : i32
    %dma_start3A_114 = tpu.memref_slice %arg54[%mul3A_2, %dma_start3A_113] : memref<16384x416xf32, #tpu.memory_space<hbm>> -> memref<512x16xf32, #tpu.memory_space<hbm>>
    tpu.enqueue_dma source(%arg81 : memref<512x16xf32, #tpu.memory_space<vmem>>) target(%dma_start3A_114 : memref<512x16xf32, #tpu.memory_space<hbm>>) target_semaphore(%arg85 : memref<!tpu.dma_semaphore, #tpu.memory_space<semaphore_mem>>)
    %dma_start3A_115 = arith.constant 0 : i32
    %dma_start3A_116 = arith.constant 0 : i32
    %dma_start3A_117 = tpu.memref_slice %arg29[%dma_start3A_115, %dma_start3A_116] : memref<100000x16xf32, #tpu.memory_space<hbm>> -> memref<100000x16xf32, #tpu.memory_space<hbm>>
    tpu.enqueue_indirect_dma source(%dma_start3A_117 : memref<100000x16xf32, #tpu.memory_space<hbm>>) target(%arg82 : memref<512x16xf32, #tpu.memory_space<vmem>>) offsets(%arg56 : memref<512xi32, #tpu.memory_space<vmem>>) semaphore(%arg84 : memref<!tpu.dma_semaphore, #tpu.memory_space<semaphore_mem>>)
    %dma_wait3A_118 = arith.constant 0 : i32
    %dma_wait3A_119 = arith.constant 0 : i32
    %dma_wait3A_120 = tpu.memref_slice %arg29[%dma_wait3A_118, %dma_wait3A_119] : memref<100000x16xf32, #tpu.memory_space<hbm>> -> memref<100000x16xf32, #tpu.memory_space<hbm>>
    tpu.wait_indirect_dma semaphore(%arg84 : memref<!tpu.dma_semaphore, #tpu.memory_space<semaphore_mem>>) src(%dma_wait3A_120 : memref<100000x16xf32, #tpu.memory_space<hbm>>) dst(%arg82 : memref<512x16xf32, #tpu.memory_space<vmem>>)
    %dma_start3A_121 = arith.constant 16 : i32
    %dma_start3A_122 = tpu.memref_slice %arg54[%mul3A_2, %dma_start3A_121] : memref<16384x416xf32, #tpu.memory_space<hbm>> -> memref<512x16xf32, #tpu.memory_space<hbm>>
    %dma_start3A_123 = arith.constant 16 : i32
    %dma_start3A_124 = tpu.memref_slice %arg54[%mul3A_2, %dma_start3A_123] : memref<16384x416xf32, #tpu.memory_space<hbm>> -> memref<512x16xf32, #tpu.memory_space<hbm>>
    tpu.enqueue_dma source(%arg82 : memref<512x16xf32, #tpu.memory_space<vmem>>) target(%dma_start3A_124 : memref<512x16xf32, #tpu.memory_space<hbm>>) target_semaphore(%arg86 : memref<!tpu.dma_semaphore, #tpu.memory_space<semaphore_mem>>)
    %dma_wait3A_125 = arith.constant 0 : i32
    %dma_wait3A_126 = tpu.memref_slice %arg54[%mul3A_2, %dma_wait3A_125] : memref<16384x416xf32, #tpu.memory_space<hbm>> -> memref<512x16xf32, #tpu.memory_space<hbm>>
    %dma_wait3A_127 = arith.constant 0 : i32
    %dma_wait3A_128 = tpu.memref_slice %arg54[%mul3A_2, %dma_wait3A_127] : memref<16384x416xf32, #tpu.memory_space<hbm>> -> memref<512x16xf32, #tpu.memory_space<hbm>>
    tpu.wait_dma2 semaphore(%arg85 : memref<!tpu.dma_semaphore, #tpu.memory_space<semaphore_mem>>) src(%arg81 : memref<512x16xf32, #tpu.memory_space<vmem>>) dst(%dma_wait3A_128 : memref<512x16xf32, #tpu.memory_space<hbm>>)
    %dma_start3A_129 = arith.constant 0 : i32
    %dma_start3A_130 = arith.constant 0 : i32
    %dma_start3A_131 = tpu.memref_slice %arg30[%dma_start3A_129, %dma_start3A_130] : memref<100000x16xf32, #tpu.memory_space<hbm>> -> memref<100000x16xf32, #tpu.memory_space<hbm>>
    tpu.enqueue_indirect_dma source(%dma_start3A_131 : memref<100000x16xf32, #tpu.memory_space<hbm>>) target(%arg81 : memref<512x16xf32, #tpu.memory_space<vmem>>) offsets(%arg57 : memref<512xi32, #tpu.memory_space<vmem>>) semaphore(%arg83 : memref<!tpu.dma_semaphore, #tpu.memory_space<semaphore_mem>>)
    %dma_wait3A_132 = arith.constant 0 : i32
    %dma_wait3A_133 = arith.constant 0 : i32
    %dma_wait3A_134 = tpu.memref_slice %arg30[%dma_wait3A_132, %dma_wait3A_133] : memref<100000x16xf32, #tpu.memory_space<hbm>> -> memref<100000x16xf32, #tpu.memory_space<hbm>>
    tpu.wait_indirect_dma semaphore(%arg83 : memref<!tpu.dma_semaphore, #tpu.memory_space<semaphore_mem>>) src(%dma_wait3A_134 : memref<100000x16xf32, #tpu.memory_space<hbm>>) dst(%arg81 : memref<512x16xf32, #tpu.memory_space<vmem>>)
    %dma_start3A_135 = arith.constant 32 : i32
    %dma_start3A_136 = tpu.memref_slice %arg54[%mul3A_2, %dma_start3A_135] : memref<16384x416xf32, #tpu.memory_space<hbm>> -> memref<512x16xf32, #tpu.memory_space<hbm>>
    %dma_start3A_137 = arith.constant 32 : i32
    %dma_start3A_138 = tpu.memref_slice %arg54[%mul3A_2, %dma_start3A_137] : memref<16384x416xf32, #tpu.memory_space<hbm>> -> memref<512x16xf32, #tpu.memory_space<hbm>>
    tpu.enqueue_dma source(%arg81 : memref<512x16xf32, #tpu.memory_space<vmem>>) target(%dma_start3A_138 : memref<512x16xf32, #tpu.memory_space<hbm>>) target_semaphore(%arg85 : memref<!tpu.dma_semaphore, #tpu.memory_space<semaphore_mem>>)
    %dma_wait3A_139 = arith.constant 16 : i32
    %dma_wait3A_140 = tpu.memref_slice %arg54[%mul3A_2, %dma_wait3A_139] : memref<16384x416xf32, #tpu.memory_space<hbm>> -> memref<512x16xf32, #tpu.memory_space<hbm>>
    %dma_wait3A_141 = arith.constant 16 : i32
    %dma_wait3A_142 = tpu.memref_slice %arg54[%mul3A_2, %dma_wait3A_141] : memref<16384x416xf32, #tpu.memory_space<hbm>> -> memref<512x16xf32, #tpu.memory_space<hbm>>
    tpu.wait_dma2 semaphore(%arg86 : memref<!tpu.dma_semaphore, #tpu.memory_space<semaphore_mem>>) src(%arg82 : memref<512x16xf32, #tpu.memory_space<vmem>>) dst(%dma_wait3A_142 : memref<512x16xf32, #tpu.memory_space<hbm>>)
    %dma_start3A_143 = arith.constant 0 : i32
    %dma_start3A_144 = arith.constant 0 : i32
    %dma_start3A_145 = tpu.memref_slice %arg31[%dma_start3A_143, %dma_start3A_144] : memref<100000x16xf32, #tpu.memory_space<hbm>> -> memref<100000x16xf32, #tpu.memory_space<hbm>>
    tpu.enqueue_indirect_dma source(%dma_start3A_145 : memref<100000x16xf32, #tpu.memory_space<hbm>>) target(%arg82 : memref<512x16xf32, #tpu.memory_space<vmem>>) offsets(%arg58 : memref<512xi32, #tpu.memory_space<vmem>>) semaphore(%arg84 : memref<!tpu.dma_semaphore, #tpu.memory_space<semaphore_mem>>)
    %dma_wait3A_146 = arith.constant 0 : i32
    %dma_wait3A_147 = arith.constant 0 : i32
    %dma_wait3A_148 = tpu.memref_slice %arg31[%dma_wait3A_146, %dma_wait3A_147] : memref<100000x16xf32, #tpu.memory_space<hbm>> -> memref<100000x16xf32, #tpu.memory_space<hbm>>
    tpu.wait_indirect_dma semaphore(%arg84 : memref<!tpu.dma_semaphore, #tpu.memory_space<semaphore_mem>>) src(%dma_wait3A_148 : memref<100000x16xf32, #tpu.memory_space<hbm>>) dst(%arg82 : memref<512x16xf32, #tpu.memory_space<vmem>>)
    %dma_start3A_149 = arith.constant 48 : i32
    %dma_start3A_150 = tpu.memref_slice %arg54[%mul3A_2, %dma_start3A_149] : memref<16384x416xf32, #tpu.memory_space<hbm>> -> memref<512x16xf32, #tpu.memory_space<hbm>>
    %dma_start3A_151 = arith.constant 48 : i32
    %dma_start3A_152 = tpu.memref_slice %arg54[%mul3A_2, %dma_start3A_151] : memref<16384x416xf32, #tpu.memory_space<hbm>> -> memref<512x16xf32, #tpu.memory_space<hbm>>
    tpu.enqueue_dma source(%arg82 : memref<512x16xf32, #tpu.memory_space<vmem>>) target(%dma_start3A_152 : memref<512x16xf32, #tpu.memory_space<hbm>>) target_semaphore(%arg86 : memref<!tpu.dma_semaphore, #tpu.memory_space<semaphore_mem>>)
    %dma_wait3A_153 = arith.constant 32 : i32
    %dma_wait3A_154 = tpu.memref_slice %arg54[%mul3A_2, %dma_wait3A_153] : memref<16384x416xf32, #tpu.memory_space<hbm>> -> memref<512x16xf32, #tpu.memory_space<hbm>>
    %dma_wait3A_155 = arith.constant 32 : i32
    %dma_wait3A_156 = tpu.memref_slice %arg54[%mul3A_2, %dma_wait3A_155] : memref<16384x416xf32, #tpu.memory_space<hbm>> -> memref<512x16xf32, #tpu.memory_space<hbm>>
    tpu.wait_dma2 semaphore(%arg85 : memref<!tpu.dma_semaphore, #tpu.memory_space<semaphore_mem>>) src(%arg81 : memref<512x16xf32, #tpu.memory_space<vmem>>) dst(%dma_wait3A_156 : memref<512x16xf32, #tpu.memory_space<hbm>>)
    %dma_start3A_157 = arith.constant 0 : i32
    %dma_start3A_158 = arith.constant 0 : i32
    %dma_start3A_159 = tpu.memref_slice %arg32[%dma_start3A_157, %dma_start3A_158] : memref<100000x16xf32, #tpu.memory_space<hbm>> -> memref<100000x16xf32, #tpu.memory_space<hbm>>
    tpu.enqueue_indirect_dma source(%dma_start3A_159 : memref<100000x16xf32, #tpu.memory_space<hbm>>) target(%arg81 : memref<512x16xf32, #tpu.memory_space<vmem>>) offsets(%arg59 : memref<512xi32, #tpu.memory_space<vmem>>) semaphore(%arg83 : memref<!tpu.dma_semaphore, #tpu.memory_space<semaphore_mem>>)
    %dma_wait3A_160 = arith.constant 0 : i32
    %dma_wait3A_161 = arith.constant 0 : i32
    %dma_wait3A_162 = tpu.memref_slice %arg32[%dma_wait3A_160, %dma_wait3A_161] : memref<100000x16xf32, #tpu.memory_space<hbm>> -> memref<100000x16xf32, #tpu.memory_space<hbm>>
    tpu.wait_indirect_dma semaphore(%arg83 : memref<!tpu.dma_semaphore, #tpu.memory_space<semaphore_mem>>) src(%dma_wait3A_162 : memref<100000x16xf32, #tpu.memory_space<hbm>>) dst(%arg81 : memref<512x16xf32, #tpu.memory_space<vmem>>)
    %dma_start3A_163 = arith.constant 64 : i32
    %dma_start3A_164 = tpu.memref_slice %arg54[%mul3A_2, %dma_start3A_163] : memref<16384x416xf32, #tpu.memory_space<hbm>> -> memref<512x16xf32, #tpu.memory_space<hbm>>
    %dma_start3A_165 = arith.constant 64 : i32
    %dma_start3A_166 = tpu.memref_slice %arg54[%mul3A_2, %dma_start3A_165] : memref<16384x416xf32, #tpu.memory_space<hbm>> -> memref<512x16xf32, #tpu.memory_space<hbm>>
    tpu.enqueue_dma source(%arg81 : memref<512x16xf32, #tpu.memory_space<vmem>>) target(%dma_start3A_166 : memref<512x16xf32, #tpu.memory_space<hbm>>) target_semaphore(%arg85 : memref<!tpu.dma_semaphore, #tpu.memory_space<semaphore_mem>>)
    %dma_wait3A_167 = arith.constant 48 : i32
    %dma_wait3A_168 = tpu.memref_slice %arg54[%mul3A_2, %dma_wait3A_167] : memref<16384x416xf32, #tpu.memory_space<hbm>> -> memref<512x16xf32, #tpu.memory_space<hbm>>
    %dma_wait3A_169 = arith.constant 48 : i32
    %dma_wait3A_170 = tpu.memref_slice %arg54[%mul3A_2, %dma_wait3A_169] : memref<16384x416xf32, #tpu.memory_space<hbm>> -> memref<512x16xf32, #tpu.memory_space<hbm>>
    tpu.wait_dma2 semaphore(%arg86 : memref<!tpu.dma_semaphore, #tpu.memory_space<semaphore_mem>>) src(%arg82 : memref<512x16xf32, #tpu.memory_space<vmem>>) dst(%dma_wait3A_170 : memref<512x16xf32, #tpu.memory_space<hbm>>)
    %dma_start3A_171 = arith.constant 0 : i32
    %dma_start3A_172 = arith.constant 0 : i32
    %dma_start3A_173 = tpu.memref_slice %arg33[%dma_start3A_171, %dma_start3A_172] : memref<100000x16xf32, #tpu.memory_space<hbm>> -> memref<100000x16xf32, #tpu.memory_space<hbm>>
    tpu.enqueue_indirect_dma source(%dma_start3A_173 : memref<100000x16xf32, #tpu.memory_space<hbm>>) target(%arg82 : memref<512x16xf32, #tpu.memory_space<vmem>>) offsets(%arg60 : memref<512xi32, #tpu.memory_space<vmem>>) semaphore(%arg84 : memref<!tpu.dma_semaphore, #tpu.memory_space<semaphore_mem>>)
    %dma_wait3A_174 = arith.constant 0 : i32
    %dma_wait3A_175 = arith.constant 0 : i32
    %dma_wait3A_176 = tpu.memref_slice %arg33[%dma_wait3A_174, %dma_wait3A_175] : memref<100000x16xf32, #tpu.memory_space<hbm>> -> memref<100000x16xf32, #tpu.memory_space<hbm>>
    tpu.wait_indirect_dma semaphore(%arg84 : memref<!tpu.dma_semaphore, #tpu.memory_space<semaphore_mem>>) src(%dma_wait3A_176 : memref<100000x16xf32, #tpu.memory_space<hbm>>) dst(%arg82 : memref<512x16xf32, #tpu.memory_space<vmem>>)
    %dma_start3A_177 = arith.constant 80 : i32
    %dma_start3A_178 = tpu.memref_slice %arg54[%mul3A_2, %dma_start3A_177] : memref<16384x416xf32, #tpu.memory_space<hbm>> -> memref<512x16xf32, #tpu.memory_space<hbm>>
    %dma_start3A_179 = arith.constant 80 : i32
    %dma_start3A_180 = tpu.memref_slice %arg54[%mul3A_2, %dma_start3A_179] : memref<16384x416xf32, #tpu.memory_space<hbm>> -> memref<512x16xf32, #tpu.memory_space<hbm>>
    tpu.enqueue_dma source(%arg82 : memref<512x16xf32, #tpu.memory_space<vmem>>) target(%dma_start3A_180 : memref<512x16xf32, #tpu.memory_space<hbm>>) target_semaphore(%arg86 : memref<!tpu.dma_semaphore, #tpu.memory_space<semaphore_mem>>)
    %dma_wait3A_181 = arith.constant 64 : i32
    %dma_wait3A_182 = tpu.memref_slice %arg54[%mul3A_2, %dma_wait3A_181] : memref<16384x416xf32, #tpu.memory_space<hbm>> -> memref<512x16xf32, #tpu.memory_space<hbm>>
    %dma_wait3A_183 = arith.constant 64 : i32
    %dma_wait3A_184 = tpu.memref_slice %arg54[%mul3A_2, %dma_wait3A_183] : memref<16384x416xf32, #tpu.memory_space<hbm>> -> memref<512x16xf32, #tpu.memory_space<hbm>>
    tpu.wait_dma2 semaphore(%arg85 : memref<!tpu.dma_semaphore, #tpu.memory_space<semaphore_mem>>) src(%arg81 : memref<512x16xf32, #tpu.memory_space<vmem>>) dst(%dma_wait3A_184 : memref<512x16xf32, #tpu.memory_space<hbm>>)
    %dma_start3A_185 = arith.constant 0 : i32
    %dma_start3A_186 = arith.constant 0 : i32
    %dma_start3A_187 = tpu.memref_slice %arg34[%dma_start3A_185, %dma_start3A_186] : memref<100000x16xf32, #tpu.memory_space<hbm>> -> memref<100000x16xf32, #tpu.memory_space<hbm>>
    tpu.enqueue_indirect_dma source(%dma_start3A_187 : memref<100000x16xf32, #tpu.memory_space<hbm>>) target(%arg81 : memref<512x16xf32, #tpu.memory_space<vmem>>) offsets(%arg61 : memref<512xi32, #tpu.memory_space<vmem>>) semaphore(%arg83 : memref<!tpu.dma_semaphore, #tpu.memory_space<semaphore_mem>>)
    %dma_wait3A_188 = arith.constant 0 : i32
    %dma_wait3A_189 = arith.constant 0 : i32
    %dma_wait3A_190 = tpu.memref_slice %arg34[%dma_wait3A_188, %dma_wait3A_189] : memref<100000x16xf32, #tpu.memory_space<hbm>> -> memref<100000x16xf32, #tpu.memory_space<hbm>>
    tpu.wait_indirect_dma semaphore(%arg83 : memref<!tpu.dma_semaphore, #tpu.memory_space<semaphore_mem>>) src(%dma_wait3A_190 : memref<100000x16xf32, #tpu.memory_space<hbm>>) dst(%arg81 : memref<512x16xf32, #tpu.memory_space<vmem>>)
    %dma_start3A_191 = arith.constant 96 : i32
    %dma_start3A_192 = tpu.memref_slice %arg54[%mul3A_2, %dma_start3A_191] : memref<16384x416xf32, #tpu.memory_space<hbm>> -> memref<512x16xf32, #tpu.memory_space<hbm>>
    %dma_start3A_193 = arith.constant 96 : i32
    %dma_start3A_194 = tpu.memref_slice %arg54[%mul3A_2, %dma_start3A_193] : memref<16384x416xf32, #tpu.memory_space<hbm>> -> memref<512x16xf32, #tpu.memory_space<hbm>>
    tpu.enqueue_dma source(%arg81 : memref<512x16xf32, #tpu.memory_space<vmem>>) target(%dma_start3A_194 : memref<512x16xf32, #tpu.memory_space<hbm>>) target_semaphore(%arg85 : memref<!tpu.dma_semaphore, #tpu.memory_space<semaphore_mem>>)
    %dma_wait3A_195 = arith.constant 80 : i32
    %dma_wait3A_196 = tpu.memref_slice %arg54[%mul3A_2, %dma_wait3A_195] : memref<16384x416xf32, #tpu.memory_space<hbm>> -> memref<512x16xf32, #tpu.memory_space<hbm>>
    %dma_wait3A_197 = arith.constant 80 : i32
    %dma_wait3A_198 = tpu.memref_slice %arg54[%mul3A_2, %dma_wait3A_197] : memref<16384x416xf32, #tpu.memory_space<hbm>> -> memref<512x16xf32, #tpu.memory_space<hbm>>
    tpu.wait_dma2 semaphore(%arg86 : memref<!tpu.dma_semaphore, #tpu.memory_space<semaphore_mem>>) src(%arg82 : memref<512x16xf32, #tpu.memory_space<vmem>>) dst(%dma_wait3A_198 : memref<512x16xf32, #tpu.memory_space<hbm>>)
    %dma_start3A_199 = arith.constant 0 : i32
    %dma_start3A_200 = arith.constant 0 : i32
    %dma_start3A_201 = tpu.memref_slice %arg35[%dma_start3A_199, %dma_start3A_200] : memref<100000x16xf32, #tpu.memory_space<hbm>> -> memref<100000x16xf32, #tpu.memory_space<hbm>>
    tpu.enqueue_indirect_dma source(%dma_start3A_201 : memref<100000x16xf32, #tpu.memory_space<hbm>>) target(%arg82 : memref<512x16xf32, #tpu.memory_space<vmem>>) offsets(%arg62 : memref<512xi32, #tpu.memory_space<vmem>>) semaphore(%arg84 : memref<!tpu.dma_semaphore, #tpu.memory_space<semaphore_mem>>)
    %dma_wait3A_202 = arith.constant 0 : i32
    %dma_wait3A_203 = arith.constant 0 : i32
    %dma_wait3A_204 = tpu.memref_slice %arg35[%dma_wait3A_202, %dma_wait3A_203] : memref<100000x16xf32, #tpu.memory_space<hbm>> -> memref<100000x16xf32, #tpu.memory_space<hbm>>
    tpu.wait_indirect_dma semaphore(%arg84 : memref<!tpu.dma_semaphore, #tpu.memory_space<semaphore_mem>>) src(%dma_wait3A_204 : memref<100000x16xf32, #tpu.memory_space<hbm>>) dst(%arg82 : memref<512x16xf32, #tpu.memory_space<vmem>>)
    %dma_start3A_205 = arith.constant 112 : i32
    %dma_start3A_206 = tpu.memref_slice %arg54[%mul3A_2, %dma_start3A_205] : memref<16384x416xf32, #tpu.memory_space<hbm>> -> memref<512x16xf32, #tpu.memory_space<hbm>>
    %dma_start3A_207 = arith.constant 112 : i32
    %dma_start3A_208 = tpu.memref_slice %arg54[%mul3A_2, %dma_start3A_207] : memref<16384x416xf32, #tpu.memory_space<hbm>> -> memref<512x16xf32, #tpu.memory_space<hbm>>
    tpu.enqueue_dma source(%arg82 : memref<512x16xf32, #tpu.memory_space<vmem>>) target(%dma_start3A_208 : memref<512x16xf32, #tpu.memory_space<hbm>>) target_semaphore(%arg86 : memref<!tpu.dma_semaphore, #tpu.memory_space<semaphore_mem>>)
    %dma_wait3A_209 = arith.constant 96 : i32
    %dma_wait3A_210 = tpu.memref_slice %arg54[%mul3A_2, %dma_wait3A_209] : memref<16384x416xf32, #tpu.memory_space<hbm>> -> memref<512x16xf32, #tpu.memory_space<hbm>>
    %dma_wait3A_211 = arith.constant 96 : i32
    %dma_wait3A_212 = tpu.memref_slice %arg54[%mul3A_2, %dma_wait3A_211] : memref<16384x416xf32, #tpu.memory_space<hbm>> -> memref<512x16xf32, #tpu.memory_space<hbm>>
    tpu.wait_dma2 semaphore(%arg85 : memref<!tpu.dma_semaphore, #tpu.memory_space<semaphore_mem>>) src(%arg81 : memref<512x16xf32, #tpu.memory_space<vmem>>) dst(%dma_wait3A_212 : memref<512x16xf32, #tpu.memory_space<hbm>>)
    %dma_start3A_213 = arith.constant 0 : i32
    %dma_start3A_214 = arith.constant 0 : i32
    %dma_start3A_215 = tpu.memref_slice %arg36[%dma_start3A_213, %dma_start3A_214] : memref<100000x16xf32, #tpu.memory_space<hbm>> -> memref<100000x16xf32, #tpu.memory_space<hbm>>
    tpu.enqueue_indirect_dma source(%dma_start3A_215 : memref<100000x16xf32, #tpu.memory_space<hbm>>) target(%arg81 : memref<512x16xf32, #tpu.memory_space<vmem>>) offsets(%arg63 : memref<512xi32, #tpu.memory_space<vmem>>) semaphore(%arg83 : memref<!tpu.dma_semaphore, #tpu.memory_space<semaphore_mem>>)
    %dma_wait3A_216 = arith.constant 0 : i32
    %dma_wait3A_217 = arith.constant 0 : i32
    %dma_wait3A_218 = tpu.memref_slice %arg36[%dma_wait3A_216, %dma_wait3A_217] : memref<100000x16xf32, #tpu.memory_space<hbm>> -> memref<100000x16xf32, #tpu.memory_space<hbm>>
    tpu.wait_indirect_dma semaphore(%arg83 : memref<!tpu.dma_semaphore, #tpu.memory_space<semaphore_mem>>) src(%dma_wait3A_218 : memref<100000x16xf32, #tpu.memory_space<hbm>>) dst(%arg81 : memref<512x16xf32, #tpu.memory_space<vmem>>)
    %dma_start3A_219 = arith.constant 128 : i32
    %dma_start3A_220 = tpu.memref_slice %arg54[%mul3A_2, %dma_start3A_219] : memref<16384x416xf32, #tpu.memory_space<hbm>> -> memref<512x16xf32, #tpu.memory_space<hbm>>
    %dma_start3A_221 = arith.constant 128 : i32
    %dma_start3A_222 = tpu.memref_slice %arg54[%mul3A_2, %dma_start3A_221] : memref<16384x416xf32, #tpu.memory_space<hbm>> -> memref<512x16xf32, #tpu.memory_space<hbm>>
    tpu.enqueue_dma source(%arg81 : memref<512x16xf32, #tpu.memory_space<vmem>>) target(%dma_start3A_222 : memref<512x16xf32, #tpu.memory_space<hbm>>) target_semaphore(%arg85 : memref<!tpu.dma_semaphore, #tpu.memory_space<semaphore_mem>>)
    %dma_wait3A_223 = arith.constant 112 : i32
    %dma_wait3A_224 = tpu.memref_slice %arg54[%mul3A_2, %dma_wait3A_223] : memref<16384x416xf32, #tpu.memory_space<hbm>> -> memref<512x16xf32, #tpu.memory_space<hbm>>
    %dma_wait3A_225 = arith.constant 112 : i32
    %dma_wait3A_226 = tpu.memref_slice %arg54[%mul3A_2, %dma_wait3A_225] : memref<16384x416xf32, #tpu.memory_space<hbm>> -> memref<512x16xf32, #tpu.memory_space<hbm>>
    tpu.wait_dma2 semaphore(%arg86 : memref<!tpu.dma_semaphore, #tpu.memory_space<semaphore_mem>>) src(%arg82 : memref<512x16xf32, #tpu.memory_space<vmem>>) dst(%dma_wait3A_226 : memref<512x16xf32, #tpu.memory_space<hbm>>)
    %dma_start3A_227 = arith.constant 0 : i32
    %dma_start3A_228 = arith.constant 0 : i32
    %dma_start3A_229 = tpu.memref_slice %arg37[%dma_start3A_227, %dma_start3A_228] : memref<100000x16xf32, #tpu.memory_space<hbm>> -> memref<100000x16xf32, #tpu.memory_space<hbm>>
    tpu.enqueue_indirect_dma source(%dma_start3A_229 : memref<100000x16xf32, #tpu.memory_space<hbm>>) target(%arg82 : memref<512x16xf32, #tpu.memory_space<vmem>>) offsets(%arg64 : memref<512xi32, #tpu.memory_space<vmem>>) semaphore(%arg84 : memref<!tpu.dma_semaphore, #tpu.memory_space<semaphore_mem>>)
    %dma_wait3A_230 = arith.constant 0 : i32
    %dma_wait3A_231 = arith.constant 0 : i32
    %dma_wait3A_232 = tpu.memref_slice %arg37[%dma_wait3A_230, %dma_wait3A_231] : memref<100000x16xf32, #tpu.memory_space<hbm>> -> memref<100000x16xf32, #tpu.memory_space<hbm>>
    tpu.wait_indirect_dma semaphore(%arg84 : memref<!tpu.dma_semaphore, #tpu.memory_space<semaphore_mem>>) src(%dma_wait3A_232 : memref<100000x16xf32, #tpu.memory_space<hbm>>) dst(%arg82 : memref<512x16xf32, #tpu.memory_space<vmem>>)
    %dma_start3A_233 = arith.constant 144 : i32
    %dma_start3A_234 = tpu.memref_slice %arg54[%mul3A_2, %dma_start3A_233] : memref<16384x416xf32, #tpu.memory_space<hbm>> -> memref<512x16xf32, #tpu.memory_space<hbm>>
    %dma_start3A_235 = arith.constant 144 : i32
    %dma_start3A_236 = tpu.memref_slice %arg54[%mul3A_2, %dma_start3A_235] : memref<16384x416xf32, #tpu.memory_space<hbm>> -> memref<512x16xf32, #tpu.memory_space<hbm>>
    tpu.enqueue_dma source(%arg82 : memref<512x16xf32, #tpu.memory_space<vmem>>) target(%dma_start3A_236 : memref<512x16xf32, #tpu.memory_space<hbm>>) target_semaphore(%arg86 : memref<!tpu.dma_semaphore, #tpu.memory_space<semaphore_mem>>)
    %dma_wait3A_237 = arith.constant 128 : i32
    %dma_wait3A_238 = tpu.memref_slice %arg54[%mul3A_2, %dma_wait3A_237] : memref<16384x416xf32, #tpu.memory_space<hbm>> -> memref<512x16xf32, #tpu.memory_space<hbm>>
    %dma_wait3A_239 = arith.constant 128 : i32
    %dma_wait3A_240 = tpu.memref_slice %arg54[%mul3A_2, %dma_wait3A_239] : memref<16384x416xf32, #tpu.memory_space<hbm>> -> memref<512x16xf32, #tpu.memory_space<hbm>>
    tpu.wait_dma2 semaphore(%arg85 : memref<!tpu.dma_semaphore, #tpu.memory_space<semaphore_mem>>) src(%arg81 : memref<512x16xf32, #tpu.memory_space<vmem>>) dst(%dma_wait3A_240 : memref<512x16xf32, #tpu.memory_space<hbm>>)
    %dma_start3A_241 = arith.constant 0 : i32
    %dma_start3A_242 = arith.constant 0 : i32
    %dma_start3A_243 = tpu.memref_slice %arg38[%dma_start3A_241, %dma_start3A_242] : memref<100000x16xf32, #tpu.memory_space<hbm>> -> memref<100000x16xf32, #tpu.memory_space<hbm>>
    tpu.enqueue_indirect_dma source(%dma_start3A_243 : memref<100000x16xf32, #tpu.memory_space<hbm>>) target(%arg81 : memref<512x16xf32, #tpu.memory_space<vmem>>) offsets(%arg65 : memref<512xi32, #tpu.memory_space<vmem>>) semaphore(%arg83 : memref<!tpu.dma_semaphore, #tpu.memory_space<semaphore_mem>>)
    %dma_wait3A_244 = arith.constant 0 : i32
    %dma_wait3A_245 = arith.constant 0 : i32
    %dma_wait3A_246 = tpu.memref_slice %arg38[%dma_wait3A_244, %dma_wait3A_245] : memref<100000x16xf32, #tpu.memory_space<hbm>> -> memref<100000x16xf32, #tpu.memory_space<hbm>>
    tpu.wait_indirect_dma semaphore(%arg83 : memref<!tpu.dma_semaphore, #tpu.memory_space<semaphore_mem>>) src(%dma_wait3A_246 : memref<100000x16xf32, #tpu.memory_space<hbm>>) dst(%arg81 : memref<512x16xf32, #tpu.memory_space<vmem>>)
    %dma_start3A_247 = arith.constant 160 : i32
    %dma_start3A_248 = tpu.memref_slice %arg54[%mul3A_2, %dma_start3A_247] : memref<16384x416xf32, #tpu.memory_space<hbm>> -> memref<512x16xf32, #tpu.memory_space<hbm>>
    %dma_start3A_249 = arith.constant 160 : i32
    %dma_start3A_250 = tpu.memref_slice %arg54[%mul3A_2, %dma_start3A_249] : memref<16384x416xf32, #tpu.memory_space<hbm>> -> memref<512x16xf32, #tpu.memory_space<hbm>>
    tpu.enqueue_dma source(%arg81 : memref<512x16xf32, #tpu.memory_space<vmem>>) target(%dma_start3A_250 : memref<512x16xf32, #tpu.memory_space<hbm>>) target_semaphore(%arg85 : memref<!tpu.dma_semaphore, #tpu.memory_space<semaphore_mem>>)
    %dma_wait3A_251 = arith.constant 144 : i32
    %dma_wait3A_252 = tpu.memref_slice %arg54[%mul3A_2, %dma_wait3A_251] : memref<16384x416xf32, #tpu.memory_space<hbm>> -> memref<512x16xf32, #tpu.memory_space<hbm>>
    %dma_wait3A_253 = arith.constant 144 : i32
    %dma_wait3A_254 = tpu.memref_slice %arg54[%mul3A_2, %dma_wait3A_253] : memref<16384x416xf32, #tpu.memory_space<hbm>> -> memref<512x16xf32, #tpu.memory_space<hbm>>
    tpu.wait_dma2 semaphore(%arg86 : memref<!tpu.dma_semaphore, #tpu.memory_space<semaphore_mem>>) src(%arg82 : memref<512x16xf32, #tpu.memory_space<vmem>>) dst(%dma_wait3A_254 : memref<512x16xf32, #tpu.memory_space<hbm>>)
    %dma_start3A_255 = arith.constant 0 : i32
    %dma_start3A_256 = arith.constant 0 : i32
    %dma_start3A_257 = tpu.memref_slice %arg39[%dma_start3A_255, %dma_start3A_256] : memref<100000x16xf32, #tpu.memory_space<hbm>> -> memref<100000x16xf32, #tpu.memory_space<hbm>>
    tpu.enqueue_indirect_dma source(%dma_start3A_257 : memref<100000x16xf32, #tpu.memory_space<hbm>>) target(%arg82 : memref<512x16xf32, #tpu.memory_space<vmem>>) offsets(%arg66 : memref<512xi32, #tpu.memory_space<vmem>>) semaphore(%arg84 : memref<!tpu.dma_semaphore, #tpu.memory_space<semaphore_mem>>)
    %dma_wait3A_258 = arith.constant 0 : i32
    %dma_wait3A_259 = arith.constant 0 : i32
    %dma_wait3A_260 = tpu.memref_slice %arg39[%dma_wait3A_258, %dma_wait3A_259] : memref<100000x16xf32, #tpu.memory_space<hbm>> -> memref<100000x16xf32, #tpu.memory_space<hbm>>
    tpu.wait_indirect_dma semaphore(%arg84 : memref<!tpu.dma_semaphore, #tpu.memory_space<semaphore_mem>>) src(%dma_wait3A_260 : memref<100000x16xf32, #tpu.memory_space<hbm>>) dst(%arg82 : memref<512x16xf32, #tpu.memory_space<vmem>>)
    %dma_start3A_261 = arith.constant 176 : i32
    %dma_start3A_262 = tpu.memref_slice %arg54[%mul3A_2, %dma_start3A_261] : memref<16384x416xf32, #tpu.memory_space<hbm>> -> memref<512x16xf32, #tpu.memory_space<hbm>>
    %dma_start3A_263 = arith.constant 176 : i32
    %dma_start3A_264 = tpu.memref_slice %arg54[%mul3A_2, %dma_start3A_263] : memref<16384x416xf32, #tpu.memory_space<hbm>> -> memref<512x16xf32, #tpu.memory_space<hbm>>
    tpu.enqueue_dma source(%arg82 : memref<512x16xf32, #tpu.memory_space<vmem>>) target(%dma_start3A_264 : memref<512x16xf32, #tpu.memory_space<hbm>>) target_semaphore(%arg86 : memref<!tpu.dma_semaphore, #tpu.memory_space<semaphore_mem>>)
    %dma_wait3A_265 = arith.constant 160 : i32
    %dma_wait3A_266 = tpu.memref_slice %arg54[%mul3A_2, %dma_wait3A_265] : memref<16384x416xf32, #tpu.memory_space<hbm>> -> memref<512x16xf32, #tpu.memory_space<hbm>>
    %dma_wait3A_267 = arith.constant 160 : i32
    %dma_wait3A_268 = tpu.memref_slice %arg54[%mul3A_2, %dma_wait3A_267] : memref<16384x416xf32, #tpu.memory_space<hbm>> -> memref<512x16xf32, #tpu.memory_space<hbm>>
    tpu.wait_dma2 semaphore(%arg85 : memref<!tpu.dma_semaphore, #tpu.memory_space<semaphore_mem>>) src(%arg81 : memref<512x16xf32, #tpu.memory_space<vmem>>) dst(%dma_wait3A_268 : memref<512x16xf32, #tpu.memory_space<hbm>>)
    %dma_start3A_269 = arith.constant 0 : i32
    %dma_start3A_270 = arith.constant 0 : i32
    %dma_start3A_271 = tpu.memref_slice %arg40[%dma_start3A_269, %dma_start3A_270] : memref<100000x16xf32, #tpu.memory_space<hbm>> -> memref<100000x16xf32, #tpu.memory_space<hbm>>
    tpu.enqueue_indirect_dma source(%dma_start3A_271 : memref<100000x16xf32, #tpu.memory_space<hbm>>) target(%arg81 : memref<512x16xf32, #tpu.memory_space<vmem>>) offsets(%arg67 : memref<512xi32, #tpu.memory_space<vmem>>) semaphore(%arg83 : memref<!tpu.dma_semaphore, #tpu.memory_space<semaphore_mem>>)
    %dma_wait3A_272 = arith.constant 0 : i32
    %dma_wait3A_273 = arith.constant 0 : i32
    %dma_wait3A_274 = tpu.memref_slice %arg40[%dma_wait3A_272, %dma_wait3A_273] : memref<100000x16xf32, #tpu.memory_space<hbm>> -> memref<100000x16xf32, #tpu.memory_space<hbm>>
    tpu.wait_indirect_dma semaphore(%arg83 : memref<!tpu.dma_semaphore, #tpu.memory_space<semaphore_mem>>) src(%dma_wait3A_274 : memref<100000x16xf32, #tpu.memory_space<hbm>>) dst(%arg81 : memref<512x16xf32, #tpu.memory_space<vmem>>)
    %dma_start3A_275 = arith.constant 192 : i32
    %dma_start3A_276 = tpu.memref_slice %arg54[%mul3A_2, %dma_start3A_275] : memref<16384x416xf32, #tpu.memory_space<hbm>> -> memref<512x16xf32, #tpu.memory_space<hbm>>
    %dma_start3A_277 = arith.constant 192 : i32
    %dma_start3A_278 = tpu.memref_slice %arg54[%mul3A_2, %dma_start3A_277] : memref<16384x416xf32, #tpu.memory_space<hbm>> -> memref<512x16xf32, #tpu.memory_space<hbm>>
    tpu.enqueue_dma source(%arg81 : memref<512x16xf32, #tpu.memory_space<vmem>>) target(%dma_start3A_278 : memref<512x16xf32, #tpu.memory_space<hbm>>) target_semaphore(%arg85 : memref<!tpu.dma_semaphore, #tpu.memory_space<semaphore_mem>>)
    %dma_wait3A_279 = arith.constant 176 : i32
    %dma_wait3A_280 = tpu.memref_slice %arg54[%mul3A_2, %dma_wait3A_279] : memref<16384x416xf32, #tpu.memory_space<hbm>> -> memref<512x16xf32, #tpu.memory_space<hbm>>
    %dma_wait3A_281 = arith.constant 176 : i32
    %dma_wait3A_282 = tpu.memref_slice %arg54[%mul3A_2, %dma_wait3A_281] : memref<16384x416xf32, #tpu.memory_space<hbm>> -> memref<512x16xf32, #tpu.memory_space<hbm>>
    tpu.wait_dma2 semaphore(%arg86 : memref<!tpu.dma_semaphore, #tpu.memory_space<semaphore_mem>>) src(%arg82 : memref<512x16xf32, #tpu.memory_space<vmem>>) dst(%dma_wait3A_282 : memref<512x16xf32, #tpu.memory_space<hbm>>)
    %dma_start3A_283 = arith.constant 0 : i32
    %dma_start3A_284 = arith.constant 0 : i32
    %dma_start3A_285 = tpu.memref_slice %arg41[%dma_start3A_283, %dma_start3A_284] : memref<100000x16xf32, #tpu.memory_space<hbm>> -> memref<100000x16xf32, #tpu.memory_space<hbm>>
    tpu.enqueue_indirect_dma source(%dma_start3A_285 : memref<100000x16xf32, #tpu.memory_space<hbm>>) target(%arg82 : memref<512x16xf32, #tpu.memory_space<vmem>>) offsets(%arg68 : memref<512xi32, #tpu.memory_space<vmem>>) semaphore(%arg84 : memref<!tpu.dma_semaphore, #tpu.memory_space<semaphore_mem>>)
    %dma_wait3A_286 = arith.constant 0 : i32
    %dma_wait3A_287 = arith.constant 0 : i32
    %dma_wait3A_288 = tpu.memref_slice %arg41[%dma_wait3A_286, %dma_wait3A_287] : memref<100000x16xf32, #tpu.memory_space<hbm>> -> memref<100000x16xf32, #tpu.memory_space<hbm>>
    tpu.wait_indirect_dma semaphore(%arg84 : memref<!tpu.dma_semaphore, #tpu.memory_space<semaphore_mem>>) src(%dma_wait3A_288 : memref<100000x16xf32, #tpu.memory_space<hbm>>) dst(%arg82 : memref<512x16xf32, #tpu.memory_space<vmem>>)
    %dma_start3A_289 = arith.constant 208 : i32
    %dma_start3A_290 = tpu.memref_slice %arg54[%mul3A_2, %dma_start3A_289] : memref<16384x416xf32, #tpu.memory_space<hbm>> -> memref<512x16xf32, #tpu.memory_space<hbm>>
    %dma_start3A_291 = arith.constant 208 : i32
    %dma_start3A_292 = tpu.memref_slice %arg54[%mul3A_2, %dma_start3A_291] : memref<16384x416xf32, #tpu.memory_space<hbm>> -> memref<512x16xf32, #tpu.memory_space<hbm>>
    tpu.enqueue_dma source(%arg82 : memref<512x16xf32, #tpu.memory_space<vmem>>) target(%dma_start3A_292 : memref<512x16xf32, #tpu.memory_space<hbm>>) target_semaphore(%arg86 : memref<!tpu.dma_semaphore, #tpu.memory_space<semaphore_mem>>)
    %dma_wait3A_293 = arith.constant 192 : i32
    %dma_wait3A_294 = tpu.memref_slice %arg54[%mul3A_2, %dma_wait3A_293] : memref<16384x416xf32, #tpu.memory_space<hbm>> -> memref<512x16xf32, #tpu.memory_space<hbm>>
    %dma_wait3A_295 = arith.constant 192 : i32
    %dma_wait3A_296 = tpu.memref_slice %arg54[%mul3A_2, %dma_wait3A_295] : memref<16384x416xf32, #tpu.memory_space<hbm>> -> memref<512x16xf32, #tpu.memory_space<hbm>>
    tpu.wait_dma2 semaphore(%arg85 : memref<!tpu.dma_semaphore, #tpu.memory_space<semaphore_mem>>) src(%arg81 : memref<512x16xf32, #tpu.memory_space<vmem>>) dst(%dma_wait3A_296 : memref<512x16xf32, #tpu.memory_space<hbm>>)
    %dma_start3A_297 = arith.constant 0 : i32
    %dma_start3A_298 = arith.constant 0 : i32
    %dma_start3A_299 = tpu.memref_slice %arg42[%dma_start3A_297, %dma_start3A_298] : memref<100000x16xf32, #tpu.memory_space<hbm>> -> memref<100000x16xf32, #tpu.memory_space<hbm>>
    tpu.enqueue_indirect_dma source(%dma_start3A_299 : memref<100000x16xf32, #tpu.memory_space<hbm>>) target(%arg81 : memref<512x16xf32, #tpu.memory_space<vmem>>) offsets(%arg69 : memref<512xi32, #tpu.memory_space<vmem>>) semaphore(%arg83 : memref<!tpu.dma_semaphore, #tpu.memory_space<semaphore_mem>>)
    %dma_wait3A_300 = arith.constant 0 : i32
    %dma_wait3A_301 = arith.constant 0 : i32
    %dma_wait3A_302 = tpu.memref_slice %arg42[%dma_wait3A_300, %dma_wait3A_301] : memref<100000x16xf32, #tpu.memory_space<hbm>> -> memref<100000x16xf32, #tpu.memory_space<hbm>>
    tpu.wait_indirect_dma semaphore(%arg83 : memref<!tpu.dma_semaphore, #tpu.memory_space<semaphore_mem>>) src(%dma_wait3A_302 : memref<100000x16xf32, #tpu.memory_space<hbm>>) dst(%arg81 : memref<512x16xf32, #tpu.memory_space<vmem>>)
    %dma_start3A_303 = arith.constant 224 : i32
    %dma_start3A_304 = tpu.memref_slice %arg54[%mul3A_2, %dma_start3A_303] : memref<16384x416xf32, #tpu.memory_space<hbm>> -> memref<512x16xf32, #tpu.memory_space<hbm>>
    %dma_start3A_305 = arith.constant 224 : i32
    %dma_start3A_306 = tpu.memref_slice %arg54[%mul3A_2, %dma_start3A_305] : memref<16384x416xf32, #tpu.memory_space<hbm>> -> memref<512x16xf32, #tpu.memory_space<hbm>>
    tpu.enqueue_dma source(%arg81 : memref<512x16xf32, #tpu.memory_space<vmem>>) target(%dma_start3A_306 : memref<512x16xf32, #tpu.memory_space<hbm>>) target_semaphore(%arg85 : memref<!tpu.dma_semaphore, #tpu.memory_space<semaphore_mem>>)
    %dma_wait3A_307 = arith.constant 208 : i32
    %dma_wait3A_308 = tpu.memref_slice %arg54[%mul3A_2, %dma_wait3A_307] : memref<16384x416xf32, #tpu.memory_space<hbm>> -> memref<512x16xf32, #tpu.memory_space<hbm>>
    %dma_wait3A_309 = arith.constant 208 : i32
    %dma_wait3A_310 = tpu.memref_slice %arg54[%mul3A_2, %dma_wait3A_309] : memref<16384x416xf32, #tpu.memory_space<hbm>> -> memref<512x16xf32, #tpu.memory_space<hbm>>
    tpu.wait_dma2 semaphore(%arg86 : memref<!tpu.dma_semaphore, #tpu.memory_space<semaphore_mem>>) src(%arg82 : memref<512x16xf32, #tpu.memory_space<vmem>>) dst(%dma_wait3A_310 : memref<512x16xf32, #tpu.memory_space<hbm>>)
    %dma_start3A_311 = arith.constant 0 : i32
    %dma_start3A_312 = arith.constant 0 : i32
    %dma_start3A_313 = tpu.memref_slice %arg43[%dma_start3A_311, %dma_start3A_312] : memref<100000x16xf32, #tpu.memory_space<hbm>> -> memref<100000x16xf32, #tpu.memory_space<hbm>>
    tpu.enqueue_indirect_dma source(%dma_start3A_313 : memref<100000x16xf32, #tpu.memory_space<hbm>>) target(%arg82 : memref<512x16xf32, #tpu.memory_space<vmem>>) offsets(%arg70 : memref<512xi32, #tpu.memory_space<vmem>>) semaphore(%arg84 : memref<!tpu.dma_semaphore, #tpu.memory_space<semaphore_mem>>)
    %dma_wait3A_314 = arith.constant 0 : i32
    %dma_wait3A_315 = arith.constant 0 : i32
    %dma_wait3A_316 = tpu.memref_slice %arg43[%dma_wait3A_314, %dma_wait3A_315] : memref<100000x16xf32, #tpu.memory_space<hbm>> -> memref<100000x16xf32, #tpu.memory_space<hbm>>
    tpu.wait_indirect_dma semaphore(%arg84 : memref<!tpu.dma_semaphore, #tpu.memory_space<semaphore_mem>>) src(%dma_wait3A_316 : memref<100000x16xf32, #tpu.memory_space<hbm>>) dst(%arg82 : memref<512x16xf32, #tpu.memory_space<vmem>>)
    %dma_start3A_317 = arith.constant 240 : i32
    %dma_start3A_318 = tpu.memref_slice %arg54[%mul3A_2, %dma_start3A_317] : memref<16384x416xf32, #tpu.memory_space<hbm>> -> memref<512x16xf32, #tpu.memory_space<hbm>>
    %dma_start3A_319 = arith.constant 240 : i32
    %dma_start3A_320 = tpu.memref_slice %arg54[%mul3A_2, %dma_start3A_319] : memref<16384x416xf32, #tpu.memory_space<hbm>> -> memref<512x16xf32, #tpu.memory_space<hbm>>
    tpu.enqueue_dma source(%arg82 : memref<512x16xf32, #tpu.memory_space<vmem>>) target(%dma_start3A_320 : memref<512x16xf32, #tpu.memory_space<hbm>>) target_semaphore(%arg86 : memref<!tpu.dma_semaphore, #tpu.memory_space<semaphore_mem>>)
    %dma_wait3A_321 = arith.constant 224 : i32
    %dma_wait3A_322 = tpu.memref_slice %arg54[%mul3A_2, %dma_wait3A_321] : memref<16384x416xf32, #tpu.memory_space<hbm>> -> memref<512x16xf32, #tpu.memory_space<hbm>>
    %dma_wait3A_323 = arith.constant 224 : i32
    %dma_wait3A_324 = tpu.memref_slice %arg54[%mul3A_2, %dma_wait3A_323] : memref<16384x416xf32, #tpu.memory_space<hbm>> -> memref<512x16xf32, #tpu.memory_space<hbm>>
    tpu.wait_dma2 semaphore(%arg85 : memref<!tpu.dma_semaphore, #tpu.memory_space<semaphore_mem>>) src(%arg81 : memref<512x16xf32, #tpu.memory_space<vmem>>) dst(%dma_wait3A_324 : memref<512x16xf32, #tpu.memory_space<hbm>>)
    %dma_start3A_325 = arith.constant 0 : i32
    %dma_start3A_326 = arith.constant 0 : i32
    %dma_start3A_327 = tpu.memref_slice %arg44[%dma_start3A_325, %dma_start3A_326] : memref<100000x16xf32, #tpu.memory_space<hbm>> -> memref<100000x16xf32, #tpu.memory_space<hbm>>
    tpu.enqueue_indirect_dma source(%dma_start3A_327 : memref<100000x16xf32, #tpu.memory_space<hbm>>) target(%arg81 : memref<512x16xf32, #tpu.memory_space<vmem>>) offsets(%arg71 : memref<512xi32, #tpu.memory_space<vmem>>) semaphore(%arg83 : memref<!tpu.dma_semaphore, #tpu.memory_space<semaphore_mem>>)
    %dma_wait3A_328 = arith.constant 0 : i32
    %dma_wait3A_329 = arith.constant 0 : i32
    %dma_wait3A_330 = tpu.memref_slice %arg44[%dma_wait3A_328, %dma_wait3A_329] : memref<100000x16xf32, #tpu.memory_space<hbm>> -> memref<100000x16xf32, #tpu.memory_space<hbm>>
    tpu.wait_indirect_dma semaphore(%arg83 : memref<!tpu.dma_semaphore, #tpu.memory_space<semaphore_mem>>) src(%dma_wait3A_330 : memref<100000x16xf32, #tpu.memory_space<hbm>>) dst(%arg81 : memref<512x16xf32, #tpu.memory_space<vmem>>)
    %dma_start3A_331 = arith.constant 256 : i32
    %dma_start3A_332 = tpu.memref_slice %arg54[%mul3A_2, %dma_start3A_331] : memref<16384x416xf32, #tpu.memory_space<hbm>> -> memref<512x16xf32, #tpu.memory_space<hbm>>
    %dma_start3A_333 = arith.constant 256 : i32
    %dma_start3A_334 = tpu.memref_slice %arg54[%mul3A_2, %dma_start3A_333] : memref<16384x416xf32, #tpu.memory_space<hbm>> -> memref<512x16xf32, #tpu.memory_space<hbm>>
    tpu.enqueue_dma source(%arg81 : memref<512x16xf32, #tpu.memory_space<vmem>>) target(%dma_start3A_334 : memref<512x16xf32, #tpu.memory_space<hbm>>) target_semaphore(%arg85 : memref<!tpu.dma_semaphore, #tpu.memory_space<semaphore_mem>>)
    %dma_wait3A_335 = arith.constant 240 : i32
    %dma_wait3A_336 = tpu.memref_slice %arg54[%mul3A_2, %dma_wait3A_335] : memref<16384x416xf32, #tpu.memory_space<hbm>> -> memref<512x16xf32, #tpu.memory_space<hbm>>
    %dma_wait3A_337 = arith.constant 240 : i32
    %dma_wait3A_338 = tpu.memref_slice %arg54[%mul3A_2, %dma_wait3A_337] : memref<16384x416xf32, #tpu.memory_space<hbm>> -> memref<512x16xf32, #tpu.memory_space<hbm>>
    tpu.wait_dma2 semaphore(%arg86 : memref<!tpu.dma_semaphore, #tpu.memory_space<semaphore_mem>>) src(%arg82 : memref<512x16xf32, #tpu.memory_space<vmem>>) dst(%dma_wait3A_338 : memref<512x16xf32, #tpu.memory_space<hbm>>)
    %dma_start3A_339 = arith.constant 0 : i32
    %dma_start3A_340 = arith.constant 0 : i32
    %dma_start3A_341 = tpu.memref_slice %arg45[%dma_start3A_339, %dma_start3A_340] : memref<100000x16xf32, #tpu.memory_space<hbm>> -> memref<100000x16xf32, #tpu.memory_space<hbm>>
    tpu.enqueue_indirect_dma source(%dma_start3A_341 : memref<100000x16xf32, #tpu.memory_space<hbm>>) target(%arg82 : memref<512x16xf32, #tpu.memory_space<vmem>>) offsets(%arg72 : memref<512xi32, #tpu.memory_space<vmem>>) semaphore(%arg84 : memref<!tpu.dma_semaphore, #tpu.memory_space<semaphore_mem>>)
    %dma_wait3A_342 = arith.constant 0 : i32
    %dma_wait3A_343 = arith.constant 0 : i32
    %dma_wait3A_344 = tpu.memref_slice %arg45[%dma_wait3A_342, %dma_wait3A_343] : memref<100000x16xf32, #tpu.memory_space<hbm>> -> memref<100000x16xf32, #tpu.memory_space<hbm>>
    tpu.wait_indirect_dma semaphore(%arg84 : memref<!tpu.dma_semaphore, #tpu.memory_space<semaphore_mem>>) src(%dma_wait3A_344 : memref<100000x16xf32, #tpu.memory_space<hbm>>) dst(%arg82 : memref<512x16xf32, #tpu.memory_space<vmem>>)
    %dma_start3A_345 = arith.constant 272 : i32
    %dma_start3A_346 = tpu.memref_slice %arg54[%mul3A_2, %dma_start3A_345] : memref<16384x416xf32, #tpu.memory_space<hbm>> -> memref<512x16xf32, #tpu.memory_space<hbm>>
    %dma_start3A_347 = arith.constant 272 : i32
    %dma_start3A_348 = tpu.memref_slice %arg54[%mul3A_2, %dma_start3A_347] : memref<16384x416xf32, #tpu.memory_space<hbm>> -> memref<512x16xf32, #tpu.memory_space<hbm>>
    tpu.enqueue_dma source(%arg82 : memref<512x16xf32, #tpu.memory_space<vmem>>) target(%dma_start3A_348 : memref<512x16xf32, #tpu.memory_space<hbm>>) target_semaphore(%arg86 : memref<!tpu.dma_semaphore, #tpu.memory_space<semaphore_mem>>)
    %dma_wait3A_349 = arith.constant 256 : i32
    %dma_wait3A_350 = tpu.memref_slice %arg54[%mul3A_2, %dma_wait3A_349] : memref<16384x416xf32, #tpu.memory_space<hbm>> -> memref<512x16xf32, #tpu.memory_space<hbm>>
    %dma_wait3A_351 = arith.constant 256 : i32
    %dma_wait3A_352 = tpu.memref_slice %arg54[%mul3A_2, %dma_wait3A_351] : memref<16384x416xf32, #tpu.memory_space<hbm>> -> memref<512x16xf32, #tpu.memory_space<hbm>>
    tpu.wait_dma2 semaphore(%arg85 : memref<!tpu.dma_semaphore, #tpu.memory_space<semaphore_mem>>) src(%arg81 : memref<512x16xf32, #tpu.memory_space<vmem>>) dst(%dma_wait3A_352 : memref<512x16xf32, #tpu.memory_space<hbm>>)
    %dma_start3A_353 = arith.constant 0 : i32
    %dma_start3A_354 = arith.constant 0 : i32
    %dma_start3A_355 = tpu.memref_slice %arg46[%dma_start3A_353, %dma_start3A_354] : memref<100000x16xf32, #tpu.memory_space<hbm>> -> memref<100000x16xf32, #tpu.memory_space<hbm>>
    tpu.enqueue_indirect_dma source(%dma_start3A_355 : memref<100000x16xf32, #tpu.memory_space<hbm>>) target(%arg81 : memref<512x16xf32, #tpu.memory_space<vmem>>) offsets(%arg73 : memref<512xi32, #tpu.memory_space<vmem>>) semaphore(%arg83 : memref<!tpu.dma_semaphore, #tpu.memory_space<semaphore_mem>>)
    %dma_wait3A_356 = arith.constant 0 : i32
    %dma_wait3A_357 = arith.constant 0 : i32
    %dma_wait3A_358 = tpu.memref_slice %arg46[%dma_wait3A_356, %dma_wait3A_357] : memref<100000x16xf32, #tpu.memory_space<hbm>> -> memref<100000x16xf32, #tpu.memory_space<hbm>>
    tpu.wait_indirect_dma semaphore(%arg83 : memref<!tpu.dma_semaphore, #tpu.memory_space<semaphore_mem>>) src(%dma_wait3A_358 : memref<100000x16xf32, #tpu.memory_space<hbm>>) dst(%arg81 : memref<512x16xf32, #tpu.memory_space<vmem>>)
    %dma_start3A_359 = arith.constant 288 : i32
    %dma_start3A_360 = tpu.memref_slice %arg54[%mul3A_2, %dma_start3A_359] : memref<16384x416xf32, #tpu.memory_space<hbm>> -> memref<512x16xf32, #tpu.memory_space<hbm>>
    %dma_start3A_361 = arith.constant 288 : i32
    %dma_start3A_362 = tpu.memref_slice %arg54[%mul3A_2, %dma_start3A_361] : memref<16384x416xf32, #tpu.memory_space<hbm>> -> memref<512x16xf32, #tpu.memory_space<hbm>>
    tpu.enqueue_dma source(%arg81 : memref<512x16xf32, #tpu.memory_space<vmem>>) target(%dma_start3A_362 : memref<512x16xf32, #tpu.memory_space<hbm>>) target_semaphore(%arg85 : memref<!tpu.dma_semaphore, #tpu.memory_space<semaphore_mem>>)
    %dma_wait3A_363 = arith.constant 272 : i32
    %dma_wait3A_364 = tpu.memref_slice %arg54[%mul3A_2, %dma_wait3A_363] : memref<16384x416xf32, #tpu.memory_space<hbm>> -> memref<512x16xf32, #tpu.memory_space<hbm>>
    %dma_wait3A_365 = arith.constant 272 : i32
    %dma_wait3A_366 = tpu.memref_slice %arg54[%mul3A_2, %dma_wait3A_365] : memref<16384x416xf32, #tpu.memory_space<hbm>> -> memref<512x16xf32, #tpu.memory_space<hbm>>
    tpu.wait_dma2 semaphore(%arg86 : memref<!tpu.dma_semaphore, #tpu.memory_space<semaphore_mem>>) src(%arg82 : memref<512x16xf32, #tpu.memory_space<vmem>>) dst(%dma_wait3A_366 : memref<512x16xf32, #tpu.memory_space<hbm>>)
    %dma_start3A_367 = arith.constant 0 : i32
    %dma_start3A_368 = arith.constant 0 : i32
    %dma_start3A_369 = tpu.memref_slice %arg47[%dma_start3A_367, %dma_start3A_368] : memref<100000x16xf32, #tpu.memory_space<hbm>> -> memref<100000x16xf32, #tpu.memory_space<hbm>>
    tpu.enqueue_indirect_dma source(%dma_start3A_369 : memref<100000x16xf32, #tpu.memory_space<hbm>>) target(%arg82 : memref<512x16xf32, #tpu.memory_space<vmem>>) offsets(%arg74 : memref<512xi32, #tpu.memory_space<vmem>>) semaphore(%arg84 : memref<!tpu.dma_semaphore, #tpu.memory_space<semaphore_mem>>)
    %dma_wait3A_370 = arith.constant 0 : i32
    %dma_wait3A_371 = arith.constant 0 : i32
    %dma_wait3A_372 = tpu.memref_slice %arg47[%dma_wait3A_370, %dma_wait3A_371] : memref<100000x16xf32, #tpu.memory_space<hbm>> -> memref<100000x16xf32, #tpu.memory_space<hbm>>
    tpu.wait_indirect_dma semaphore(%arg84 : memref<!tpu.dma_semaphore, #tpu.memory_space<semaphore_mem>>) src(%dma_wait3A_372 : memref<100000x16xf32, #tpu.memory_space<hbm>>) dst(%arg82 : memref<512x16xf32, #tpu.memory_space<vmem>>)
    %dma_start3A_373 = arith.constant 304 : i32
    %dma_start3A_374 = tpu.memref_slice %arg54[%mul3A_2, %dma_start3A_373] : memref<16384x416xf32, #tpu.memory_space<hbm>> -> memref<512x16xf32, #tpu.memory_space<hbm>>
    %dma_start3A_375 = arith.constant 304 : i32
    %dma_start3A_376 = tpu.memref_slice %arg54[%mul3A_2, %dma_start3A_375] : memref<16384x416xf32, #tpu.memory_space<hbm>> -> memref<512x16xf32, #tpu.memory_space<hbm>>
    tpu.enqueue_dma source(%arg82 : memref<512x16xf32, #tpu.memory_space<vmem>>) target(%dma_start3A_376 : memref<512x16xf32, #tpu.memory_space<hbm>>) target_semaphore(%arg86 : memref<!tpu.dma_semaphore, #tpu.memory_space<semaphore_mem>>)
    %dma_wait3A_377 = arith.constant 288 : i32
    %dma_wait3A_378 = tpu.memref_slice %arg54[%mul3A_2, %dma_wait3A_377] : memref<16384x416xf32, #tpu.memory_space<hbm>> -> memref<512x16xf32, #tpu.memory_space<hbm>>
    %dma_wait3A_379 = arith.constant 288 : i32
    %dma_wait3A_380 = tpu.memref_slice %arg54[%mul3A_2, %dma_wait3A_379] : memref<16384x416xf32, #tpu.memory_space<hbm>> -> memref<512x16xf32, #tpu.memory_space<hbm>>
    tpu.wait_dma2 semaphore(%arg85 : memref<!tpu.dma_semaphore, #tpu.memory_space<semaphore_mem>>) src(%arg81 : memref<512x16xf32, #tpu.memory_space<vmem>>) dst(%dma_wait3A_380 : memref<512x16xf32, #tpu.memory_space<hbm>>)
    %dma_start3A_381 = arith.constant 0 : i32
    %dma_start3A_382 = arith.constant 0 : i32
    %dma_start3A_383 = tpu.memref_slice %arg48[%dma_start3A_381, %dma_start3A_382] : memref<100000x16xf32, #tpu.memory_space<hbm>> -> memref<100000x16xf32, #tpu.memory_space<hbm>>
    tpu.enqueue_indirect_dma source(%dma_start3A_383 : memref<100000x16xf32, #tpu.memory_space<hbm>>) target(%arg81 : memref<512x16xf32, #tpu.memory_space<vmem>>) offsets(%arg75 : memref<512xi32, #tpu.memory_space<vmem>>) semaphore(%arg83 : memref<!tpu.dma_semaphore, #tpu.memory_space<semaphore_mem>>)
    %dma_wait3A_384 = arith.constant 0 : i32
    %dma_wait3A_385 = arith.constant 0 : i32
    %dma_wait3A_386 = tpu.memref_slice %arg48[%dma_wait3A_384, %dma_wait3A_385] : memref<100000x16xf32, #tpu.memory_space<hbm>> -> memref<100000x16xf32, #tpu.memory_space<hbm>>
    tpu.wait_indirect_dma semaphore(%arg83 : memref<!tpu.dma_semaphore, #tpu.memory_space<semaphore_mem>>) src(%dma_wait3A_386 : memref<100000x16xf32, #tpu.memory_space<hbm>>) dst(%arg81 : memref<512x16xf32, #tpu.memory_space<vmem>>)
    %dma_start3A_387 = arith.constant 320 : i32
    %dma_start3A_388 = tpu.memref_slice %arg54[%mul3A_2, %dma_start3A_387] : memref<16384x416xf32, #tpu.memory_space<hbm>> -> memref<512x16xf32, #tpu.memory_space<hbm>>
    %dma_start3A_389 = arith.constant 320 : i32
    %dma_start3A_390 = tpu.memref_slice %arg54[%mul3A_2, %dma_start3A_389] : memref<16384x416xf32, #tpu.memory_space<hbm>> -> memref<512x16xf32, #tpu.memory_space<hbm>>
    tpu.enqueue_dma source(%arg81 : memref<512x16xf32, #tpu.memory_space<vmem>>) target(%dma_start3A_390 : memref<512x16xf32, #tpu.memory_space<hbm>>) target_semaphore(%arg85 : memref<!tpu.dma_semaphore, #tpu.memory_space<semaphore_mem>>)
    %dma_wait3A_391 = arith.constant 304 : i32
    %dma_wait3A_392 = tpu.memref_slice %arg54[%mul3A_2, %dma_wait3A_391] : memref<16384x416xf32, #tpu.memory_space<hbm>> -> memref<512x16xf32, #tpu.memory_space<hbm>>
    %dma_wait3A_393 = arith.constant 304 : i32
    %dma_wait3A_394 = tpu.memref_slice %arg54[%mul3A_2, %dma_wait3A_393] : memref<16384x416xf32, #tpu.memory_space<hbm>> -> memref<512x16xf32, #tpu.memory_space<hbm>>
    tpu.wait_dma2 semaphore(%arg86 : memref<!tpu.dma_semaphore, #tpu.memory_space<semaphore_mem>>) src(%arg82 : memref<512x16xf32, #tpu.memory_space<vmem>>) dst(%dma_wait3A_394 : memref<512x16xf32, #tpu.memory_space<hbm>>)
    %dma_start3A_395 = arith.constant 0 : i32
    %dma_start3A_396 = arith.constant 0 : i32
    %dma_start3A_397 = tpu.memref_slice %arg49[%dma_start3A_395, %dma_start3A_396] : memref<100000x16xf32, #tpu.memory_space<hbm>> -> memref<100000x16xf32, #tpu.memory_space<hbm>>
    tpu.enqueue_indirect_dma source(%dma_start3A_397 : memref<100000x16xf32, #tpu.memory_space<hbm>>) target(%arg82 : memref<512x16xf32, #tpu.memory_space<vmem>>) offsets(%arg76 : memref<512xi32, #tpu.memory_space<vmem>>) semaphore(%arg84 : memref<!tpu.dma_semaphore, #tpu.memory_space<semaphore_mem>>)
    %dma_wait3A_398 = arith.constant 0 : i32
    %dma_wait3A_399 = arith.constant 0 : i32
    %dma_wait3A_400 = tpu.memref_slice %arg49[%dma_wait3A_398, %dma_wait3A_399] : memref<100000x16xf32, #tpu.memory_space<hbm>> -> memref<100000x16xf32, #tpu.memory_space<hbm>>
    tpu.wait_indirect_dma semaphore(%arg84 : memref<!tpu.dma_semaphore, #tpu.memory_space<semaphore_mem>>) src(%dma_wait3A_400 : memref<100000x16xf32, #tpu.memory_space<hbm>>) dst(%arg82 : memref<512x16xf32, #tpu.memory_space<vmem>>)
    %dma_start3A_401 = arith.constant 336 : i32
    %dma_start3A_402 = tpu.memref_slice %arg54[%mul3A_2, %dma_start3A_401] : memref<16384x416xf32, #tpu.memory_space<hbm>> -> memref<512x16xf32, #tpu.memory_space<hbm>>
    %dma_start3A_403 = arith.constant 336 : i32
    %dma_start3A_404 = tpu.memref_slice %arg54[%mul3A_2, %dma_start3A_403] : memref<16384x416xf32, #tpu.memory_space<hbm>> -> memref<512x16xf32, #tpu.memory_space<hbm>>
    tpu.enqueue_dma source(%arg82 : memref<512x16xf32, #tpu.memory_space<vmem>>) target(%dma_start3A_404 : memref<512x16xf32, #tpu.memory_space<hbm>>) target_semaphore(%arg86 : memref<!tpu.dma_semaphore, #tpu.memory_space<semaphore_mem>>)
    %dma_wait3A_405 = arith.constant 320 : i32
    %dma_wait3A_406 = tpu.memref_slice %arg54[%mul3A_2, %dma_wait3A_405] : memref<16384x416xf32, #tpu.memory_space<hbm>> -> memref<512x16xf32, #tpu.memory_space<hbm>>
    %dma_wait3A_407 = arith.constant 320 : i32
    %dma_wait3A_408 = tpu.memref_slice %arg54[%mul3A_2, %dma_wait3A_407] : memref<16384x416xf32, #tpu.memory_space<hbm>> -> memref<512x16xf32, #tpu.memory_space<hbm>>
    tpu.wait_dma2 semaphore(%arg85 : memref<!tpu.dma_semaphore, #tpu.memory_space<semaphore_mem>>) src(%arg81 : memref<512x16xf32, #tpu.memory_space<vmem>>) dst(%dma_wait3A_408 : memref<512x16xf32, #tpu.memory_space<hbm>>)
    %dma_start3A_409 = arith.constant 0 : i32
    %dma_start3A_410 = arith.constant 0 : i32
    %dma_start3A_411 = tpu.memref_slice %arg50[%dma_start3A_409, %dma_start3A_410] : memref<100000x16xf32, #tpu.memory_space<hbm>> -> memref<100000x16xf32, #tpu.memory_space<hbm>>
    tpu.enqueue_indirect_dma source(%dma_start3A_411 : memref<100000x16xf32, #tpu.memory_space<hbm>>) target(%arg81 : memref<512x16xf32, #tpu.memory_space<vmem>>) offsets(%arg77 : memref<512xi32, #tpu.memory_space<vmem>>) semaphore(%arg83 : memref<!tpu.dma_semaphore, #tpu.memory_space<semaphore_mem>>)
    %dma_wait3A_412 = arith.constant 0 : i32
    %dma_wait3A_413 = arith.constant 0 : i32
    %dma_wait3A_414 = tpu.memref_slice %arg50[%dma_wait3A_412, %dma_wait3A_413] : memref<100000x16xf32, #tpu.memory_space<hbm>> -> memref<100000x16xf32, #tpu.memory_space<hbm>>
    tpu.wait_indirect_dma semaphore(%arg83 : memref<!tpu.dma_semaphore, #tpu.memory_space<semaphore_mem>>) src(%dma_wait3A_414 : memref<100000x16xf32, #tpu.memory_space<hbm>>) dst(%arg81 : memref<512x16xf32, #tpu.memory_space<vmem>>)
    %dma_start3A_415 = arith.constant 352 : i32
    %dma_start3A_416 = tpu.memref_slice %arg54[%mul3A_2, %dma_start3A_415] : memref<16384x416xf32, #tpu.memory_space<hbm>> -> memref<512x16xf32, #tpu.memory_space<hbm>>
    %dma_start3A_417 = arith.constant 352 : i32
    %dma_start3A_418 = tpu.memref_slice %arg54[%mul3A_2, %dma_start3A_417] : memref<16384x416xf32, #tpu.memory_space<hbm>> -> memref<512x16xf32, #tpu.memory_space<hbm>>
    tpu.enqueue_dma source(%arg81 : memref<512x16xf32, #tpu.memory_space<vmem>>) target(%dma_start3A_418 : memref<512x16xf32, #tpu.memory_space<hbm>>) target_semaphore(%arg85 : memref<!tpu.dma_semaphore, #tpu.memory_space<semaphore_mem>>)
    %dma_wait3A_419 = arith.constant 336 : i32
    %dma_wait3A_420 = tpu.memref_slice %arg54[%mul3A_2, %dma_wait3A_419] : memref<16384x416xf32, #tpu.memory_space<hbm>> -> memref<512x16xf32, #tpu.memory_space<hbm>>
    %dma_wait3A_421 = arith.constant 336 : i32
    %dma_wait3A_422 = tpu.memref_slice %arg54[%mul3A_2, %dma_wait3A_421] : memref<16384x416xf32, #tpu.memory_space<hbm>> -> memref<512x16xf32, #tpu.memory_space<hbm>>
    tpu.wait_dma2 semaphore(%arg86 : memref<!tpu.dma_semaphore, #tpu.memory_space<semaphore_mem>>) src(%arg82 : memref<512x16xf32, #tpu.memory_space<vmem>>) dst(%dma_wait3A_422 : memref<512x16xf32, #tpu.memory_space<hbm>>)
    %dma_start3A_423 = arith.constant 0 : i32
    %dma_start3A_424 = arith.constant 0 : i32
    %dma_start3A_425 = tpu.memref_slice %arg51[%dma_start3A_423, %dma_start3A_424] : memref<100000x16xf32, #tpu.memory_space<hbm>> -> memref<100000x16xf32, #tpu.memory_space<hbm>>
    tpu.enqueue_indirect_dma source(%dma_start3A_425 : memref<100000x16xf32, #tpu.memory_space<hbm>>) target(%arg82 : memref<512x16xf32, #tpu.memory_space<vmem>>) offsets(%arg78 : memref<512xi32, #tpu.memory_space<vmem>>) semaphore(%arg84 : memref<!tpu.dma_semaphore, #tpu.memory_space<semaphore_mem>>)
    %dma_wait3A_426 = arith.constant 0 : i32
    %dma_wait3A_427 = arith.constant 0 : i32
    %dma_wait3A_428 = tpu.memref_slice %arg51[%dma_wait3A_426, %dma_wait3A_427] : memref<100000x16xf32, #tpu.memory_space<hbm>> -> memref<100000x16xf32, #tpu.memory_space<hbm>>
    tpu.wait_indirect_dma semaphore(%arg84 : memref<!tpu.dma_semaphore, #tpu.memory_space<semaphore_mem>>) src(%dma_wait3A_428 : memref<100000x16xf32, #tpu.memory_space<hbm>>) dst(%arg82 : memref<512x16xf32, #tpu.memory_space<vmem>>)
    %dma_start3A_429 = arith.constant 368 : i32
    %dma_start3A_430 = tpu.memref_slice %arg54[%mul3A_2, %dma_start3A_429] : memref<16384x416xf32, #tpu.memory_space<hbm>> -> memref<512x16xf32, #tpu.memory_space<hbm>>
    %dma_start3A_431 = arith.constant 368 : i32
    %dma_start3A_432 = tpu.memref_slice %arg54[%mul3A_2, %dma_start3A_431] : memref<16384x416xf32, #tpu.memory_space<hbm>> -> memref<512x16xf32, #tpu.memory_space<hbm>>
    tpu.enqueue_dma source(%arg82 : memref<512x16xf32, #tpu.memory_space<vmem>>) target(%dma_start3A_432 : memref<512x16xf32, #tpu.memory_space<hbm>>) target_semaphore(%arg86 : memref<!tpu.dma_semaphore, #tpu.memory_space<semaphore_mem>>)
    %dma_wait3A_433 = arith.constant 352 : i32
    %dma_wait3A_434 = tpu.memref_slice %arg54[%mul3A_2, %dma_wait3A_433] : memref<16384x416xf32, #tpu.memory_space<hbm>> -> memref<512x16xf32, #tpu.memory_space<hbm>>
    %dma_wait3A_435 = arith.constant 352 : i32
    %dma_wait3A_436 = tpu.memref_slice %arg54[%mul3A_2, %dma_wait3A_435] : memref<16384x416xf32, #tpu.memory_space<hbm>> -> memref<512x16xf32, #tpu.memory_space<hbm>>
    tpu.wait_dma2 semaphore(%arg85 : memref<!tpu.dma_semaphore, #tpu.memory_space<semaphore_mem>>) src(%arg81 : memref<512x16xf32, #tpu.memory_space<vmem>>) dst(%dma_wait3A_436 : memref<512x16xf32, #tpu.memory_space<hbm>>)
    %dma_start3A_437 = arith.constant 0 : i32
    %dma_start3A_438 = arith.constant 0 : i32
    %dma_start3A_439 = tpu.memref_slice %arg52[%dma_start3A_437, %dma_start3A_438] : memref<100000x16xf32, #tpu.memory_space<hbm>> -> memref<100000x16xf32, #tpu.memory_space<hbm>>
    tpu.enqueue_indirect_dma source(%dma_start3A_439 : memref<100000x16xf32, #tpu.memory_space<hbm>>) target(%arg81 : memref<512x16xf32, #tpu.memory_space<vmem>>) offsets(%arg79 : memref<512xi32, #tpu.memory_space<vmem>>) semaphore(%arg83 : memref<!tpu.dma_semaphore, #tpu.memory_space<semaphore_mem>>)
    %dma_wait3A_440 = arith.constant 0 : i32
    %dma_wait3A_441 = arith.constant 0 : i32
    %dma_wait3A_442 = tpu.memref_slice %arg52[%dma_wait3A_440, %dma_wait3A_441] : memref<100000x16xf32, #tpu.memory_space<hbm>> -> memref<100000x16xf32, #tpu.memory_space<hbm>>
    tpu.wait_indirect_dma semaphore(%arg83 : memref<!tpu.dma_semaphore, #tpu.memory_space<semaphore_mem>>) src(%dma_wait3A_442 : memref<100000x16xf32, #tpu.memory_space<hbm>>) dst(%arg81 : memref<512x16xf32, #tpu.memory_space<vmem>>)
    %dma_start3A_443 = arith.constant 384 : i32
    %dma_start3A_444 = tpu.memref_slice %arg54[%mul3A_2, %dma_start3A_443] : memref<16384x416xf32, #tpu.memory_space<hbm>> -> memref<512x16xf32, #tpu.memory_space<hbm>>
    %dma_start3A_445 = arith.constant 384 : i32
    %dma_start3A_446 = tpu.memref_slice %arg54[%mul3A_2, %dma_start3A_445] : memref<16384x416xf32, #tpu.memory_space<hbm>> -> memref<512x16xf32, #tpu.memory_space<hbm>>
    tpu.enqueue_dma source(%arg81 : memref<512x16xf32, #tpu.memory_space<vmem>>) target(%dma_start3A_446 : memref<512x16xf32, #tpu.memory_space<hbm>>) target_semaphore(%arg85 : memref<!tpu.dma_semaphore, #tpu.memory_space<semaphore_mem>>)
    %dma_wait3A_447 = arith.constant 368 : i32
    %dma_wait3A_448 = tpu.memref_slice %arg54[%mul3A_2, %dma_wait3A_447] : memref<16384x416xf32, #tpu.memory_space<hbm>> -> memref<512x16xf32, #tpu.memory_space<hbm>>
    %dma_wait3A_449 = arith.constant 368 : i32
    %dma_wait3A_450 = tpu.memref_slice %arg54[%mul3A_2, %dma_wait3A_449] : memref<16384x416xf32, #tpu.memory_space<hbm>> -> memref<512x16xf32, #tpu.memory_space<hbm>>
    tpu.wait_dma2 semaphore(%arg86 : memref<!tpu.dma_semaphore, #tpu.memory_space<semaphore_mem>>) src(%arg82 : memref<512x16xf32, #tpu.memory_space<vmem>>) dst(%dma_wait3A_450 : memref<512x16xf32, #tpu.memory_space<hbm>>)
    %dma_start3A_451 = arith.constant 0 : i32
    %dma_start3A_452 = arith.constant 0 : i32
    %dma_start3A_453 = tpu.memref_slice %arg53[%dma_start3A_451, %dma_start3A_452] : memref<100000x16xf32, #tpu.memory_space<hbm>> -> memref<100000x16xf32, #tpu.memory_space<hbm>>
    tpu.enqueue_indirect_dma source(%dma_start3A_453 : memref<100000x16xf32, #tpu.memory_space<hbm>>) target(%arg82 : memref<512x16xf32, #tpu.memory_space<vmem>>) offsets(%arg80 : memref<512xi32, #tpu.memory_space<vmem>>) semaphore(%arg84 : memref<!tpu.dma_semaphore, #tpu.memory_space<semaphore_mem>>)
    %dma_wait3A_454 = arith.constant 0 : i32
    %dma_wait3A_455 = arith.constant 0 : i32
    %dma_wait3A_456 = tpu.memref_slice %arg53[%dma_wait3A_454, %dma_wait3A_455] : memref<100000x16xf32, #tpu.memory_space<hbm>> -> memref<100000x16xf32, #tpu.memory_space<hbm>>
    tpu.wait_indirect_dma semaphore(%arg84 : memref<!tpu.dma_semaphore, #tpu.memory_space<semaphore_mem>>) src(%dma_wait3A_456 : memref<100000x16xf32, #tpu.memory_space<hbm>>) dst(%arg82 : memref<512x16xf32, #tpu.memory_space<vmem>>)
    %dma_start3A_457 = arith.constant 400 : i32
    %dma_start3A_458 = tpu.memref_slice %arg54[%mul3A_2, %dma_start3A_457] : memref<16384x416xf32, #tpu.memory_space<hbm>> -> memref<512x16xf32, #tpu.memory_space<hbm>>
    %dma_start3A_459 = arith.constant 400 : i32
    %dma_start3A_460 = tpu.memref_slice %arg54[%mul3A_2, %dma_start3A_459] : memref<16384x416xf32, #tpu.memory_space<hbm>> -> memref<512x16xf32, #tpu.memory_space<hbm>>
    tpu.enqueue_dma source(%arg82 : memref<512x16xf32, #tpu.memory_space<vmem>>) target(%dma_start3A_460 : memref<512x16xf32, #tpu.memory_space<hbm>>) target_semaphore(%arg86 : memref<!tpu.dma_semaphore, #tpu.memory_space<semaphore_mem>>)
    %dma_wait3A_461 = arith.constant 384 : i32
    %dma_wait3A_462 = tpu.memref_slice %arg54[%mul3A_2, %dma_wait3A_461] : memref<16384x416xf32, #tpu.memory_space<hbm>> -> memref<512x16xf32, #tpu.memory_space<hbm>>
    %dma_wait3A_463 = arith.constant 384 : i32
    %dma_wait3A_464 = tpu.memref_slice %arg54[%mul3A_2, %dma_wait3A_463] : memref<16384x416xf32, #tpu.memory_space<hbm>> -> memref<512x16xf32, #tpu.memory_space<hbm>>
    tpu.wait_dma2 semaphore(%arg85 : memref<!tpu.dma_semaphore, #tpu.memory_space<semaphore_mem>>) src(%arg81 : memref<512x16xf32, #tpu.memory_space<vmem>>) dst(%dma_wait3A_464 : memref<512x16xf32, #tpu.memory_space<hbm>>)
    %dma_wait3A_465 = arith.constant 400 : i32
    %dma_wait3A_466 = tpu.memref_slice %arg54[%mul3A_2, %dma_wait3A_465] : memref<16384x416xf32, #tpu.memory_space<hbm>> -> memref<512x16xf32, #tpu.memory_space<hbm>>
    %dma_wait3A_467 = arith.constant 400 : i32
    %dma_wait3A_468 = tpu.memref_slice %arg54[%mul3A_2, %dma_wait3A_467] : memref<16384x416xf32, #tpu.memory_space<hbm>> -> memref<512x16xf32, #tpu.memory_space<hbm>>
    tpu.wait_dma2 semaphore(%arg86 : memref<!tpu.dma_semaphore, #tpu.memory_space<semaphore_mem>>) src(%arg82 : memref<512x16xf32, #tpu.memory_space<vmem>>) dst(%dma_wait3A_468 : memref<512x16xf32, #tpu.memory_space<hbm>>)
    return
  }
}

</mosaic_0001>

<sc_bundles>
// kernel: kernel.3.cloned.1.call-start
scs
__scs_entry_jumppad:
0x0: {  	(pc) =	sbr.rel $0x88, $3  }
0x1: {  	(tag) =	ssettag $0x0;
	lr =	simm.s32 $0x1  }
0x2: {  	[smem:$0x3F6D] =	sst lr;
	_ =	strace $0xD0000000  }
0x3: {  	_ = 	snop  }
0x4: {  	_ = 	snop  }
0x5: {  	_ = 	snop  }
0x6: {  	_ = 	snop  }
0x7: {  	_ = 	snop  }
__scs_overlays_trampoline_lowered:
0x8: {  	[smem:$0x3F7C] =	sst s0  }
0x9: {  	[smem:$0x3F7D] =	sst s1  }
0xa: {  	[smem:$0x3F7E] =	sst s2  }
0xb: {  	[smem:$0x3F7F] =	sst s3  }
0xc: {  	[smem:$0x3F80] =	sst s4  }
0xd: {  	[smem:$0x3F81] =	sst s5  }
0xe: {  	[smem:$0x3F82] =	sst s6  }
0xf: {  	[smem:$0x3F83] =	sst s7  }
0x10: {  	[smem:$0x3F84] =	sst s8  }
0x11: {  	[smem:$0x3F85] =	sst s9;
	s0 =	simm.s32 @!p0 $0x0  }
0x12: {  	s1 =	sld [smem:$0x3F6B];
	s0 =	simm.s32 @p0 $0x1  }
0x13: {  	[smem:$0x3F86] =	sst s0;
	s0 =	simm.s32 @!p1 $0x0  }
0x14: {  	s2 =	sld [smem:$0x3F6A];
	s0 =	simm.s32 @p1 $0x1  }
0x15: {  	[smem:$0x3F87] =	sst s0;
	s0 =	simm.s32 @!p2 $0x0  }
0x16: {  	s3 =	sld [smem:$0x3FDB];
	s0 =	simm.s32 @p2 $0x1  }
0x17: {  	s4 =	simm.s32 $0x1BF5;
	[smem:$0x3F89] =	sst s0  }
0x18: {  	s0 =	sld [smem:$0x3F6C];
	_ =	swait.ge [sflag:s4], $0x0  }
0x19: {  	s7 =	sld [smem:$0x3F6D]  }
0x1a: {  	s8 =	sadd.s32 $0xFFFFE003, lr  }
0x1b: {  	s9 =	sadd.s32 $0xFFFFFEF7, lr;
	s5 =	simm.s32 $0xFFFFFFFF;
	p2 =	slt.u32 s8, $0xFFFFF086  }
0x1c: {  	p1 =	slt.u32 s9, $0xF7A;
	s5 =	simm.s32 @!p2 $0x0  }
0x1d: {  	s5 =	simm.s32 @p1 $0x1;
	p0 =	seq.s32 s7, s2  }
0x1e: {  	s7 =	smul.u32 @!p0 $0xF7A, s2;
	p2 =	seq.s32 @!p0 s5, $0x0  }
0x1f: {  	s9 =	smul.u32 $0xF7A, s1;
	s8 =	simm.s32 @!p0 $0x1BF5;
	p2 =	por !p2, p0  }
0x20: {  	[sflag:s8] =	ssyncset.s32 @!p0 $0xFFFFF086;
	s6 =	sadd.s32 @!p0 s3, s7;
	s7 =	simm.s32 @!p0 $0x108  }
0x21: {  	s3 =	sadd.s32 s3, s9;
	s6 =	sadd.s32 @!p0 $0x88, s6;
	s7 =	simm.s32 @p2 $0x1082  }
0x22: {  	[simem:s7], [sflag:s8] =	dma.local @!p0 [hbm:s6], $0xF7A  }
0x23: {  	s9 =	sor.u32 $0xD0000000, s2;
	s6 =	simm.s32 $0x108;
	_ =	swait.ge @!p0 [sflag:s8], $0x0  }
0x24: {  	s3 =	sadd.s32 $0x88, s3;
	s6 =	simm.s32 @!p1 $0x1082;
	[sflag:s4] =	ssyncset.s32 $0xFFFFF086  }
0x25: {  	[simem:s6], [sflag:s4] =	dma.local [hbm:s3], $0xF7A  }
0x26: {  	[smem:$0x3F6D] =	sst s1;
	(tag) =	ssettag s2;
	_ =	strace s9  }
0x27: {  	s1 =	sld [smem:$0x3F7D]  }
0x28: {  	s2 =	sld [smem:$0x3F7E]  }
0x29: {  	s4 =	sld [smem:$0x3F80]  }
0x2a: {  	p0 =	seq.s32 s5, $0x0;
	s5 =	sld [smem:$0x3F81]  }
0x2b: {  	s6 =	sld [smem:$0x3F82]  }
0x2c: {  	s7 =	sld [smem:$0x3F83]  }
0x2d: {  	s3 =	simm.s32 $0x108;
	s8 =	sld [smem:$0x3F84]  }
0x2e: {  	s3 =	simm.s32 @!p0 $0x1082;
	s9 =	sld [smem:$0x3F85]  }
0x2f: {  	lr =	sadd.s32 s0, s3;
	s0 =	sld [smem:$0x3F7C]  }
0x30: {  	s3 =	sld [smem:$0x3F7F]  }
0x31: {  	[smem:$0x3F88] =	sst s10  }
0x32: {  	s10 =	sld [smem:$0x3F86];
	_ =	sdelay $0x3  }
0x33: {  	p0 =	seq.s32 s10, $0x1;
	s10 =	sld [smem:$0x3F88];
	_ =	sdelay $0x3  }
0x34: {  	[smem:$0x3F88] =	sst s10  }
0x35: {  	s10 =	sld [smem:$0x3F87];
	_ =	sdelay $0x3  }
0x36: {  	p1 =	seq.s32 s10, $0x1;
	s10 =	sld [smem:$0x3F88];
	_ =	sdelay $0x3  }
0x37: {  	[smem:$0x3F88] =	sst s10  }
0x38: {  	s10 =	sld [smem:$0x3F89]  }
0x39: {  	_ = 	snop;
	(pc) =	sbr.ind lr, $3  }
0x3a: {  	_ = 	snop  }
0x3b: {  	_ = 	snop  }
0x3c: {  	p2 =	seq.s32 s10, $0x1;
	s10 =	sld [smem:$0x3F88]  }
0x3d: {  	_ =	shalt  }
0x3e: {  	_ =	shalt  }
0x3f: {  	_ =	shalt  }
0x40: {  	_ =	shalt  }
0x41: {  	_ =	shalt  }
0x42: {  	_ =	shalt  }
0x43: {  	_ =	shalt  }
0x44: {  	_ =	shalt  }
0x45: {  	_ =	shalt  }
0x46: {  	_ =	shalt  }
0x47: {  	_ =	shalt  }
0x48: {  	_ =	shalt  }
0x49: {  	_ =	shalt  }
0x4a: {  	_ =	shalt  }
0x4b: {  	_ =	shalt  }
0x4c: {  	_ =	shalt  }
0x4d: {  	_ =	shalt  }
0x4e: {  	_ =	shalt  }
0x4f: {  	_ =	shalt  }
0x50: {  	_ =	shalt  }
0x51: {  	_ =	shalt  }
0x52: {  	_ =	shalt  }
0x53: {  	_ =	shalt  }
0x54: {  	_ =	shalt  }
0x55: {  	_ =	shalt  }
0x56: {  	_ =	shalt  }
0x57: {  	_ =	shalt  }
0x58: {  	_ =	shalt  }
0x59: {  	_ =	shalt  }
0x5a: {  	_ =	shalt  }
0x5b: {  	_ =	shalt  }
0x5c: {  	_ =	shalt  }
0x5d: {  	_ =	shalt  }
0x5e: {  	_ =	shalt  }
0x5f: {  	_ =	shalt  }
0x60: {  	_ =	shalt  }
0x61: {  	_ =	shalt  }
0x62: {  	_ =	shalt  }
0x63: {  	_ =	shalt  }
0x64: {  	_ =	shalt  }
0x65: {  	_ =	shalt  }
0x66: {  	_ =	shalt  }
0x67: {  	_ =	shalt  }
0x68: {  	_ =	shalt  }
0x69: {  	_ =	shalt  }
0x6a: {  	_ =	shalt  }
0x6b: {  	_ =	shalt  }
0x6c: {  	_ =	shalt  }
0x6d: {  	_ =	shalt  }
0x6e: {  	_ =	shalt  }
0x6f: {  	_ =	shalt  }
0x70: {  	_ =	shalt  }
0x71: {  	_ =	shalt  }
0x72: {  	_ =	shalt  }
0x73: {  	_ =	shalt  }
0x74: {  	_ =	shalt  }
0x75: {  	_ =	shalt  }
0x76: {  	_ =	shalt  }
0x77: {  	_ =	shalt  }
0x78: {  	_ =	shalt  }
0x79: {  	_ =	shalt  }
0x7a: {  	_ =	shalt  }
0x7b: {  	_ =	shalt  }
0x7c: {  	_ =	shalt  }
0x7d: {  	_ =	shalt  }
0x7e: {  	_ =	shalt  }
0x7f: {  	_ =	shalt  }
0x80: {  	_ =	shalt  }
0x81: {  	_ =	shalt  }
0x82: {  	_ =	shalt  }
0x83: {  	_ =	shalt  }
0x84: {  	_ =	shalt  }
0x85: {  	_ =	shalt  }
0x86: {  	_ =	shalt  }
0x87: {  	_ =	shalt  }
.Lfunc_end0:
.L_simem_size_0:
called_computation_lowered:
.L_overlay_start_0:
0x88: {  	s2 =	sld [smem:$0x3FD9]  }
0x89: {  	s3 =	sld [smem:$0x3FFE];
	_ =	sdelay $0x1  }
0x8a: {  	s5 =	srdreg.scid  }
0x8b: {  	s4 =	sand.u32 $0x1, s5  }
0x8c: {  	s1 =	sshll.u32 s4, $0xA;
	s2 =	sadd.s32 s3, s2  }
0x8d: {  	s2 =	sadd.s32 s2, s1  }
0x8e: {  	[smem:$0x3F94] =	sst s2  }
0x8f: {  	_ = 	snop  }
0x90: {  	s3 =	sld [smem:$0x3FC8]  }
0x91: {  	s6 =	sld [smem:$0x3FC5]  }
0x92: {  	s7 =	sld [smem:$0x3FC4]  }
0x93: {  	s8 =	sld [smem:$0x3FC3]  }
0x94: {  	s9 =	sld [smem:$0x3FC2]  }
0x95: {  	s10 =	sld [smem:$0x3FC1]  }
0x96: {  	s11 =	sld [smem:$0x3FC0]  }
0x97: {  	s12 =	sld [smem:$0x3FBF]  }
0x98: {  	s13 =	sld [smem:$0x3FBE]  }
0x99: {  	s14 =	sld [smem:$0x3FBD]  }
0x9a: {  	s15 =	sld [smem:$0x3FBC]  }
0x9b: {  	s18 =	sld [smem:$0x3FBB]  }
0x9c: {  	s19 =	sld [smem:$0x3FBA]  }
0x9d: {  	s20 =	sld [smem:$0x3FB9]  }
0x9e: {  	s21 =	sld [smem:$0x3FB8]  }
0x9f: {  	s22 =	sld [smem:$0x3FB7]  }
0xa0: {  	s23 =	sld [smem:$0x3FB6]  }
0xa1: {  	s24 =	sld [smem:$0x3FB5]  }
0xa2: {  	s25 =	sld [smem:$0x3FB4]  }
0xa3: {  	s26 =	sld [smem:$0x3FB3]  }
0xa4: {  	s28 =	sld [smem:$0x3FB2]  }
0xa5: {  	s29 =	sld [smem:$0x3FB1]  }
0xa6: {  	s30 =	sld [smem:$0x3FB0]  }
0xa7: {  	s17 =	sld [smem:$0x3FD0];
	(tm) =	ssettm $0x1  }
0xa8: {  	s16 =	sld [smem:$0x3FFB];
	_ =	sdelay $0x3  }
0xa9: {  	_ =	strace s16  }
0xaa: {  	s16 =	sld [smem:$0x3FFC];
	_ =	sdelay $0x3  }
0xab: {  	_ =	strace s16  }
0xac: {  	s16 =	sld [smem:$0x3FFD];
	_ =	sdelay $0x3  }
0xad: {  	_ =	strace s16  }
0xae: {  	_ =	strace $0x8FFFFFFF  }
0xaf: {  	s2 =	sld [smem:$0x3FDB];
	_ =	sdelay $0x1  }
0xb0: {  	s31 =	simm.s32 $_scs_section_size  }
0xb1: {  	s0 =	simm.s32 $_size__tile_task_arg_handler_lowered;
	s1 =	simm.s32 $_tile_task_arg_handler_lowered  }
0xb2: {  	s0 =	sshll.u32 s0, $0x1;
	s1 =	sshll.u32 s1, $0x1;
	s31 =	sadd.s32 s31, s2  }
0xb3: {  	s16 =	simm.s32 $0x1BFF;
	s2 =	simm.s32 $0x60;
	s1 =	sadd.s32 s1, s31  }
0xb4: {  	[timem:s2], [sflag:s16] =	dma.local [hbm:s1], s0  }
0xb5: {  	_ =	swait.ge [sflag:s16], s0  }
0xb6: {  	s2 =	simm.s32 $_tile_overlayer_lowered;
	s0 =	ssub.s32 $0x0, s0;
	[sflag:s16] =	ssyncset.done $0x0  }
0xb7: {  	[sflag:s16] =	ssyncadd.s32 s0;
	s0 =	sshll.u32 s2, $0x1;
	s2 =	simm.s32 $_size__tile_overlayer_lowered  }
0xb8: {  	s1 =	sshll.u32 s2, $0x1;
	s2 =	sadd.s32 s0, s31;
	s0 =	simm.s32 $0x0  }
0xb9: {  	[timem:s0], [sflag:s16] =	dma.local [hbm:s2], s1  }
0xba: {  	_ =	swait.ge [sflag:s16], s1  }
0xbb: {  	s1 =	ssub.s32 $0x0, s1;
	[sflag:s16] =	ssyncset.done $0x0  }
0xbc: {  	[sflag:s16] =	ssyncadd.s32 s1;
	_ =	sdelay $0x1  }
0xbd: {  	s16 =	simm.s32 $0x1B8B  }
0xbe: {  	_ =	swait.ge [sflag:s16], $0x1  }
0xbf: {  	[sflag:s16] =	ssyncset.done $0x0  }
0xc0: {  	s2 =	simm.s32 $0x1B8E;
	s1 =	sld [smem:$0x3FFE];
	[sflag:s16] =	ssyncadd.s32 $0xFFFFFFFF  }
0xc1: {  	s16 =	simm.s32 $execute0_lowered;
	[smem:$0x3FD2] =	sst s2  }
0xc2: {  	s2 =	sshll.u32 s16, $0x1;
	_ =	strace $0x80000046;
	[dreg:$0x1] =	wrdreg $0xFFFFFFFF  }
0xc3: {  	s2 =	sadd.s32 s31, s2;
	s31 =	simm.s32 $_size_execute0_lowered;
	[dreg:$0x0] =	wrdreg $0x0  }
0xc4: {  	s16 =	sshll.u32 s31, $0x1;
	[dreg:$0x2] =	wrdreg s2  }
0xc5: {  	[dreg:$0x3] =	wrdreg s16  }
0xc6: {  	[dreg:$0x4] =	wrdreg $0xC0  }
0xc7: {  	_ =	task [dreg:s0], $0x5FFFF  }
0xc8: {  	[dreg:$0x1] =	wrdreg $0xFFFFFFFF  }
0xc9: {  	[dreg:$0x0] =	wrdreg $0x30  }
0xca: {  	[dreg:$0x2] =	wrdreg $0x0  }
0xcb: {  	[dreg:$0x3] =	wrdreg s18  }
0xcc: {  	[dreg:$0x4] =	wrdreg s19  }
0xcd: {  	[dreg:$0x5] =	wrdreg s20  }
0xce: {  	[dreg:$0x6] =	wrdreg s21  }
0xcf: {  	[dreg:$0x7] =	wrdreg s22  }
0xd0: {  	[dreg:$0x8] =	wrdreg s23  }
0xd1: {  	[dreg:$0x9] =	wrdreg s24  }
0xd2: {  	[dreg:$0xa] =	wrdreg s25  }
0xd3: {  	[dreg:$0xb] =	wrdreg s26  }
0xd4: {  	[dreg:$0xc] =	wrdreg s28  }
0xd5: {  	[dreg:$0xd] =	wrdreg s29  }
0xd6: {  	[dreg:$0xe] =	wrdreg s30  }
0xd7: {  	[dreg:$0xf] =	wrdreg s1  }
0xd8: {  	_ =	task [dreg:s0], $0x10FFFF  }
0xd9: {  	[dreg:$0x1] =	wrdreg $0xFFFFFFFF  }
0xda: {  	[dreg:$0x0] =	wrdreg $0x30  }
0xdb: {  	[dreg:$0x2] =	wrdreg $0xD  }
0xdc: {  	[dreg:$0x3] =	wrdreg s17  }
0xdd: {  	[dreg:$0x4] =	wrdreg $0x9  }
0xde: {  	_ =	task [dreg:s0], $0x5FFFF  }
0xdf: {  	[dreg:$0x1] =	wrdreg $0xFFFFFFFF  }
0xe0: {  	s24 =	sld [smem:$0x3FC9]  }
0xe1: {  	s25 =	sld [smem:$0x3FC7]  }
0xe2: {  	s26 =	sld [smem:$0x3FC6]  }
0xe3: {  	[dreg:$0x0] =	wrdreg $0x60  }
0xe4: {  	[dreg:$0x2] =	wrdreg s24  }
0xe5: {  	[dreg:$0x3] =	wrdreg s3  }
0xe6: {  	[dreg:$0x4] =	wrdreg s25  }
0xe7: {  	[dreg:$0x5] =	wrdreg s26  }
0xe8: {  	[dreg:$0x6] =	wrdreg s6  }
0xe9: {  	[dreg:$0x7] =	wrdreg s7  }
0xea: {  	[dreg:$0x8] =	wrdreg s8  }
0xeb: {  	[dreg:$0x9] =	wrdreg s9  }
0xec: {  	[dreg:$0xa] =	wrdreg s10  }
0xed: {  	[dreg:$0xb] =	wrdreg s11  }
0xee: {  	[dreg:$0xc] =	wrdreg s12  }
0xef: {  	[dreg:$0xd] =	wrdreg s13  }
0xf0: {  	[dreg:$0xe] =	wrdreg s14  }
0xf1: {  	[dreg:$0xf] =	wrdreg s15  }
0xf2: {  	_ =	task.clear_ibuf [dreg:s0], $0x10FFFF;
	_ =	strace $0x90000046  }
0xf3: {  	s28 =	simm.s32 $0x9;
	_ =	strace $0x80000048  }
0xf4: {  	_ =	swait.ge [sflag:s28], $0x1  }
0xf5: {  	[sflag:s28] =	ssyncadd.s32 $0xFFFFFFFF  }
0xf6: {  	_ =	strace $0x90000048  }
0xf7: {  	_ =	sfence  }
0xf8: {  	s29 =	sld [smem:$0x0];
	_ =	sdelay $0x2  }
0xf9: {  	s31 =	sshrl.u32 s5, $0x2;
	s30 =	sshll.u32 s5, $0xD  }
0xfa: {  	s2 =	sand.u32 $0x4000, s30;
	s1 =	sadd.s32 s31, s29  }
0xfb: {  	s2 =	sor.u32 s2, s4;
	s1 =	sshll.u32 s1, $0x11  }
0xfc: {  	s1 =	sor.u32 s1, s2  }
0xfd: {  	s1 =	sadd.s32 $0x8F2B, s1  }
0xfe: {  	[sflag:s1] =	ssyncadd.remote.s32 $0x1  }
0xff: {  	_ =	sfence.sel $0xFFFF  }
0x100: {  	[dreg:$0x0] =	wrdreg $0xFFFFFFFF;
	(pc) =	sbr.abs _section_cstart, $3  }
0x101: {  	[dreg:$0x1] =	wrdreg $0xFFFFFFFF  }
0x102: {  	_ =	task.clear_ibuf [dreg:s0], $0x2FFFF;
	_ =	strace $0x9FFFFFFF  }
0x103: {  	(tm) =	ssettm $0x7FFFFFFF  }
tec
_tile_task_arg_handler_lowered:
.L_overlay_start_1:
0x0: {  	(tag) =	ssettag $0x1  }
0x1: {  	s0 =	rddreg [dreg:$0x0]  }
0x2: {  	s1 =	rddreg [dreg:$0x1]  }
0x3: {  	s2 =	rddreg [dreg:$0x2]  }
0x4: {  	s3 =	rddreg [dreg:$0x3]  }
0x5: {  	s4 =	rddreg [dreg:$0x4]  }
0x6: {  	s5 =	rddreg [dreg:$0x5]  }
0x7: {  	s6 =	rddreg [dreg:$0x6]  }
0x8: {  	s7 =	rddreg [dreg:$0x7]  }
0x9: {  	s8 =	rddreg [dreg:$0x8]  }
0xa: {  	s9 =	rddreg [dreg:$0x9]  }
0xb: {  	s10 =	rddreg [dreg:$0xa]  }
0xc: {  	s11 =	rddreg [dreg:$0xb]  }
0xd: {  	s12 =	rddreg [dreg:$0xc]  }
0xe: {  	s13 =	rddreg [dreg:$0xd]  }
0xf: {  	[smem:s0] =	sst s1  }
0x10: {  	[smem:s0+$0x1] =	sst s2  }
0x11: {  	[smem:s0+$0x2] =	sst s3  }
0x12: {  	[smem:s0+$0x3] =	sst s4  }
0x13: {  	[smem:s0+$0x4] =	sst s5  }
0x14: {  	[smem:s0+$0x5] =	sst s6  }
0x15: {  	[smem:s0+$0x6] =	sst s7  }
0x16: {  	[smem:s0+$0x7] =	sst s8  }
0x17: {  	[smem:s0+$0x8] =	sst s9  }
0x18: {  	[smem:s0+$0x9] =	sst s10  }
0x19: {  	[smem:s0+$0xA] =	sst s11  }
0x1a: {  	[smem:s0+$0xB] =	sst s12  }
0x1b: {  	[smem:s0+$0xC] =	sst s13;
	_ =	shalt  }
.Lfunc_end2:
execute0_lowered:
.L_overlay_start_2:
0x1c: {  	(tag) =	ssettag $0x2  }
0x1d: {  	s29 =	rddreg [dreg:$0x0]  }
0x1e: {  	s28 =	rddreg [dreg:$0x1]  }
0x1f: {  	s26 =	rddreg [dreg:$0x2]  }
0x20: {  	s25 =	rddreg [dreg:$0x3]  }
0x21: {  	s24 =	rddreg [dreg:$0x4]  }
0x22: {  	s23 =	rddreg [dreg:$0x5]  }
0x23: {  	s22 =	rddreg [dreg:$0x6]  }
0x24: {  	s21 =	rddreg [dreg:$0x7]  }
0x25: {  	s20 =	rddreg [dreg:$0x8]  }
0x26: {  	s19 =	rddreg [dreg:$0x9]  }
0x27: {  	s18 =	rddreg [dreg:$0xa]  }
0x28: {  	s17 =	rddreg [dreg:$0xb];
	s16 =	simm.s32 $0x0  }
0x29: {  	[smem:$0x7FF] =	sst s16  }
0x2a: {  	s15 =	sld [smem:$0x0]  }
0x2b: {  	s13 =	sld [smem:$0x1]  }
0x2c: {  	s11 =	sld [smem:$0x2]  }
0x2d: {  	s10 =	sld [smem:$0x3]  }
0x2e: {  	s9 =	sld [smem:$0x4]  }
0x2f: {  	s8 =	sld [smem:$0x5]  }
0x30: {  	s7 =	sld [smem:$0x6]  }
0x31: {  	s6 =	sld [smem:$0x7]  }
0x32: {  	s4 =	sld [smem:$0x8]  }
0x33: {  	s3 =	sld [smem:$0x9]  }
0x34: {  	s12 =	sld [smem:$0xA]  }
0x35: {  	s30 =	sld [smem:$0xC]  }
0x36: {  	s0 =	sld [smem:$0xE]  }
0x37: {  	s14 =	sld [smem:$0xB]  }
0x38: {  	s2 =	sld [smem:$0xD]  }
0x39: {  	[smem:$0x7C1] =	sst s0;
	s5 =	sadd.s32 $0x193000, s30  }
0x3a: {  	s1 =	sadd.s32 $0x1C3E00, s30;
	_ =	strace $0x80000047;
	[dreg:$0xe] =	wrdreg s5  }
0x3b: {  	s0 =	sadd.s32 $0x1F4C00, s30;
	[dreg:$0xf] =	wrdreg s1  }
0x3c: {  	[dreg:$0x10] =	wrdreg s0;
	s1 =	sadd.s32 $0x225A00, s30  }
0x3d: {  	s0 =	sadd.s32 $0x256800, s30;
	[dreg:$0x11] =	wrdreg s1  }
0x3e: {  	[dreg:$0x12] =	wrdreg s0;
	s1 =	sadd.s32 $0x287600, s30  }
0x3f: {  	s0 =	sadd.s32 $0x2B8400, s30;
	[dreg:$0x13] =	wrdreg s1  }
0x40: {  	[dreg:$0x14] =	wrdreg s0;
	s1 =	sadd.s32 $0x2E9200, s30  }
0x41: {  	s0 =	sadd.s32 $0x31A000, s30;
	[dreg:$0x15] =	wrdreg s1  }
0x42: {  	[dreg:$0x16] =	wrdreg s0;
	s1 =	sadd.s32 $0x34AE00, s30  }
0x43: {  	s0 =	sadd.s32 $0x37BC00, s30;
	[dreg:$0x17] =	wrdreg s1  }
0x44: {  	[dreg:$0x18] =	wrdreg s0;
	s1 =	sadd.s32 $0x3ACA00, s30  }
0x45: {  	s0 =	sadd.s32 $0x3DD800, s30;
	[dreg:$0x19] =	wrdreg s1  }
0x46: {  	[dreg:$0x1a] =	wrdreg s0;
	s1 =	sadd.s32 $0x40E600, s30  }
0x47: {  	s0 =	sadd.s32 $0x43F400, s30;
	[dreg:$0x1b] =	wrdreg s1  }
0x48: {  	[dreg:$0x1c] =	wrdreg s0;
	s1 =	sadd.s32 $0x470200, s30  }
0x49: {  	s31 =	srdreg.scid;
	s0 =	sadd.s32 $0x4A1000, s30;
	[dreg:$0x1d] =	wrdreg s1  }
0x4a: {  	s5 =	sand.u32 $0x1, s31;
	[dreg:$0x1e] =	wrdreg s0;
	s1 =	sadd.s32 $0x4D1E00, s30  }
0x4b: {  	s31 =	sadd.s32 $0x5F7200, s30;
	s0 =	sadd.s32 $0x502C00, s30;
	[dreg:$0x1f] =	wrdreg s1  }
0x4c: {  	[smem:$0x7C2] =	sst s0;
	s1 =	sadd.s32 $0x533A00, s30  }
0x4d: {  	s0 =	sadd.s32 $0x564800, s30;
	[smem:$0x7C3] =	sst s1  }
0x4e: {  	[smem:$0x7C4] =	sst s0;
	s1 =	sadd.s32 $0x595600, s30  }
0x4f: {  	s0 =	sadd.s32 $0x5C6400, s30;
	[smem:$0x7C5] =	sst s1;
	s1 =	stileid.u32  }
0x50: {  	[smem:$0x7C6] =	sst s0;
	s0 =	sshll.u32 s5, $0x9;
	s1 =	sshll.u32 s1, $0xA  }
0x51: {  	[smem:$0x7C7] =	sst s31;
	s0 =	sor.u32 s0, s1;
	s1 =	sadd.s32 $0x628000, s30  }
0x52: {  	[smem:$0x7C8] =	sst s1;
	s1 =	sadd.s32 $0x658E00, s30;
	s30 =	sshrl.u32 s0, $0x3  }
0x53: {  	[smem:$0x7C9] =	sst s1;
	s1 =	sadd.s32 s29, s30  }
0x54: {  	s26 =	sadd.s32 s26, s30;
	[smem:$0x7FD] =	sst s1  }
0x55: {  	s18 =	sadd.s32 s18, s30;
	[smem:$0x7CB] =	sst s26  }
0x56: {  	s1 =	sadd.s32 s28, s30;
	s26 =	sadd.s32 s25, s30;
	[smem:$0x7D3] =	sst s18  }
0x57: {  	s25 =	sadd.s32 s24, s30;
	s24 =	sadd.s32 s21, s30;
	s21 =	rddreg [dreg:$0xd]  }
0x58: {  	[smem:$0x7CA] =	sst s1  }
0x59: {  	[smem:$0x7CC] =	sst s26  }
0x5a: {  	[smem:$0x7CD] =	sst s25  }
0x5b: {  	[smem:$0x7D0] =	sst s24  }
0x5c: {  	s18 =	sadd.s32 s14, s30;
	s25 =	sadd.s32 s20, s30;
	s20 =	rddreg [dreg:$0xc]  }
0x5d: {  	s26 =	sadd.s32 s23, s30;
	[smem:$0x7E2] =	sst s18  }
0x5e: {  	s23 =	sadd.s32 s22, s30;
	[smem:$0x7CE] =	sst s26  }
0x5f: {  	[smem:$0x7CF] =	sst s23  }
0x60: {  	s22 =	sadd.s32 s15, s30;
	[smem:$0x7D1] =	sst s25  }
0x61: {  	s24 =	sadd.s32 s11, s30;
	[smem:$0x7D7] =	sst s22  }
0x62: {  	s0 =	smul.u32 $0x34, s0;
	s11 =	sadd.s32 s6, s30;
	[smem:$0x7D9] =	sst s24  }
0x63: {  	s15 =	sadd.s32 s3, s30;
	[smem:$0x7DE] =	sst s11  }
0x64: {  	s3 =	sadd.s32 s2, s0;
	[smem:$0x7E0] =	sst s15  }
0x65: {  	s26 =	sadd.s32 s19, s30;
	[smem:$0x7FB] =	sst s3  }
0x66: {  	s19 =	sadd.s32 s17, s30;
	[smem:$0x7D2] =	sst s26  }
0x67: {  	s1 =	sadd.s32 s20, s30;
	[smem:$0x7D4] =	sst s19  }
0x68: {  	s23 =	sadd.s32 s13, s30;
	[smem:$0x7D5] =	sst s1  }
0x69: {  	s25 =	sadd.s32 s10, s30;
	[smem:$0x7D8] =	sst s23  }
0x6a: {  	s10 =	sadd.s32 s7, s30;
	[smem:$0x7DA] =	sst s25  }
0x6b: {  	s13 =	sadd.s32 s4, s30;
	[smem:$0x7DD] =	sst s10  }
0x6c: {  	s17 =	sadd.s32 s12, s30;
	[smem:$0x7DF] =	sst s13  }
0x6d: {  	s0 =	sadd.s32 $0x2, s3;
	[smem:$0x7E1] =	sst s17  }
0x6e: {  	s20 =	sadd.s32 $0x6, s3;
	[smem:$0x7E3] =	sst s0  }
0x6f: {  	s22 =	sadd.s32 $0xA, s3;
	[smem:$0x7E5] =	sst s20  }
0x70: {  	p0 =	por $0x0, $0x0;
	s24 =	sadd.s32 $0xE, s3;
	[smem:$0x7E7] =	sst s22  }
0x71: {  	s31 =	simm.s32 $0x1400;
	s2 =	sadd.s32 $0x16, s3;
	[smem:$0x7E9] =	sst s24  }
0x72: {  	s29 =	simm.s32 $0x2000;
	s4 =	sadd.s32 $0x18, s3;
	[smem:$0x7ED] =	sst s2  }
0x73: {  	s28 =	simm.s32 $0x2200;
	s6 =	sadd.s32 $0x1A, s3;
	[smem:$0x7EE] =	sst s4  }
0x74: {  	s18 =	ssub.s32 $0x2, s5;
	s7 =	sadd.s32 $0x1C, s3;
	[smem:$0x7EF] =	sst s6  }
0x75: {  	s5 =	simm.s32 $0x1800;
	s11 =	sadd.s32 $0x24, s3;
	[smem:$0x7F0] =	sst s7  }
0x76: {  	s12 =	sadd.s32 $0x26, s3;
	s14 =	sadd.s32 $0x2A, s3;
	[smem:$0x7F4] =	sst s11  }
0x77: {  	s15 =	sadd.s32 $0x2C, s3;
	s1 =	sadd.s32 s21, s30;
	[smem:$0x7F5] =	sst s12  }
0x78: {  	s26 =	sadd.s32 s9, s30;
	s9 =	sadd.s32 s8, s30;
	[smem:$0x7F7] =	sst s14  }
0x79: {  	s19 =	sadd.s32 $0x4, s3;
	s21 =	sadd.s32 $0x8, s3;
	[smem:$0x7F8] =	sst s15  }
0x7a: {  	s23 =	sadd.s32 $0xC, s3;
	s25 =	sadd.s32 $0x10, s3;
	[smem:$0x7D6] =	sst s1  }
0x7b: {  	s8 =	sadd.s32 $0x1E, s3;
	s10 =	sadd.s32 $0x22, s3;
	[smem:$0x7DB] =	sst s26  }
0x7c: {  	s13 =	sadd.s32 $0x28, s3;
	s17 =	sadd.s32 $0x2E, s3;
	[smem:$0x7DC] =	sst s9  }
0x7d: {  	s20 =	sshrl.u32 s18, $0x1;
	s2 =	simm.s32 $0x200;
	[smem:$0x7E4] =	sst s19  }
0x7e: {  	s14 =	simm.s32 $0x1000;
	s11 =	simm.s32 $0x1600;
	[smem:$0x7E6] =	sst s21  }
0x7f: {  	s0 =	simm.s32 $0x1A00;
	s30 =	simm.s32 $0x1E00;
	[smem:$0x7E8] =	sst s23  }
0x80: {  	s24 =	simm.s32 $0x2800;
	s4 =	simm.s32 $0x3000;
	[smem:$0x7EA] =	sst s25  }
0x81: {  	s15 =	simm.s32 $0x5;
	s12 =	simm.s32 $0x1;
	[smem:$0x7F1] =	sst s8  }
0x82: {  	s6 =	simm.s32 $0x1A0;
	s7 =	simm.s32 $0x3;
	[smem:$0x7F3] =	sst s10  }
0x83: {  	s26 =	sadd.s32 $0x12, s3;
	s1 =	sadd.s32 $0x14, s3;
	[smem:$0x7F6] =	sst s13  }
0x84: {  	s9 =	sadd.s32 $0x20, s3;
	[smem:$0x7F9] =	sst s17;
	s19 =	sadd.s32 $0x30, s3  }
0x85: {  	s21 =	sadd.s32 $0x32, s3;
	[smem:$0x7EC] =	sst s1;
	s1 =	ssub.s32 s18, s20  }
0x86: {  	s13 =	simm.s32 $0x1200;
	s25 =	simm.s32 $0x2600;
	s22 =	smax.u32 s1, $0x1  }
0x87: {  	s23 =	simm.s32 $0x2A00;
	[smem:$0x7EB] =	sst s26;
	p1 =	sne.s32 s22, $0x1  }
.Ltmp0:
0x88: {  	s10 =	simm.s32 $0x3400;
	[smem:$0x7F2] =	sst s9;
	(pc) =	sbr.rel @!p1 .LBB3_3-.Ltmp0, $4  }
0x89: {  	s8 =	simm.s32 $0x5400;
	s3 =	simm.s32 $0x4;
	[smem:$0x7FA] =	sst s19  }
0x8a: {  	[smem:$0x7FC] =	sst s21;
	s26 =	simm.s32 $0x2400;
	s21 =	simm.s32 $0x2E00  }
0x8b: {  	s20 =	simm.s32 $0x10;
	s9 =	simm.s32 $0x2;
	s18 =	sld [smem:$0x7FD]  }
0x8c: {  	s1 =	simm.s32 $0x1C00;
	s17 =	sadd.s32 $0xFFFFFFFF, s22;
	s22 =	simm.s32 $0x2C00  }
0x8d: {  	[smem:$0x7C0] =	sst s17  }
0x8e: {  	s19 =	sld [smem:$0x7CA]  }
0x8f: {  	[tilespmem:s16], [sflag:$0x5] =	stream.linear.gather [hbm4b:s18+s16], $0x200, $0x38;
	[tilespmem:$0x7400] =	vst v63  }
0x90: {  	s18 =	sld [smem:$0x7CB]  }
0x91: {  	[tilespmem:s2], [sflag:$0x5] =	stream.linear.gather [hbm4b:s19+s16], $0x200, $0x38;
	[tilespmem:$0x7400] =	vst v63  }
0x92: {  	s17 =	sld [smem:$0x7CC];
	s19 =	simm.s32 $0x400  }
0x93: {  	[tilespmem:s19], [sflag:$0x5] =	stream.linear.gather [hbm4b:s18+s16], $0x200, $0x38;
	[tilespmem:$0x7400] =	vst v63  }
0x94: {  	s18 =	sld [smem:$0x7CD];
	s19 =	simm.s32 $0x600  }
0x95: {  	[tilespmem:s19], [sflag:$0x5] =	stream.linear.gather [hbm4b:s17+s16], $0x200, $0x38;
	[tilespmem:$0x7400] =	vst v63  }
0x96: {  	s17 =	sld [smem:$0x7CE];
	s19 =	simm.s32 $0x800  }
0x97: {  	[tilespmem:s19], [sflag:$0x5] =	stream.linear.gather [hbm4b:s18+s16], $0x200, $0x38;
	[tilespmem:$0x7400] =	vst v63  }
0x98: {  	s18 =	sld [smem:$0x7CF];
	s19 =	simm.s32 $0xA00  }
0x99: {  	[tilespmem:s19], [sflag:$0x5] =	stream.linear.gather [hbm4b:s17+s16], $0x200, $0x38;
	[tilespmem:$0x7400] =	vst v63  }
0x9a: {  	s17 =	sld [smem:$0x7D0];
	s19 =	simm.s32 $0xC00  }
0x9b: {  	[tilespmem:s19], [sflag:$0x5] =	stream.linear.gather [hbm4b:s18+s16], $0x200, $0x38;
	[tilespmem:$0x7400] =	vst v63  }
0x9c: {  	s18 =	sld [smem:$0x7D1];
	s19 =	simm.s32 $0xE00  }
0x9d: {  	[tilespmem:s19], [sflag:$0x5] =	stream.linear.gather [hbm4b:s17+s16], $0x200, $0x38;
	[tilespmem:$0x7400] =	vst v63  }
0x9e: {  	s19 =	sld [smem:$0x7D2]  }
0x9f: {  	[tilespmem:s14], [sflag:$0x5] =	stream.linear.gather [hbm4b:s18+s16], $0x200, $0x38;
	[tilespmem:$0x7400] =	vst v63  }
0xa0: {  	s18 =	sld [smem:$0x7D3]  }
0xa1: {  	[tilespmem:s13], [sflag:$0x5] =	stream.linear.gather [hbm4b:s19+s16], $0x200, $0x38;
	[tilespmem:$0x7400] =	vst v63  }
0xa2: {  	s19 =	sld [smem:$0x7D4]  }
0xa3: {  	[tilespmem:s31], [sflag:$0x5] =	stream.linear.gather [hbm4b:s18+s16], $0x200, $0x38;
	[tilespmem:$0x7400] =	vst v63  }
0xa4: {  	s18 =	sld [smem:$0x7D5]  }
0xa5: {  	[tilespmem:s11], [sflag:$0x5] =	stream.linear.gather [hbm4b:s19+s16], $0x200, $0x38;
	[tilespmem:$0x7400] =	vst v63  }
0xa6: {  	s19 =	sld [smem:$0x7D6]  }
0xa7: {  	[tilespmem:s5], [sflag:$0x5] =	stream.linear.gather [hbm4b:s18+s16], $0x200, $0x38;
	[tilespmem:$0x7400] =	vst v63  }
0xa8: {  	s18 =	sld [smem:$0x7D7]  }
0xa9: {  	[tilespmem:s0], [sflag:$0x5] =	stream.linear.gather [hbm4b:s19+s16], $0x200, $0x38;
	[tilespmem:$0x7400] =	vst v63  }
0xaa: {  	s19 =	sld [smem:$0x7D8]  }
0xab: {  	[tilespmem:s1], [sflag:$0x5] =	stream.linear.gather [hbm4b:s18+s16], $0x200, $0x38;
	[tilespmem:$0x7400] =	vst v63  }
0xac: {  	s18 =	sld [smem:$0x7D9]  }
0xad: {  	[tilespmem:s30], [sflag:$0x5] =	stream.linear.gather [hbm4b:s19+s16], $0x200, $0x38;
	[tilespmem:$0x7400] =	vst v63  }
0xae: {  	s19 =	sld [smem:$0x7DA]  }
0xaf: {  	[tilespmem:s29], [sflag:$0x5] =	stream.linear.gather [hbm4b:s18+s16], $0x200, $0x38;
	[tilespmem:$0x7400] =	vst v63  }
0xb0: {  	s18 =	sld [smem:$0x7DB]  }
0xb1: {  	[tilespmem:s28], [sflag:$0x5] =	stream.linear.gather [hbm4b:s19+s16], $0x200, $0x38;
	[tilespmem:$0x7400] =	vst v63  }
0xb2: {  	s19 =	sld [smem:$0x7DC]  }
0xb3: {  	[tilespmem:s26], [sflag:$0x5] =	stream.linear.gather [hbm4b:s18+s16], $0x200, $0x38;
	[tilespmem:$0x7400] =	vst v63  }
0xb4: {  	s18 =	sld [smem:$0x7DD]  }
0xb5: {  	[tilespmem:s25], [sflag:$0x5] =	stream.linear.gather [hbm4b:s19+s16], $0x200, $0x38;
	[tilespmem:$0x7400] =	vst v63  }
0xb6: {  	s19 =	sld [smem:$0x7DE]  }
0xb7: {  	[tilespmem:s24], [sflag:$0x5] =	stream.linear.gather [hbm4b:s18+s16], $0x200, $0x38;
	[tilespmem:$0x7400] =	vst v63  }
0xb8: {  	s18 =	sld [smem:$0x7DF]  }
0xb9: {  	[tilespmem:s23], [sflag:$0x5] =	stream.linear.gather [hbm4b:s19+s16], $0x200, $0x38;
	[tilespmem:$0x7400] =	vst v63  }
0xba: {  	s19 =	sld [smem:$0x7E0]  }
0xbb: {  	[tilespmem:s22], [sflag:$0x5] =	stream.linear.gather [hbm4b:s18+s16], $0x200, $0x38;
	[tilespmem:$0x7400] =	vst v63  }
0xbc: {  	s18 =	sld [smem:$0x7E1]  }
0xbd: {  	[tilespmem:s21], [sflag:$0x5] =	stream.linear.gather [hbm4b:s19+s16], $0x200, $0x38;
	[tilespmem:$0x7400] =	vst v63  }
0xbe: {  	s19 =	sld [smem:$0x7E2]  }
0xbf: {  	[tilespmem:s4], [sflag:$0x5] =	stream.linear.gather [hbm4b:s18+s16], $0x200, $0x38;
	[tilespmem:$0x7400] =	vst v63  }
0xc0: {  	s18 =	simm.s32 $0x3200  }
0xc1: {  	[tilespmem:s18], [sflag:$0x5] =	stream.linear.gather [hbm4b:s19+s16], $0x200, $0x38;
	[tilespmem:$0x7400] =	vst v63  }
0xc2: {  	_ =	swait.ge [sflag:s15], $0x200  }
0xc3: {  	[sflag:s15] =	ssyncset.done $0x0  }
0xc4: {  	[sflag:s15] =	ssyncadd.s32 $0xFFFFFE00  }
0xc5: {  	_ =	swait.ge [sflag:s15], $0x200  }
0xc6: {  	[sflag:s15] =	ssyncset.done $0x0  }
0xc7: {  	[sflag:s15] =	ssyncadd.s32 $0xFFFFFE00  }
0xc8: {  	_ =	swait.ge [sflag:s15], $0x200  }
0xc9: {  	[sflag:s15] =	ssyncset.done $0x0  }
0xca: {  	[sflag:s15] =	ssyncadd.s32 $0xFFFFFE00  }
0xcb: {  	_ =	swait.ge [sflag:s15], $0x200  }
0xcc: {  	[sflag:s15] =	ssyncset.done $0x0  }
0xcd: {  	[sflag:s15] =	ssyncadd.s32 $0xFFFFFE00  }
0xce: {  	_ =	swait.ge [sflag:s15], $0x200  }
0xcf: {  	[sflag:s15] =	ssyncset.done $0x0  }
0xd0: {  	[sflag:s15] =	ssyncadd.s32 $0xFFFFFE00  }
0xd1: {  	_ =	swait.ge [sflag:s15], $0x200  }
0xd2: {  	[sflag:s15] =	ssyncset.done $0x0  }
0xd3: {  	[sflag:s15] =	ssyncadd.s32 $0xFFFFFE00  }
0xd4: {  	_ =	swait.ge [sflag:s15], $0x200  }
0xd5: {  	[sflag:s15] =	ssyncset.done $0x0  }
0xd6: {  	[sflag:s15] =	ssyncadd.s32 $0xFFFFFE00  }
0xd7: {  	_ =	swait.ge [sflag:s15], $0x200  }
0xd8: {  	[sflag:s15] =	ssyncset.done $0x0  }
0xd9: {  	[sflag:s15] =	ssyncadd.s32 $0xFFFFFE00  }
0xda: {  	_ =	swait.ge [sflag:s15], $0x200  }
0xdb: {  	[sflag:s15] =	ssyncset.done $0x0  }
0xdc: {  	[sflag:s15] =	ssyncadd.s32 $0xFFFFFE00  }
0xdd: {  	_ =	swait.ge [sflag:s15], $0x200  }
0xde: {  	[sflag:s15] =	ssyncset.done $0x0  }
0xdf: {  	[sflag:s15] =	ssyncadd.s32 $0xFFFFFE00  }
0xe0: {  	_ =	swait.ge [sflag:s15], $0x200  }
0xe1: {  	[sflag:s15] =	ssyncset.done $0x0  }
0xe2: {  	[sflag:s15] =	ssyncadd.s32 $0xFFFFFE00  }
0xe3: {  	_ =	swait.ge [sflag:s15], $0x200  }
0xe4: {  	[sflag:s15] =	ssyncset.done $0x0  }
0xe5: {  	[sflag:s15] =	ssyncadd.s32 $0xFFFFFE00  }
0xe6: {  	_ =	swait.ge [sflag:s15], $0x200  }
0xe7: {  	[sflag:s15] =	ssyncset.done $0x0  }
0xe8: {  	[sflag:s15] =	ssyncadd.s32 $0xFFFFFE00  }
0xe9: {  	_ =	swait.ge [sflag:s15], $0x200  }
0xea: {  	[sflag:s15] =	ssyncset.done $0x0  }
0xeb: {  	[sflag:s15] =	ssyncadd.s32 $0xFFFFFE00  }
0xec: {  	_ =	swait.ge [sflag:s15], $0x200  }
0xed: {  	[sflag:s15] =	ssyncset.done $0x0  }
0xee: {  	[sflag:s15] =	ssyncadd.s32 $0xFFFFFE00  }
0xef: {  	_ =	swait.ge [sflag:s15], $0x200  }
0xf0: {  	[sflag:s15] =	ssyncset.done $0x0  }
0xf1: {  	[sflag:s15] =	ssyncadd.s32 $0xFFFFFE00  }
0xf2: {  	_ =	swait.ge [sflag:s15], $0x200  }
0xf3: {  	[sflag:s15] =	ssyncset.done $0x0  }
0xf4: {  	[sflag:s15] =	ssyncadd.s32 $0xFFFFFE00  }
0xf5: {  	_ =	swait.ge [sflag:s15], $0x200  }
0xf6: {  	[sflag:s15] =	ssyncset.done $0x0  }
0xf7: {  	[sflag:s15] =	ssyncadd.s32 $0xFFFFFE00  }
0xf8: {  	_ =	swait.ge [sflag:s15], $0x200  }
0xf9: {  	[sflag:s15] =	ssyncset.done $0x0  }
0xfa: {  	[sflag:s15] =	ssyncadd.s32 $0xFFFFFE00  }
0xfb: {  	_ =	swait.ge [sflag:s15], $0x200  }
0xfc: {  	[sflag:s15] =	ssyncset.done $0x0  }
0xfd: {  	[sflag:s15] =	ssyncadd.s32 $0xFFFFFE00  }
0xfe: {  	_ =	swait.ge [sflag:s15], $0x200  }
0xff: {  	[sflag:s15] =	ssyncset.done $0x0  }
0x100: {  	[sflag:s15] =	ssyncadd.s32 $0xFFFFFE00  }
0x101: {  	_ =	swait.ge [sflag:s15], $0x200  }
0x102: {  	[sflag:s15] =	ssyncset.done $0x0  }
0x103: {  	[sflag:s15] =	ssyncadd.s32 $0xFFFFFE00  }
0x104: {  	_ =	swait.ge [sflag:s15], $0x200  }
0x105: {  	[sflag:s15] =	ssyncset.done $0x0  }
0x106: {  	[sflag:s15] =	ssyncadd.s32 $0xFFFFFE00  }
0x107: {  	_ =	swait.ge [sflag:s15], $0x200  }
0x108: {  	[sflag:s15] =	ssyncset.done $0x0  }
0x109: {  	[sflag:s15] =	ssyncadd.s32 $0xFFFFFE00  }
0x10a: {  	_ =	swait.ge [sflag:s15], $0x200  }
0x10b: {  	[sflag:s15] =	ssyncset.done $0x0  }
0x10c: {  	[sflag:s15] =	ssyncadd.s32 $0xFFFFFE00  }
0x10d: {  	_ =	swait.ge [sflag:s15], $0x200  }
0x10e: {  	[sflag:s15] =	ssyncset.done $0x0  }
0x10f: {  	s19 =	rddreg [dreg:$0xe];
	[sflag:s15] =	ssyncadd.s32 $0xFFFFFE00  }
0x110: {  	[tilespmem:s10], [sflag:$0x1] =	stream.indirect.gather [hbm4b:s19+s2], $0x10, s16, s2, $0xb8;
	[tilespmem:$0x7400] =	vst v63  }
0x111: {  	_ =	swait.ge [sflag:s12], $0x2000  }
0x112: {  	s19 =	sld [smem:$0x7FB]  }
0x113: {  	[sflag:s12] =	ssyncset.done $0x0  }
0x114: {  	[sflag:s12] =	ssyncadd.s32 $0xFFFFE000  }
0x115: {  	[hbm4b:s19+s20] =	stream.strided.scatter [tilespmem:s10], [sflag:$0x3], $0x2000, s6, s20, $0x38;
	[tilespmem:$0x7400] =	vst v63  }
0x116: {  	s17 =	rddreg [dreg:$0xf]  }
0x117: {  	[tilespmem:s8], [sflag:$0x2] =	stream.indirect.gather [hbm4b:s17+s2], $0x10, s2, s2, $0xb8;
	[tilespmem:$0x7400] =	vst v63  }
0x118: {  	_ =	swait.ge [sflag:s9], $0x2000  }
0x119: {  	s19 =	sld [smem:$0x7E3]  }
0x11a: {  	[sflag:s9] =	ssyncset.done $0x0  }
0x11b: {  	[sflag:s9] =	ssyncadd.s32 $0xFFFFE000  }
0x11c: {  	[hbm4b:s19+s20] =	stream.strided.scatter [tilespmem:s8], [sflag:$0x4], $0x2000, s6, s20, $0x38;
	[tilespmem:$0x7400] =	vst v63  }
0x11d: {  	_ =	swait.ge [sflag:s7], $0x2000  }
0x11e: {  	[sflag:s7] =	ssyncset.done $0x0  }
0x11f: {  	s19 =	simm.s32 $0x400;
	s17 =	rddreg [dreg:$0x10];
	[sflag:s7] =	ssyncadd.s32 $0xFFFFE000  }
0x120: {  	[tilespmem:s10], [sflag:$0x1] =	stream.indirect.gather [hbm4b:s17+s2], $0x10, s19, s2, $0xb8;
	[tilespmem:$0x7400] =	vst v63  }
0x121: {  	_ =	swait.ge [sflag:s12], $0x2000  }
0x122: {  	s19 =	sld [smem:$0x7E4]  }
0x123: {  	[sflag:s12] =	ssyncset.done $0x0  }
0x124: {  	[sflag:s12] =	ssyncadd.s32 $0xFFFFE000  }
0x125: {  	[hbm4b:s19+s20] =	stream.strided.scatter [tilespmem:s10], [sflag:$0x3], $0x2000, s6, s20, $0x38;
	[tilespmem:$0x7400] =	vst v63  }
0x126: {  	_ =	swait.ge [sflag:s3], $0x2000  }
0x127: {  	[sflag:s3] =	ssyncset.done $0x0  }
0x128: {  	s19 =	simm.s32 $0x600;
	s17 =	rddreg [dreg:$0x11];
	[sflag:s3] =	ssyncadd.s32 $0xFFFFE000  }
0x129: {  	[tilespmem:s8], [sflag:$0x2] =	stream.indirect.gather [hbm4b:s17+s2], $0x10, s19, s2, $0xb8;
	[tilespmem:$0x7400] =	vst v63  }
0x12a: {  	_ =	swait.ge [sflag:s9], $0x2000  }
0x12b: {  	s19 =	sld [smem:$0x7E5]  }
0x12c: {  	[sflag:s9] =	ssyncset.done $0x0  }
0x12d: {  	[sflag:s9] =	ssyncadd.s32 $0xFFFFE000  }
0x12e: {  	[hbm4b:s19+s20] =	stream.strided.scatter [tilespmem:s8], [sflag:$0x4], $0x2000, s6, s20, $0x38;
	[tilespmem:$0x7400] =	vst v63  }
0x12f: {  	_ =	swait.ge [sflag:s7], $0x2000  }
0x130: {  	[sflag:s7] =	ssyncset.done $0x0  }
0x131: {  	s19 =	simm.s32 $0x800;
	s17 =	rddreg [dreg:$0x12];
	[sflag:s7] =	ssyncadd.s32 $0xFFFFE000  }
0x132: {  	[tilespmem:s10], [sflag:$0x1] =	stream.indirect.gather [hbm4b:s17+s2], $0x10, s19, s2, $0xb8;
	[tilespmem:$0x7400] =	vst v63  }
0x133: {  	_ =	swait.ge [sflag:s12], $0x2000  }
0x134: {  	s19 =	sld [smem:$0x7E6]  }
0x135: {  	[sflag:s12] =	ssyncset.done $0x0  }
0x136: {  	[sflag:s12] =	ssyncadd.s32 $0xFFFFE000  }
0x137: {  	[hbm4b:s19+s20] =	stream.strided.scatter [tilespmem:s10], [sflag:$0x3], $0x2000, s6, s20, $0x38;
	[tilespmem:$0x7400] =	vst v63  }
0x138: {  	_ =	swait.ge [sflag:s3], $0x2000  }
0x139: {  	[sflag:s3] =	ssyncset.done $0x0  }
0x13a: {  	s19 =	simm.s32 $0xA00;
	s17 =	rddreg [dreg:$0x13];
	[sflag:s3] =	ssyncadd.s32 $0xFFFFE000  }
0x13b: {  	[tilespmem:s8], [sflag:$0x2] =	stream.indirect.gather [hbm4b:s17+s2], $0x10, s19, s2, $0xb8;
	[tilespmem:$0x7400] =	vst v63  }
0x13c: {  	_ =	swait.ge [sflag:s9], $0x2000  }
0x13d: {  	s19 =	sld [smem:$0x7E7]  }
0x13e: {  	[sflag:s9] =	ssyncset.done $0x0  }
0x13f: {  	[sflag:s9] =	ssyncadd.s32 $0xFFFFE000  }
0x140: {  	[hbm4b:s19+s20] =	stream.strided.scatter [tilespmem:s8], [sflag:$0x4], $0x2000, s6, s20, $0x38;
	[tilespmem:$0x7400] =	vst v63  }
0x141: {  	_ =	swait.ge [sflag:s7], $0x2000  }
0x142: {  	[sflag:s7] =	ssyncset.done $0x0  }
0x143: {  	s19 =	simm.s32 $0xC00;
	s17 =	rddreg [dreg:$0x14];
	[sflag:s7] =	ssyncadd.s32 $0xFFFFE000  }
0x144: {  	[tilespmem:s10], [sflag:$0x1] =	stream.indirect.gather [hbm4b:s17+s2], $0x10, s19, s2, $0xb8;
	[tilespmem:$0x7400] =	vst v63  }
0x145: {  	_ =	swait.ge [sflag:s12], $0x2000  }
0x146: {  	s19 =	sld [smem:$0x7E8]  }
0x147: {  	[sflag:s12] =	ssyncset.done $0x0  }
0x148: {  	[sflag:s12] =	ssyncadd.s32 $0xFFFFE000  }
0x149: {  	[hbm4b:s19+s20] =	stream.strided.scatter [tilespmem:s10], [sflag:$0x3], $0x2000, s6, s20, $0x38;
	[tilespmem:$0x7400] =	vst v63  }
0x14a: {  	_ =	swait.ge [sflag:s3], $0x2000  }
0x14b: {  	[sflag:s3] =	ssyncset.done $0x0  }
0x14c: {  	s19 =	simm.s32 $0xE00;
	s17 =	rddreg [dreg:$0x15];
	[sflag:s3] =	ssyncadd.s32 $0xFFFFE000  }
0x14d: {  	[tilespmem:s8], [sflag:$0x2] =	stream.indirect.gather [hbm4b:s17+s2], $0x10, s19, s2, $0xb8;
	[tilespmem:$0x7400] =	vst v63  }
0x14e: {  	_ =	swait.ge [sflag:s9], $0x2000  }
0x14f: {  	s19 =	sld [smem:$0x7E9]  }
0x150: {  	[sflag:s9] =	ssyncset.done $0x0  }
0x151: {  	[sflag:s9] =	ssyncadd.s32 $0xFFFFE000  }
0x152: {  	[hbm4b:s19+s20] =	stream.strided.scatter [tilespmem:s8], [sflag:$0x4], $0x2000, s6, s20, $0x38;
	[tilespmem:$0x7400] =	vst v63  }
0x153: {  	_ =	swait.ge [sflag:s7], $0x2000  }
0x154: {  	[sflag:s7] =	ssyncset.done $0x0  }
0x155: {  	s19 =	rddreg [dreg:$0x16];
	[sflag:s7] =	ssyncadd.s32 $0xFFFFE000  }
0x156: {  	[tilespmem:s10], [sflag:$0x1] =	stream.indirect.gather [hbm4b:s19+s2], $0x10, s14, s2, $0xb8;
	[tilespmem:$0x7400] =	vst v63  }
0x157: {  	_ =	swait.ge [sflag:s12], $0x2000  }
0x158: {  	s19 =	sld [smem:$0x7EA]  }
0x159: {  	[sflag:s12] =	ssyncset.done $0x0  }
0x15a: {  	[sflag:s12] =	ssyncadd.s32 $0xFFFFE000  }
0x15b: {  	[hbm4b:s19+s20] =	stream.strided.scatter [tilespmem:s10], [sflag:$0x3], $0x2000, s6, s20, $0x38;
	[tilespmem:$0x7400] =	vst v63  }
0x15c: {  	_ =	swait.ge [sflag:s3], $0x2000  }
0x15d: {  	[sflag:s3] =	ssyncset.done $0x0  }
0x15e: {  	s19 =	rddreg [dreg:$0x17];
	[sflag:s3] =	ssyncadd.s32 $0xFFFFE000  }
0x15f: {  	[tilespmem:s8], [sflag:$0x2] =	stream.indirect.gather [hbm4b:s19+s2], $0x10, s13, s2, $0xb8;
	[tilespmem:$0x7400] =	vst v63  }
0x160: {  	_ =	swait.ge [sflag:s9], $0x2000  }
0x161: {  	s19 =	sld [smem:$0x7EB]  }
0x162: {  	[sflag:s9] =	ssyncset.done $0x0  }
0x163: {  	[sflag:s9] =	ssyncadd.s32 $0xFFFFE000  }
0x164: {  	[hbm4b:s19+s20] =	stream.strided.scatter [tilespmem:s8], [sflag:$0x4], $0x2000, s6, s20, $0x38;
	[tilespmem:$0x7400] =	vst v63  }
0x165: {  	_ =	swait.ge [sflag:s7], $0x2000  }
0x166: {  	[sflag:s7] =	ssyncset.done $0x0  }
0x167: {  	s19 =	rddreg [dreg:$0x18];
	[sflag:s7] =	ssyncadd.s32 $0xFFFFE000  }
0x168: {  	[tilespmem:s10], [sflag:$0x1] =	stream.indirect.gather [hbm4b:s19+s2], $0x10, s31, s2, $0xb8;
	[tilespmem:$0x7400] =	vst v63  }
0x169: {  	_ =	swait.ge [sflag:s12], $0x2000  }
0x16a: {  	s19 =	sld [smem:$0x7EC]  }
0x16b: {  	[sflag:s12] =	ssyncset.done $0x0  }
0x16c: {  	[sflag:s12] =	ssyncadd.s32 $0xFFFFE000  }
0x16d: {  	[hbm4b:s19+s20] =	stream.strided.scatter [tilespmem:s10], [sflag:$0x3], $0x2000, s6, s20, $0x38;
	[tilespmem:$0x7400] =	vst v63  }
0x16e: {  	_ =	swait.ge [sflag:s3], $0x2000  }
0x16f: {  	[sflag:s3] =	ssyncset.done $0x0  }
0x170: {  	s19 =	rddreg [dreg:$0x19];
	[sflag:s3] =	ssyncadd.s32 $0xFFFFE000  }
0x171: {  	[tilespmem:s8], [sflag:$0x2] =	stream.indirect.gather [hbm4b:s19+s2], $0x10, s11, s2, $0xb8;
	[tilespmem:$0x7400] =	vst v63  }
0x172: {  	_ =	swait.ge [sflag:s9], $0x2000  }
0x173: {  	s19 =	sld [smem:$0x7ED]  }
0x174: {  	[sflag:s9] =	ssyncset.done $0x0  }
0x175: {  	[sflag:s9] =	ssyncadd.s32 $0xFFFFE000  }
0x176: {  	[hbm4b:s19+s20] =	stream.strided.scatter [tilespmem:s8], [sflag:$0x4], $0x2000, s6, s20, $0x38;
	[tilespmem:$0x7400] =	vst v63  }
0x177: {  	_ =	swait.ge [sflag:s7], $0x2000  }
0x178: {  	[sflag:s7] =	ssyncset.done $0x0  }
0x179: {  	s19 =	rddreg [dreg:$0x1a];
	[sflag:s7] =	ssyncadd.s32 $0xFFFFE000  }
0x17a: {  	[tilespmem:s10], [sflag:$0x1] =	stream.indirect.gather [hbm4b:s19+s2], $0x10, s5, s2, $0xb8;
	[tilespmem:$0x7400] =	vst v63  }
0x17b: {  	_ =	swait.ge [sflag:s12], $0x2000  }
0x17c: {  	s19 =	sld [smem:$0x7EE]  }
0x17d: {  	[sflag:s12] =	ssyncset.done $0x0  }
0x17e: {  	[sflag:s12] =	ssyncadd.s32 $0xFFFFE000  }
0x17f: {  	[hbm4b:s19+s20] =	stream.strided.scatter [tilespmem:s10], [sflag:$0x3], $0x2000, s6, s20, $0x38;
	[tilespmem:$0x7400] =	vst v63  }
0x180: {  	_ =	swait.ge [sflag:s3], $0x2000  }
0x181: {  	[sflag:s3] =	ssyncset.done $0x0  }
0x182: {  	s19 =	rddreg [dreg:$0x1b];
	[sflag:s3] =	ssyncadd.s32 $0xFFFFE000  }
0x183: {  	[tilespmem:s8], [sflag:$0x2] =	stream.indirect.gather [hbm4b:s19+s2], $0x10, s0, s2, $0xb8;
	[tilespmem:$0x7400] =	vst v63  }
0x184: {  	_ =	swait.ge [sflag:s9], $0x2000  }
0x185: {  	s19 =	sld [smem:$0x7EF]  }
0x186: {  	[sflag:s9] =	ssyncset.done $0x0  }
0x187: {  	[sflag:s9] =	ssyncadd.s32 $0xFFFFE000  }
0x188: {  	[hbm4b:s19+s20] =	stream.strided.scatter [tilespmem:s8], [sflag:$0x4], $0x2000, s6, s20, $0x38;
	[tilespmem:$0x7400] =	vst v63  }
0x189: {  	_ =	swait.ge [sflag:s7], $0x2000  }
0x18a: {  	[sflag:s7] =	ssyncset.done $0x0  }
0x18b: {  	s19 =	rddreg [dreg:$0x1c];
	[sflag:s7] =	ssyncadd.s32 $0xFFFFE000  }
0x18c: {  	[tilespmem:s10], [sflag:$0x1] =	stream.indirect.gather [hbm4b:s19+s2], $0x10, s1, s2, $0xb8;
	[tilespmem:$0x7400] =	vst v63  }
0x18d: {  	_ =	swait.ge [sflag:s12], $0x2000  }
0x18e: {  	s19 =	sld [smem:$0x7F0]  }
0x18f: {  	[sflag:s12] =	ssyncset.done $0x0  }
0x190: {  	[sflag:s12] =	ssyncadd.s32 $0xFFFFE000  }
0x191: {  	[hbm4b:s19+s20] =	stream.strided.scatter [tilespmem:s10], [sflag:$0x3], $0x2000, s6, s20, $0x38;
	[tilespmem:$0x7400] =	vst v63  }
0x192: {  	_ =	swait.ge [sflag:s3], $0x2000  }
0x193: {  	[sflag:s3] =	ssyncset.done $0x0  }
0x194: {  	s19 =	rddreg [dreg:$0x1d];
	[sflag:s3] =	ssyncadd.s32 $0xFFFFE000  }
0x195: {  	[tilespmem:s8], [sflag:$0x2] =	stream.indirect.gather [hbm4b:s19+s2], $0x10, s30, s2, $0xb8;
	[tilespmem:$0x7400] =	vst v63  }
0x196: {  	_ =	swait.ge [sflag:s9], $0x2000  }
0x197: {  	s19 =	sld [smem:$0x7F1]  }
0x198: {  	[sflag:s9] =	ssyncset.done $0x0  }
0x199: {  	[sflag:s9] =	ssyncadd.s32 $0xFFFFE000  }
0x19a: {  	[hbm4b:s19+s20] =	stream.strided.scatter [tilespmem:s8], [sflag:$0x4], $0x2000, s6, s20, $0x38;
	[tilespmem:$0x7400] =	vst v63  }
0x19b: {  	_ =	swait.ge [sflag:s7], $0x2000  }
0x19c: {  	[sflag:s7] =	ssyncset.done $0x0  }
0x19d: {  	s19 =	rddreg [dreg:$0x1e];
	[sflag:s7] =	ssyncadd.s32 $0xFFFFE000  }
0x19e: {  	[tilespmem:s10], [sflag:$0x1] =	stream.indirect.gather [hbm4b:s19+s2], $0x10, s29, s2, $0xb8;
	[tilespmem:$0x7400] =	vst v63  }
0x19f: {  	_ =	swait.ge [sflag:s12], $0x2000  }
0x1a0: {  	s19 =	sld [smem:$0x7F2]  }
0x1a1: {  	[sflag:s12] =	ssyncset.done $0x0  }
0x1a2: {  	[sflag:s12] =	ssyncadd.s32 $0xFFFFE000  }
0x1a3: {  	[hbm4b:s19+s20] =	stream.strided.scatter [tilespmem:s10], [sflag:$0x3], $0x2000, s6, s20, $0x38;
	[tilespmem:$0x7400] =	vst v63  }
0x1a4: {  	_ =	swait.ge [sflag:s3], $0x2000  }
0x1a5: {  	[sflag:s3] =	ssyncset.done $0x0  }
0x1a6: {  	s19 =	rddreg [dreg:$0x1f];
	[sflag:s3] =	ssyncadd.s32 $0xFFFFE000  }
0x1a7: {  	[tilespmem:s8], [sflag:$0x2] =	stream.indirect.gather [hbm4b:s19+s2], $0x10, s28, s2, $0xb8;
	[tilespmem:$0x7400] =	vst v63  }
0x1a8: {  	_ =	swait.ge [sflag:s9], $0x2000  }
0x1a9: {  	s19 =	sld [smem:$0x7F3]  }
0x1aa: {  	[sflag:s9] =	ssyncset.done $0x0  }
0x1ab: {  	[sflag:s9] =	ssyncadd.s32 $0xFFFFE000  }
0x1ac: {  	[hbm4b:s19+s20] =	stream.strided.scatter [tilespmem:s8], [sflag:$0x4], $0x2000, s6, s20, $0x38;
	[tilespmem:$0x7400] =	vst v63  }
0x1ad: {  	_ =	swait.ge [sflag:s7], $0x2000  }
0x1ae: {  	s19 =	sld [smem:$0x7C2]  }
0x1af: {  	[sflag:s7] =	ssyncset.done $0x0  }
0x1b0: {  	[sflag:s7] =	ssyncadd.s32 $0xFFFFE000  }
0x1b1: {  	[tilespmem:s10], [sflag:$0x1] =	stream.indirect.gather [hbm4b:s19+s2], $0x10, s26, s2, $0xb8;
	[tilespmem:$0x7400] =	vst v63  }
0x1b2: {  	_ =	swait.ge [sflag:s12], $0x2000  }
0x1b3: {  	s19 =	sld [smem:$0x7F4]  }
0x1b4: {  	[sflag:s12] =	ssyncset.done $0x0  }
0x1b5: {  	[sflag:s12] =	ssyncadd.s32 $0xFFFFE000  }
0x1b6: {  	[hbm4b:s19+s20] =	stream.strided.scatter [tilespmem:s10], [sflag:$0x3], $0x2000, s6, s20, $0x38;
	[tilespmem:$0x7400] =	vst v63  }
0x1b7: {  	_ =	swait.ge [sflag:s3], $0x2000  }
0x1b8: {  	s19 =	sld [smem:$0x7C3]  }
0x1b9: {  	[sflag:s3] =	ssyncset.done $0x0  }
0x1ba: {  	[sflag:s3] =	ssyncadd.s32 $0xFFFFE000  }
0x1bb: {  	[tilespmem:s8], [sflag:$0x2] =	stream.indirect.gather [hbm4b:s19+s2], $0x10, s25, s2, $0xb8;
	[tilespmem:$0x7400] =	vst v63  }
0x1bc: {  	_ =	swait.ge [sflag:s9], $0x2000  }
0x1bd: {  	s19 =	sld [smem:$0x7F5]  }
0x1be: {  	[sflag:s9] =	ssyncset.done $0x0  }
0x1bf: {  	[sflag:s9] =	ssyncadd.s32 $0xFFFFE000  }
0x1c0: {  	[hbm4b:s19+s20] =	stream.strided.scatter [tilespmem:s8], [sflag:$0x4], $0x2000, s6, s20, $0x38;
	[tilespmem:$0x7400] =	vst v63  }
0x1c1: {  	_ =	swait.ge [sflag:s7], $0x2000  }
0x1c2: {  	s19 =	sld [smem:$0x7C4]  }
0x1c3: {  	[sflag:s7] =	ssyncset.done $0x0  }
0x1c4: {  	[sflag:s7] =	ssyncadd.s32 $0xFFFFE000  }
0x1c5: {  	[tilespmem:s10], [sflag:$0x1] =	stream.indirect.gather [hbm4b:s19+s2], $0x10, s24, s2, $0xb8;
	[tilespmem:$0x7400] =	vst v63  }
0x1c6: {  	_ =	swait.ge [sflag:s12], $0x2000  }
0x1c7: {  	s19 =	sld [smem:$0x7F6]  }
0x1c8: {  	[sflag:s12] =	ssyncset.done $0x0  }
0x1c9: {  	[sflag:s12] =	ssyncadd.s32 $0xFFFFE000  }
0x1ca: {  	[hbm4b:s19+s20] =	stream.strided.scatter [tilespmem:s10], [sflag:$0x3], $0x2000, s6, s20, $0x38;
	[tilespmem:$0x7400] =	vst v63  }
0x1cb: {  	_ =	swait.ge [sflag:s3], $0x2000  }
0x1cc: {  	s19 =	sld [smem:$0x7C5]  }
0x1cd: {  	[sflag:s3] =	ssyncset.done $0x0  }
0x1ce: {  	[sflag:s3] =	ssyncadd.s32 $0xFFFFE000  }
0x1cf: {  	[tilespmem:s8], [sflag:$0x2] =	stream.indirect.gather [hbm4b:s19+s2], $0x10, s23, s2, $0xb8;
	[tilespmem:$0x7400] =	vst v63  }
0x1d0: {  	_ =	swait.ge [sflag:s9], $0x2000  }
0x1d1: {  	s19 =	sld [smem:$0x7F7]  }
0x1d2: {  	[sflag:s9] =	ssyncset.done $0x0  }
0x1d3: {  	[sflag:s9] =	ssyncadd.s32 $0xFFFFE000  }
0x1d4: {  	[hbm4b:s19+s20] =	stream.strided.scatter [tilespmem:s8], [sflag:$0x4], $0x2000, s6, s20, $0x38;
	[tilespmem:$0x7400] =	vst v63  }
0x1d5: {  	_ =	swait.ge [sflag:s7], $0x2000  }
0x1d6: {  	s19 =	sld [smem:$0x7C6]  }
0x1d7: {  	[sflag:s7] =	ssyncset.done $0x0  }
0x1d8: {  	[sflag:s7] =	ssyncadd.s32 $0xFFFFE000  }
0x1d9: {  	[tilespmem:s10], [sflag:$0x1] =	stream.indirect.gather [hbm4b:s19+s2], $0x10, s22, s2, $0xb8;
	[tilespmem:$0x7400] =	vst v63  }
0x1da: {  	_ =	swait.ge [sflag:s12], $0x2000  }
0x1db: {  	s19 =	sld [smem:$0x7F8]  }
0x1dc: {  	[sflag:s12] =	ssyncset.done $0x0  }
0x1dd: {  	[sflag:s12] =	ssyncadd.s32 $0xFFFFE000  }
0x1de: {  	[hbm4b:s19+s20] =	stream.strided.scatter [tilespmem:s10], [sflag:$0x3], $0x2000, s6, s20, $0x38;
	[tilespmem:$0x7400] =	vst v63  }
0x1df: {  	_ =	swait.ge [sflag:s3], $0x2000  }
0x1e0: {  	s19 =	sld [smem:$0x7C7]  }
0x1e1: {  	[sflag:s3] =	ssyncset.done $0x0  }
0x1e2: {  	[sflag:s3] =	ssyncadd.s32 $0xFFFFE000  }
0x1e3: {  	[tilespmem:s8], [sflag:$0x2] =	stream.indirect.gather [hbm4b:s19+s2], $0x10, s21, s2, $0xb8;
	[tilespmem:$0x7400] =	vst v63  }
0x1e4: {  	_ =	swait.ge [sflag:s9], $0x2000  }
0x1e5: {  	s19 =	sld [smem:$0x7F9]  }
0x1e6: {  	[sflag:s9] =	ssyncset.done $0x0  }
0x1e7: {  	[sflag:s9] =	ssyncadd.s32 $0xFFFFE000  }
0x1e8: {  	[hbm4b:s19+s20] =	stream.strided.scatter [tilespmem:s8], [sflag:$0x4], $0x2000, s6, s20, $0x38;
	[tilespmem:$0x7400] =	vst v63  }
0x1e9: {  	_ =	swait.ge [sflag:s7], $0x2000  }
0x1ea: {  	s19 =	sld [smem:$0x7C8]  }
0x1eb: {  	[sflag:s7] =	ssyncset.done $0x0  }
0x1ec: {  	[sflag:s7] =	ssyncadd.s32 $0xFFFFE000  }
0x1ed: {  	[tilespmem:s10], [sflag:$0x1] =	stream.indirect.gather [hbm4b:s19+s2], $0x10, s4, s2, $0xb8;
	[tilespmem:$0x7400] =	vst v63  }
0x1ee: {  	_ =	swait.ge [sflag:s12], $0x2000  }
0x1ef: {  	s19 =	sld [smem:$0x7FA]  }
0x1f0: {  	[sflag:s12] =	ssyncset.done $0x0  }
0x1f1: {  	[sflag:s12] =	ssyncadd.s32 $0xFFFFE000  }
0x1f2: {  	[hbm4b:s19+s20] =	stream.strided.scatter [tilespmem:s10], [sflag:$0x3], $0x2000, s6, s20, $0x38;
	[tilespmem:$0x7400] =	vst v63  }
0x1f3: {  	_ =	swait.ge [sflag:s3], $0x2000  }
0x1f4: {  	s19 =	sld [smem:$0x7C9]  }
0x1f5: {  	[sflag:s3] =	ssyncset.done $0x0  }
0x1f6: {  	[sflag:s3] =	ssyncadd.s32 $0xFFFFE000  }
0x1f7: {  	[tilespmem:s8], [sflag:$0x2] =	stream.indirect.gather [hbm4b:s19+s2], $0x10, s18, s2, $0xb8;
	[tilespmem:$0x7400] =	vst v63  }
0x1f8: {  	_ =	swait.ge [sflag:s9], $0x2000  }
0x1f9: {  	s18 =	sld [smem:$0x7FC]  }
0x1fa: {  	[sflag:s9] =	ssyncset.done $0x0  }
0x1fb: {  	[sflag:s9] =	ssyncadd.s32 $0xFFFFE000  }
0x1fc: {  	[hbm4b:s18+s20] =	stream.strided.scatter [tilespmem:s8], [sflag:$0x4], $0x2000, s6, s20, $0x38;
	[tilespmem:$0x7400] =	vst v63  }
0x1fd: {  	_ =	swait.ge [sflag:s7], $0x2000  }
0x1fe: {  	s19 =	sld [smem:$0x7C0];
	_ =	sdelay $0x2  }
0x1ff: {  	p1 =	sne.s32 s19, $0x1  }
.Ltmp1:
0x200: {  	_ = 	snop;
	(pc) =	sbr.rel @!p1 .LBB3_3-.Ltmp1, $4  }
0x201: {  	[sflag:s7] =	ssyncset.done $0x0  }
0x202: {  	[sflag:s7] =	ssyncadd.s32 $0xFFFFE000  }
0x203: {  	p0 =	por $0x1, $0x1;
	_ =	swait.ge [sflag:s3], $0x2000  }
0x204: {  	s17 =	sadd.s32 $0xFFFFFFFF, s19;
	s18 =	sld [smem:$0x7FD];
	[sflag:s3] =	ssyncset.done $0x0  }
.LBB3_2:
0x205: {  	_ = 	snop  }
0x206: {  	[sflag:s3] =	ssyncadd.s32 $0xFFFFE000;
	s19 =	sld [smem:$0x7CA]  }
0x207: {  	[tilespmem:s16], [sflag:$0x5] =	stream.linear.gather [hbm4b:s18+s16], $0x200, $0x38;
	[tilespmem:$0x7400] =	vst v63  }
0x208: {  	s18 =	sld [smem:$0x7CB]  }
0x209: {  	[tilespmem:s2], [sflag:$0x5] =	stream.linear.gather [hbm4b:s19+s16], $0x200, $0x38;
	[tilespmem:$0x7400] =	vst v63  }
0x20a: {  	s21 =	simm.s32 $0x400;
	s19 =	sld [smem:$0x7CC]  }
0x20b: {  	[tilespmem:s21], [sflag:$0x5] =	stream.linear.gather [hbm4b:s18+s16], $0x200, $0x38;
	[tilespmem:$0x7400] =	vst v63  }
0x20c: {  	s18 =	sld [smem:$0x7CD];
	s21 =	simm.s32 $0x600  }
0x20d: {  	[tilespmem:s21], [sflag:$0x5] =	stream.linear.gather [hbm4b:s19+s16], $0x200, $0x38;
	[tilespmem:$0x7400] =	vst v63  }
0x20e: {  	s19 =	sld [smem:$0x7CE];
	s21 =	simm.s32 $0x800  }
0x20f: {  	[tilespmem:s21], [sflag:$0x5] =	stream.linear.gather [hbm4b:s18+s16], $0x200, $0x38;
	[tilespmem:$0x7400] =	vst v63  }
0x210: {  	s18 =	sld [smem:$0x7CF];
	s21 =	simm.s32 $0xA00  }
0x211: {  	[tilespmem:s21], [sflag:$0x5] =	stream.linear.gather [hbm4b:s19+s16], $0x200, $0x38;
	[tilespmem:$0x7400] =	vst v63  }
0x212: {  	s19 =	sld [smem:$0x7D0];
	s21 =	simm.s32 $0xC00  }
0x213: {  	[tilespmem:s21], [sflag:$0x5] =	stream.linear.gather [hbm4b:s18+s16], $0x200, $0x38;
	[tilespmem:$0x7400] =	vst v63  }
0x214: {  	s18 =	sld [smem:$0x7D1];
	s21 =	simm.s32 $0xE00  }
0x215: {  	[tilespmem:s21], [sflag:$0x5] =	stream.linear.gather [hbm4b:s19+s16], $0x200, $0x38;
	[tilespmem:$0x7400] =	vst v63  }
0x216: {  	s4 =	simm.s32 $0x1000;
	s21 =	sld [smem:$0x7D2]  }
0x217: {  	[tilespmem:s4], [sflag:$0x5] =	stream.linear.gather [hbm4b:s18+s16], $0x200, $0x38;
	[tilespmem:$0x7400] =	vst v63  }
0x218: {  	s14 =	simm.s32 $0x1200;
	s4 =	sld [smem:$0x7D3]  }
0x219: {  	[tilespmem:s14], [sflag:$0x5] =	stream.linear.gather [hbm4b:s21+s16], $0x200, $0x38;
	[tilespmem:$0x7400] =	vst v63  }
0x21a: {  	s13 =	simm.s32 $0x1400;
	s21 =	sld [smem:$0x7D4]  }
0x21b: {  	[tilespmem:s13], [sflag:$0x5] =	stream.linear.gather [hbm4b:s4+s16], $0x200, $0x38;
	[tilespmem:$0x7400] =	vst v63  }
0x21c: {  	s31 =	simm.s32 $0x1600;
	s4 =	sld [smem:$0x7D5]  }
0x21d: {  	[tilespmem:s31], [sflag:$0x5] =	stream.linear.gather [hbm4b:s21+s16], $0x200, $0x38;
	[tilespmem:$0x7400] =	vst v63  }
0x21e: {  	s11 =	simm.s32 $0x1800;
	s21 =	sld [smem:$0x7D6]  }
0x21f: {  	[tilespmem:s11], [sflag:$0x5] =	stream.linear.gather [hbm4b:s4+s16], $0x200, $0x38;
	[tilespmem:$0x7400] =	vst v63  }
0x220: {  	s5 =	simm.s32 $0x1A00;
	s4 =	sld [smem:$0x7D7]  }
0x221: {  	[tilespmem:s5], [sflag:$0x5] =	stream.linear.gather [hbm4b:s21+s16], $0x200, $0x38;
	[tilespmem:$0x7400] =	vst v63  }
0x222: {  	s0 =	simm.s32 $0x1C00;
	s21 =	sld [smem:$0x7D8]  }
0x223: {  	[tilespmem:s0], [sflag:$0x5] =	stream.linear.gather [hbm4b:s4+s16], $0x200, $0x38;
	[tilespmem:$0x7400] =	vst v63  }
0x224: {  	s1 =	simm.s32 $0x1E00;
	s4 =	sld [smem:$0x7D9]  }
0x225: {  	[tilespmem:s1], [sflag:$0x5] =	stream.linear.gather [hbm4b:s21+s16], $0x200, $0x38;
	[tilespmem:$0x7400] =	vst v63  }
0x226: {  	s30 =	simm.s32 $0x2000;
	s21 =	sld [smem:$0x7DA]  }
0x227: {  	[tilespmem:s30], [sflag:$0x5] =	stream.linear.gather [hbm4b:s4+s16], $0x200, $0x38;
	[tilespmem:$0x7400] =	vst v63  }
0x228: {  	s29 =	simm.s32 $0x2200;
	s4 =	sld [smem:$0x7DB]  }
0x229: {  	[tilespmem:s29], [sflag:$0x5] =	stream.linear.gather [hbm4b:s21+s16], $0x200, $0x38;
	[tilespmem:$0x7400] =	vst v63  }
0x22a: {  	s28 =	simm.s32 $0x2400;
	s21 =	sld [smem:$0x7DC]  }
0x22b: {  	[tilespmem:s28], [sflag:$0x5] =	stream.linear.gather [hbm4b:s4+s16], $0x200, $0x38;
	[tilespmem:$0x7400] =	vst v63  }
0x22c: {  	s26 =	simm.s32 $0x2600;
	s4 =	sld [smem:$0x7DD]  }
0x22d: {  	[tilespmem:s26], [sflag:$0x5] =	stream.linear.gather [hbm4b:s21+s16], $0x200, $0x38;
	[tilespmem:$0x7400] =	vst v63  }
0x22e: {  	s25 =	simm.s32 $0x2800;
	s21 =	sld [smem:$0x7DE]  }
0x22f: {  	[tilespmem:s25], [sflag:$0x5] =	stream.linear.gather [hbm4b:s4+s16], $0x200, $0x38;
	[tilespmem:$0x7400] =	vst v63  }
0x230: {  	s24 =	simm.s32 $0x2A00;
	s4 =	sld [smem:$0x7DF]  }
0x231: {  	[tilespmem:s24], [sflag:$0x5] =	stream.linear.gather [hbm4b:s21+s16], $0x200, $0x38;
	[tilespmem:$0x7400] =	vst v63  }
0x232: {  	s23 =	simm.s32 $0x2C00;
	s21 =	sld [smem:$0x7E0]  }
0x233: {  	[tilespmem:s23], [sflag:$0x5] =	stream.linear.gather [hbm4b:s4+s16], $0x200, $0x38;
	[tilespmem:$0x7400] =	vst v63  }
0x234: {  	s22 =	simm.s32 $0x2E00;
	s4 =	sld [smem:$0x7E1]  }
0x235: {  	[tilespmem:s22], [sflag:$0x5] =	stream.linear.gather [hbm4b:s21+s16], $0x200, $0x38;
	[tilespmem:$0x7400] =	vst v63  }
0x236: {  	s19 =	sld [smem:$0x7E2];
	s21 =	simm.s32 $0x3000  }
0x237: {  	[tilespmem:s21], [sflag:$0x5] =	stream.linear.gather [hbm4b:s4+s16], $0x200, $0x38;
	[tilespmem:$0x7400] =	vst v63  }
0x238: {  	s18 =	simm.s32 $0x3200  }
0x239: {  	[tilespmem:s18], [sflag:$0x5] =	stream.linear.gather [hbm4b:s19+s16], $0x200, $0x38;
	[tilespmem:$0x7400] =	vst v63  }
0x23a: {  	_ =	swait.ge [sflag:s15], $0x200  }
0x23b: {  	[sflag:s15] =	ssyncset.done $0x0  }
0x23c: {  	[sflag:s15] =	ssyncadd.s32 $0xFFFFFE00  }
0x23d: {  	_ =	swait.ge [sflag:s15], $0x200  }
0x23e: {  	[sflag:s15] =	ssyncset.done $0x0  }
0x23f: {  	[sflag:s15] =	ssyncadd.s32 $0xFFFFFE00  }
0x240: {  	_ =	swait.ge [sflag:s15], $0x200  }
0x241: {  	[sflag:s15] =	ssyncset.done $0x0  }
0x242: {  	[sflag:s15] =	ssyncadd.s32 $0xFFFFFE00  }
0x243: {  	_ =	swait.ge [sflag:s15], $0x200  }
0x244: {  	[sflag:s15] =	ssyncset.done $0x0  }
0x245: {  	[sflag:s15] =	ssyncadd.s32 $0xFFFFFE00  }
0x246: {  	_ =	swait.ge [sflag:s15], $0x200  }
0x247: {  	[sflag:s15] =	ssyncset.done $0x0  }
0x248: {  	[sflag:s15] =	ssyncadd.s32 $0xFFFFFE00  }
0x249: {  	_ =	swait.ge [sflag:s15], $0x200  }
0x24a: {  	[sflag:s15] =	ssyncset.done $0x0  }
0x24b: {  	[sflag:s15] =	ssyncadd.s32 $0xFFFFFE00  }
0x24c: {  	_ =	swait.ge [sflag:s15], $0x200  }
0x24d: {  	[sflag:s15] =	ssyncset.done $0x0  }
0x24e: {  	[sflag:s15] =	ssyncadd.s32 $0xFFFFFE00  }
0x24f: {  	_ =	swait.ge [sflag:s15], $0x200  }
0x250: {  	[sflag:s15] =	ssyncset.done $0x0  }
0x251: {  	[sflag:s15] =	ssyncadd.s32 $0xFFFFFE00  }
0x252: {  	_ =	swait.ge [sflag:s15], $0x200  }
0x253: {  	[sflag:s15] =	ssyncset.done $0x0  }
0x254: {  	[sflag:s15] =	ssyncadd.s32 $0xFFFFFE00  }
0x255: {  	_ =	swait.ge [sflag:s15], $0x200  }
0x256: {  	[sflag:s15] =	ssyncset.done $0x0  }
0x257: {  	[sflag:s15] =	ssyncadd.s32 $0xFFFFFE00  }
0x258: {  	_ =	swait.ge [sflag:s15], $0x200  }
0x259: {  	[sflag:s15] =	ssyncset.done $0x0  }
0x25a: {  	[sflag:s15] =	ssyncadd.s32 $0xFFFFFE00  }
0x25b: {  	_ =	swait.ge [sflag:s15], $0x200  }
0x25c: {  	[sflag:s15] =	ssyncset.done $0x0  }
0x25d: {  	[sflag:s15] =	ssyncadd.s32 $0xFFFFFE00  }
0x25e: {  	_ =	swait.ge [sflag:s15], $0x200  }
0x25f: {  	[sflag:s15] =	ssyncset.done $0x0  }
0x260: {  	[sflag:s15] =	ssyncadd.s32 $0xFFFFFE00  }
0x261: {  	_ =	swait.ge [sflag:s15], $0x200  }
0x262: {  	[sflag:s15] =	ssyncset.done $0x0  }
0x263: {  	[sflag:s15] =	ssyncadd.s32 $0xFFFFFE00  }
0x264: {  	_ =	swait.ge [sflag:s15], $0x200  }
0x265: {  	[sflag:s15] =	ssyncset.done $0x0  }
0x266: {  	[sflag:s15] =	ssyncadd.s32 $0xFFFFFE00  }
0x267: {  	_ =	swait.ge [sflag:s15], $0x200  }
0x268: {  	[sflag:s15] =	ssyncset.done $0x0  }
0x269: {  	[sflag:s15] =	ssyncadd.s32 $0xFFFFFE00  }
0x26a: {  	_ =	swait.ge [sflag:s15], $0x200  }
0x26b: {  	[sflag:s15] =	ssyncset.done $0x0  }
0x26c: {  	[sflag:s15] =	ssyncadd.s32 $0xFFFFFE00  }
0x26d: {  	_ =	swait.ge [sflag:s15], $0x200  }
0x26e: {  	[sflag:s15] =	ssyncset.done $0x0  }
0x26f: {  	[sflag:s15] =	ssyncadd.s32 $0xFFFFFE00  }
0x270: {  	_ =	swait.ge [sflag:s15], $0x200  }
0x271: {  	[sflag:s15] =	ssyncset.done $0x0  }
0x272: {  	[sflag:s15] =	ssyncadd.s32 $0xFFFFFE00  }
0x273: {  	_ =	swait.ge [sflag:s15], $0x200  }
0x274: {  	[sflag:s15] =	ssyncset.done $0x0  }
0x275: {  	[sflag:s15] =	ssyncadd.s32 $0xFFFFFE00  }
0x276: {  	_ =	swait.ge [sflag:s15], $0x200  }
0x277: {  	[sflag:s15] =	ssyncset.done $0x0  }
0x278: {  	[sflag:s15] =	ssyncadd.s32 $0xFFFFFE00  }
0x279: {  	_ =	swait.ge [sflag:s15], $0x200  }
0x27a: {  	[sflag:s15] =	ssyncset.done $0x0  }
0x27b: {  	[sflag:s15] =	ssyncadd.s32 $0xFFFFFE00  }
0x27c: {  	_ =	swait.ge [sflag:s15], $0x200  }
0x27d: {  	[sflag:s15] =	ssyncset.done $0x0  }
0x27e: {  	[sflag:s15] =	ssyncadd.s32 $0xFFFFFE00  }
0x27f: {  	_ =	swait.ge [sflag:s15], $0x200  }
0x280: {  	[sflag:s15] =	ssyncset.done $0x0  }
0x281: {  	[sflag:s15] =	ssyncadd.s32 $0xFFFFFE00  }
0x282: {  	_ =	swait.ge [sflag:s15], $0x200  }
0x283: {  	[sflag:s15] =	ssyncset.done $0x0  }
0x284: {  	[sflag:s15] =	ssyncadd.s32 $0xFFFFFE00  }
0x285: {  	_ =	swait.ge [sflag:s15], $0x200  }
0x286: {  	[sflag:s15] =	ssyncset.done $0x0  }
0x287: {  	s19 =	rddreg [dreg:$0xe];
	[sflag:s15] =	ssyncadd.s32 $0xFFFFFE00  }
0x288: {  	[tilespmem:s10], [sflag:$0x1] =	stream.indirect.gather [hbm4b:s19+s2], $0x10, s16, s2, $0xb8;
	[tilespmem:$0x7400] =	vst v63  }
0x289: {  	_ =	swait.ge [sflag:s12], $0x2000  }
0x28a: {  	s19 =	sld [smem:$0x7FB]  }
0x28b: {  	[sflag:s12] =	ssyncset.done $0x0  }
0x28c: {  	[sflag:s12] =	ssyncadd.s32 $0xFFFFE000  }
0x28d: {  	[hbm4b:s19+s20] =	stream.strided.scatter [tilespmem:s10], [sflag:$0x3], $0x2000, s6, s20, $0x38;
	[tilespmem:$0x7400] =	vst v63  }
0x28e: {  	s18 =	rddreg [dreg:$0xf]  }
0x28f: {  	[tilespmem:s8], [sflag:$0x2] =	stream.indirect.gather [hbm4b:s18+s2], $0x10, s2, s2, $0xb8;
	[tilespmem:$0x7400] =	vst v63  }
0x290: {  	_ =	swait.ge [sflag:s9], $0x2000  }
0x291: {  	s19 =	sld [smem:$0x7E3]  }
0x292: {  	[sflag:s9] =	ssyncset.done $0x0  }
0x293: {  	[sflag:s9] =	ssyncadd.s32 $0xFFFFE000  }
0x294: {  	[hbm4b:s19+s20] =	stream.strided.scatter [tilespmem:s8], [sflag:$0x4], $0x2000, s6, s20, $0x38;
	[tilespmem:$0x7400] =	vst v63  }
0x295: {  	_ =	swait.ge [sflag:s7], $0x2000  }
0x296: {  	[sflag:s7] =	ssyncset.done $0x0  }
0x297: {  	s19 =	simm.s32 $0x400;
	s18 =	rddreg [dreg:$0x10];
	[sflag:s7] =	ssyncadd.s32 $0xFFFFE000  }
0x298: {  	[tilespmem:s10], [sflag:$0x1] =	stream.indirect.gather [hbm4b:s18+s2], $0x10, s19, s2, $0xb8;
	[tilespmem:$0x7400] =	vst v63  }
0x299: {  	_ =	swait.ge [sflag:s12], $0x2000  }
0x29a: {  	s19 =	sld [smem:$0x7E4]  }
0x29b: {  	[sflag:s12] =	ssyncset.done $0x0  }
0x29c: {  	[sflag:s12] =	ssyncadd.s32 $0xFFFFE000  }
0x29d: {  	[hbm4b:s19+s20] =	stream.strided.scatter [tilespmem:s10], [sflag:$0x3], $0x2000, s6, s20, $0x38;
	[tilespmem:$0x7400] =	vst v63  }
0x29e: {  	_ =	swait.ge [sflag:s3], $0x2000  }
0x29f: {  	[sflag:s3] =	ssyncset.done $0x0  }
0x2a0: {  	s19 =	simm.s32 $0x600;
	s18 =	rddreg [dreg:$0x11];
	[sflag:s3] =	ssyncadd.s32 $0xFFFFE000  }
0x2a1: {  	[tilespmem:s8], [sflag:$0x2] =	stream.indirect.gather [hbm4b:s18+s2], $0x10, s19, s2, $0xb8;
	[tilespmem:$0x7400] =	vst v63  }
0x2a2: {  	_ =	swait.ge [sflag:s9], $0x2000  }
0x2a3: {  	s19 =	sld [smem:$0x7E5]  }
0x2a4: {  	[sflag:s9] =	ssyncset.done $0x0  }
0x2a5: {  	[sflag:s9] =	ssyncadd.s32 $0xFFFFE000  }
0x2a6: {  	[hbm4b:s19+s20] =	stream.strided.scatter [tilespmem:s8], [sflag:$0x4], $0x2000, s6, s20, $0x38;
	[tilespmem:$0x7400] =	vst v63  }
0x2a7: {  	_ =	swait.ge [sflag:s7], $0x2000  }
0x2a8: {  	[sflag:s7] =	ssyncset.done $0x0  }
0x2a9: {  	s19 =	simm.s32 $0x800;
	s18 =	rddreg [dreg:$0x12];
	[sflag:s7] =	ssyncadd.s32 $0xFFFFE000  }
0x2aa: {  	[tilespmem:s10], [sflag:$0x1] =	stream.indirect.gather [hbm4b:s18+s2], $0x10, s19, s2, $0xb8;
	[tilespmem:$0x7400] =	vst v63  }
0x2ab: {  	_ =	swait.ge [sflag:s12], $0x2000  }
0x2ac: {  	s19 =	sld [smem:$0x7E6]  }
0x2ad: {  	[sflag:s12] =	ssyncset.done $0x0  }
0x2ae: {  	[sflag:s12] =	ssyncadd.s32 $0xFFFFE000  }
0x2af: {  	[hbm4b:s19+s20] =	stream.strided.scatter [tilespmem:s10], [sflag:$0x3], $0x2000, s6, s20, $0x38;
	[tilespmem:$0x7400] =	vst v63  }
0x2b0: {  	_ =	swait.ge [sflag:s3], $0x2000  }
0x2b1: {  	[sflag:s3] =	ssyncset.done $0x0  }
0x2b2: {  	s19 =	simm.s32 $0xA00;
	s18 =	rddreg [dreg:$0x13];
	[sflag:s3] =	ssyncadd.s32 $0xFFFFE000  }
0x2b3: {  	[tilespmem:s8], [sflag:$0x2] =	stream.indirect.gather [hbm4b:s18+s2], $0x10, s19, s2, $0xb8;
	[tilespmem:$0x7400] =	vst v63  }
0x2b4: {  	_ =	swait.ge [sflag:s9], $0x2000  }
0x2b5: {  	s19 =	sld [smem:$0x7E7]  }
0x2b6: {  	[sflag:s9] =	ssyncset.done $0x0  }
0x2b7: {  	[sflag:s9] =	ssyncadd.s32 $0xFFFFE000  }
0x2b8: {  	[hbm4b:s19+s20] =	stream.strided.scatter [tilespmem:s8], [sflag:$0x4], $0x2000, s6, s20, $0x38;
	[tilespmem:$0x7400] =	vst v63  }
0x2b9: {  	_ =	swait.ge [sflag:s7], $0x2000  }
0x2ba: {  	[sflag:s7] =	ssyncset.done $0x0  }
0x2bb: {  	s19 =	simm.s32 $0xC00;
	s18 =	rddreg [dreg:$0x14];
	[sflag:s7] =	ssyncadd.s32 $0xFFFFE000  }
0x2bc: {  	[tilespmem:s10], [sflag:$0x1] =	stream.indirect.gather [hbm4b:s18+s2], $0x10, s19, s2, $0xb8;
	[tilespmem:$0x7400] =	vst v63  }
0x2bd: {  	_ =	swait.ge [sflag:s12], $0x2000  }
0x2be: {  	s19 =	sld [smem:$0x7E8]  }
0x2bf: {  	[sflag:s12] =	ssyncset.done $0x0  }
0x2c0: {  	[sflag:s12] =	ssyncadd.s32 $0xFFFFE000  }
0x2c1: {  	[hbm4b:s19+s20] =	stream.strided.scatter [tilespmem:s10], [sflag:$0x3], $0x2000, s6, s20, $0x38;
	[tilespmem:$0x7400] =	vst v63  }
0x2c2: {  	_ =	swait.ge [sflag:s3], $0x2000  }
0x2c3: {  	[sflag:s3] =	ssyncset.done $0x0  }
0x2c4: {  	s19 =	simm.s32 $0xE00;
	s18 =	rddreg [dreg:$0x15];
	[sflag:s3] =	ssyncadd.s32 $0xFFFFE000  }
0x2c5: {  	[tilespmem:s8], [sflag:$0x2] =	stream.indirect.gather [hbm4b:s18+s2], $0x10, s19, s2, $0xb8;
	[tilespmem:$0x7400] =	vst v63  }
0x2c6: {  	_ =	swait.ge [sflag:s9], $0x2000  }
0x2c7: {  	s19 =	sld [smem:$0x7E9]  }
0x2c8: {  	[sflag:s9] =	ssyncset.done $0x0  }
0x2c9: {  	[sflag:s9] =	ssyncadd.s32 $0xFFFFE000  }
0x2ca: {  	[hbm4b:s19+s20] =	stream.strided.scatter [tilespmem:s8], [sflag:$0x4], $0x2000, s6, s20, $0x38;
	[tilespmem:$0x7400] =	vst v63  }
0x2cb: {  	_ =	swait.ge [sflag:s7], $0x2000  }
0x2cc: {  	[sflag:s7] =	ssyncset.done $0x0  }
0x2cd: {  	s14 =	simm.s32 $0x1000;
	s19 =	rddreg [dreg:$0x16];
	[sflag:s7] =	ssyncadd.s32 $0xFFFFE000  }
0x2ce: {  	[tilespmem:s10], [sflag:$0x1] =	stream.indirect.gather [hbm4b:s19+s2], $0x10, s14, s2, $0xb8;
	[tilespmem:$0x7400] =	vst v63  }
0x2cf: {  	_ =	swait.ge [sflag:s12], $0x2000  }
0x2d0: {  	s19 =	sld [smem:$0x7EA]  }
0x2d1: {  	[sflag:s12] =	ssyncset.done $0x0  }
0x2d2: {  	[sflag:s12] =	ssyncadd.s32 $0xFFFFE000  }
0x2d3: {  	[hbm4b:s19+s20] =	stream.strided.scatter [tilespmem:s10], [sflag:$0x3], $0x2000, s6, s20, $0x38;
	[tilespmem:$0x7400] =	vst v63  }
0x2d4: {  	_ =	swait.ge [sflag:s3], $0x2000  }
0x2d5: {  	[sflag:s3] =	ssyncset.done $0x0  }
0x2d6: {  	s13 =	simm.s32 $0x1200;
	s19 =	rddreg [dreg:$0x17];
	[sflag:s3] =	ssyncadd.s32 $0xFFFFE000  }
0x2d7: {  	[tilespmem:s8], [sflag:$0x2] =	stream.indirect.gather [hbm4b:s19+s2], $0x10, s13, s2, $0xb8;
	[tilespmem:$0x7400] =	vst v63  }
0x2d8: {  	_ =	swait.ge [sflag:s9], $0x2000  }
0x2d9: {  	s19 =	sld [smem:$0x7EB]  }
0x2da: {  	[sflag:s9] =	ssyncset.done $0x0  }
0x2db: {  	[sflag:s9] =	ssyncadd.s32 $0xFFFFE000  }
0x2dc: {  	[hbm4b:s19+s20] =	stream.strided.scatter [tilespmem:s8], [sflag:$0x4], $0x2000, s6, s20, $0x38;
	[tilespmem:$0x7400] =	vst v63  }
0x2dd: {  	_ =	swait.ge [sflag:s7], $0x2000  }
0x2de: {  	[sflag:s7] =	ssyncset.done $0x0  }
0x2df: {  	s31 =	simm.s32 $0x1400;
	s19 =	rddreg [dreg:$0x18];
	[sflag:s7] =	ssyncadd.s32 $0xFFFFE000  }
0x2e0: {  	[tilespmem:s10], [sflag:$0x1] =	stream.indirect.gather [hbm4b:s19+s2], $0x10, s31, s2, $0xb8;
	[tilespmem:$0x7400] =	vst v63  }
0x2e1: {  	_ =	swait.ge [sflag:s12], $0x2000  }
0x2e2: {  	s19 =	sld [smem:$0x7EC]  }
0x2e3: {  	[sflag:s12] =	ssyncset.done $0x0  }
0x2e4: {  	[sflag:s12] =	ssyncadd.s32 $0xFFFFE000  }
0x2e5: {  	[hbm4b:s19+s20] =	stream.strided.scatter [tilespmem:s10], [sflag:$0x3], $0x2000, s6, s20, $0x38;
	[tilespmem:$0x7400] =	vst v63  }
0x2e6: {  	_ =	swait.ge [sflag:s3], $0x2000  }
0x2e7: {  	[sflag:s3] =	ssyncset.done $0x0  }
0x2e8: {  	s11 =	simm.s32 $0x1600;
	s19 =	rddreg [dreg:$0x19];
	[sflag:s3] =	ssyncadd.s32 $0xFFFFE000  }
0x2e9: {  	[tilespmem:s8], [sflag:$0x2] =	stream.indirect.gather [hbm4b:s19+s2], $0x10, s11, s2, $0xb8;
	[tilespmem:$0x7400] =	vst v63  }
0x2ea: {  	_ =	swait.ge [sflag:s9], $0x2000  }
0x2eb: {  	s19 =	sld [smem:$0x7ED]  }
0x2ec: {  	[sflag:s9] =	ssyncset.done $0x0  }
0x2ed: {  	[sflag:s9] =	ssyncadd.s32 $0xFFFFE000  }
0x2ee: {  	[hbm4b:s19+s20] =	stream.strided.scatter [tilespmem:s8], [sflag:$0x4], $0x2000, s6, s20, $0x38;
	[tilespmem:$0x7400] =	vst v63  }
0x2ef: {  	_ =	swait.ge [sflag:s7], $0x2000  }
0x2f0: {  	[sflag:s7] =	ssyncset.done $0x0  }
0x2f1: {  	s5 =	simm.s32 $0x1800;
	s19 =	rddreg [dreg:$0x1a];
	[sflag:s7] =	ssyncadd.s32 $0xFFFFE000  }
0x2f2: {  	[tilespmem:s10], [sflag:$0x1] =	stream.indirect.gather [hbm4b:s19+s2], $0x10, s5, s2, $0xb8;
	[tilespmem:$0x7400] =	vst v63  }
0x2f3: {  	_ =	swait.ge [sflag:s12], $0x2000  }
0x2f4: {  	s19 =	sld [smem:$0x7EE]  }
0x2f5: {  	[sflag:s12] =	ssyncset.done $0x0  }
0x2f6: {  	[sflag:s12] =	ssyncadd.s32 $0xFFFFE000  }
0x2f7: {  	[hbm4b:s19+s20] =	stream.strided.scatter [tilespmem:s10], [sflag:$0x3], $0x2000, s6, s20, $0x38;
	[tilespmem:$0x7400] =	vst v63  }
0x2f8: {  	_ =	swait.ge [sflag:s3], $0x2000  }
0x2f9: {  	[sflag:s3] =	ssyncset.done $0x0  }
0x2fa: {  	s0 =	simm.s32 $0x1A00;
	s19 =	rddreg [dreg:$0x1b];
	[sflag:s3] =	ssyncadd.s32 $0xFFFFE000  }
0x2fb: {  	[tilespmem:s8], [sflag:$0x2] =	stream.indirect.gather [hbm4b:s19+s2], $0x10, s0, s2, $0xb8;
	[tilespmem:$0x7400] =	vst v63  }
0x2fc: {  	_ =	swait.ge [sflag:s9], $0x2000  }
0x2fd: {  	s19 =	sld [smem:$0x7EF]  }
0x2fe: {  	[sflag:s9] =	ssyncset.done $0x0  }
0x2ff: {  	[sflag:s9] =	ssyncadd.s32 $0xFFFFE000  }
0x300: {  	[hbm4b:s19+s20] =	stream.strided.scatter [tilespmem:s8], [sflag:$0x4], $0x2000, s6, s20, $0x38;
	[tilespmem:$0x7400] =	vst v63  }
0x301: {  	_ =	swait.ge [sflag:s7], $0x2000  }
0x302: {  	[sflag:s7] =	ssyncset.done $0x0  }
0x303: {  	s1 =	simm.s32 $0x1C00;
	s19 =	rddreg [dreg:$0x1c];
	[sflag:s7] =	ssyncadd.s32 $0xFFFFE000  }
0x304: {  	[tilespmem:s10], [sflag:$0x1] =	stream.indirect.gather [hbm4b:s19+s2], $0x10, s1, s2, $0xb8;
	[tilespmem:$0x7400] =	vst v63  }
0x305: {  	_ =	swait.ge [sflag:s12], $0x2000  }
0x306: {  	s19 =	sld [smem:$0x7F0]  }
0x307: {  	[sflag:s12] =	ssyncset.done $0x0  }
0x308: {  	[sflag:s12] =	ssyncadd.s32 $0xFFFFE000  }
0x309: {  	[hbm4b:s19+s20] =	stream.strided.scatter [tilespmem:s10], [sflag:$0x3], $0x2000, s6, s20, $0x38;
	[tilespmem:$0x7400] =	vst v63  }
0x30a: {  	_ =	swait.ge [sflag:s3], $0x2000  }
0x30b: {  	[sflag:s3] =	ssyncset.done $0x0  }
0x30c: {  	s30 =	simm.s32 $0x1E00;
	s19 =	rddreg [dreg:$0x1d];
	[sflag:s3] =	ssyncadd.s32 $0xFFFFE000  }
0x30d: {  	[tilespmem:s8], [sflag:$0x2] =	stream.indirect.gather [hbm4b:s19+s2], $0x10, s30, s2, $0xb8;
	[tilespmem:$0x7400] =	vst v63  }
0x30e: {  	_ =	swait.ge [sflag:s9], $0x2000  }
0x30f: {  	s19 =	sld [smem:$0x7F1]  }
0x310: {  	[sflag:s9] =	ssyncset.done $0x0  }
0x311: {  	[sflag:s9] =	ssyncadd.s32 $0xFFFFE000  }
0x312: {  	[hbm4b:s19+s20] =	stream.strided.scatter [tilespmem:s8], [sflag:$0x4], $0x2000, s6, s20, $0x38;
	[tilespmem:$0x7400] =	vst v63  }
0x313: {  	_ =	swait.ge [sflag:s7], $0x2000  }
0x314: {  	[sflag:s7] =	ssyncset.done $0x0  }
0x315: {  	s29 =	simm.s32 $0x2000;
	s19 =	rddreg [dreg:$0x1e];
	[sflag:s7] =	ssyncadd.s32 $0xFFFFE000  }
0x316: {  	[tilespmem:s10], [sflag:$0x1] =	stream.indirect.gather [hbm4b:s19+s2], $0x10, s29, s2, $0xb8;
	[tilespmem:$0x7400] =	vst v63  }
0x317: {  	_ =	swait.ge [sflag:s12], $0x2000  }
0x318: {  	s19 =	sld [smem:$0x7F2]  }
0x319: {  	[sflag:s12] =	ssyncset.done $0x0  }
0x31a: {  	[sflag:s12] =	ssyncadd.s32 $0xFFFFE000  }
0x31b: {  	[hbm4b:s19+s20] =	stream.strided.scatter [tilespmem:s10], [sflag:$0x3], $0x2000, s6, s20, $0x38;
	[tilespmem:$0x7400] =	vst v63  }
0x31c: {  	_ =	swait.ge [sflag:s3], $0x2000  }
0x31d: {  	[sflag:s3] =	ssyncset.done $0x0  }
0x31e: {  	s28 =	simm.s32 $0x2200;
	s19 =	rddreg [dreg:$0x1f];
	[sflag:s3] =	ssyncadd.s32 $0xFFFFE000  }
0x31f: {  	[tilespmem:s8], [sflag:$0x2] =	stream.indirect.gather [hbm4b:s19+s2], $0x10, s28, s2, $0xb8;
	[tilespmem:$0x7400] =	vst v63  }
0x320: {  	_ =	swait.ge [sflag:s9], $0x2000  }
0x321: {  	s19 =	sld [smem:$0x7F3]  }
0x322: {  	[sflag:s9] =	ssyncset.done $0x0  }
0x323: {  	[sflag:s9] =	ssyncadd.s32 $0xFFFFE000  }
0x324: {  	[hbm4b:s19+s20] =	stream.strided.scatter [tilespmem:s8], [sflag:$0x4], $0x2000, s6, s20, $0x38;
	[tilespmem:$0x7400] =	vst v63  }
0x325: {  	_ =	swait.ge [sflag:s7], $0x2000  }
0x326: {  	s19 =	sld [smem:$0x7C2]  }
0x327: {  	[sflag:s7] =	ssyncset.done $0x0  }
0x328: {  	s26 =	simm.s32 $0x2400;
	[sflag:s7] =	ssyncadd.s32 $0xFFFFE000  }
0x329: {  	[tilespmem:s10], [sflag:$0x1] =	stream.indirect.gather [hbm4b:s19+s2], $0x10, s26, s2, $0xb8;
	[tilespmem:$0x7400] =	vst v63  }
0x32a: {  	_ =	swait.ge [sflag:s12], $0x2000  }
0x32b: {  	s19 =	sld [smem:$0x7F4]  }
0x32c: {  	[sflag:s12] =	ssyncset.done $0x0  }
0x32d: {  	[sflag:s12] =	ssyncadd.s32 $0xFFFFE000  }
0x32e: {  	[hbm4b:s19+s20] =	stream.strided.scatter [tilespmem:s10], [sflag:$0x3], $0x2000, s6, s20, $0x38;
	[tilespmem:$0x7400] =	vst v63  }
0x32f: {  	_ =	swait.ge [sflag:s3], $0x2000  }
0x330: {  	s19 =	sld [smem:$0x7C3]  }
0x331: {  	[sflag:s3] =	ssyncset.done $0x0  }
0x332: {  	s25 =	simm.s32 $0x2600;
	[sflag:s3] =	ssyncadd.s32 $0xFFFFE000  }
0x333: {  	[tilespmem:s8], [sflag:$0x2] =	stream.indirect.gather [hbm4b:s19+s2], $0x10, s25, s2, $0xb8;
	[tilespmem:$0x7400] =	vst v63  }
0x334: {  	_ =	swait.ge [sflag:s9], $0x2000  }
0x335: {  	s19 =	sld [smem:$0x7F5]  }
0x336: {  	[sflag:s9] =	ssyncset.done $0x0  }
0x337: {  	[sflag:s9] =	ssyncadd.s32 $0xFFFFE000  }
0x338: {  	[hbm4b:s19+s20] =	stream.strided.scatter [tilespmem:s8], [sflag:$0x4], $0x2000, s6, s20, $0x38;
	[tilespmem:$0x7400] =	vst v63  }
0x339: {  	_ =	swait.ge [sflag:s7], $0x2000  }
0x33a: {  	s19 =	sld [smem:$0x7C4]  }
0x33b: {  	[sflag:s7] =	ssyncset.done $0x0  }
0x33c: {  	s24 =	simm.s32 $0x2800;
	[sflag:s7] =	ssyncadd.s32 $0xFFFFE000  }
0x33d: {  	[tilespmem:s10], [sflag:$0x1] =	stream.indirect.gather [hbm4b:s19+s2], $0x10, s24, s2, $0xb8;
	[tilespmem:$0x7400] =	vst v63  }
0x33e: {  	_ =	swait.ge [sflag:s12], $0x2000  }
0x33f: {  	s19 =	sld [smem:$0x7F6]  }
0x340: {  	[sflag:s12] =	ssyncset.done $0x0  }
0x341: {  	[sflag:s12] =	ssyncadd.s32 $0xFFFFE000  }
0x342: {  	[hbm4b:s19+s20] =	stream.strided.scatter [tilespmem:s10], [sflag:$0x3], $0x2000, s6, s20, $0x38;
	[tilespmem:$0x7400] =	vst v63  }
0x343: {  	_ =	swait.ge [sflag:s3], $0x2000  }
0x344: {  	s19 =	sld [smem:$0x7C5]  }
0x345: {  	[sflag:s3] =	ssyncset.done $0x0  }
0x346: {  	s23 =	simm.s32 $0x2A00;
	[sflag:s3] =	ssyncadd.s32 $0xFFFFE000  }
0x347: {  	[tilespmem:s8], [sflag:$0x2] =	stream.indirect.gather [hbm4b:s19+s2], $0x10, s23, s2, $0xb8;
	[tilespmem:$0x7400] =	vst v63  }
0x348: {  	_ =	swait.ge [sflag:s9], $0x2000  }
0x349: {  	s19 =	sld [smem:$0x7F7]  }
0x34a: {  	[sflag:s9] =	ssyncset.done $0x0  }
0x34b: {  	[sflag:s9] =	ssyncadd.s32 $0xFFFFE000  }
0x34c: {  	[hbm4b:s19+s20] =	stream.strided.scatter [tilespmem:s8], [sflag:$0x4], $0x2000, s6, s20, $0x38;
	[tilespmem:$0x7400] =	vst v63  }
0x34d: {  	_ =	swait.ge [sflag:s7], $0x2000  }
0x34e: {  	s19 =	sld [smem:$0x7C6]  }
0x34f: {  	[sflag:s7] =	ssyncset.done $0x0  }
0x350: {  	s22 =	simm.s32 $0x2C00;
	[sflag:s7] =	ssyncadd.s32 $0xFFFFE000  }
0x351: {  	[tilespmem:s10], [sflag:$0x1] =	stream.indirect.gather [hbm4b:s19+s2], $0x10, s22, s2, $0xb8;
	[tilespmem:$0x7400] =	vst v63  }
0x352: {  	_ =	swait.ge [sflag:s12], $0x2000  }
0x353: {  	s19 =	sld [smem:$0x7F8]  }
0x354: {  	[sflag:s12] =	ssyncset.done $0x0  }
0x355: {  	[sflag:s12] =	ssyncadd.s32 $0xFFFFE000  }
0x356: {  	[hbm4b:s19+s20] =	stream.strided.scatter [tilespmem:s10], [sflag:$0x3], $0x2000, s6, s20, $0x38;
	[tilespmem:$0x7400] =	vst v63  }
0x357: {  	_ =	swait.ge [sflag:s3], $0x2000  }
0x358: {  	s19 =	sld [smem:$0x7C7]  }
0x359: {  	[sflag:s3] =	ssyncset.done $0x0  }
0x35a: {  	s21 =	simm.s32 $0x2E00;
	[sflag:s3] =	ssyncadd.s32 $0xFFFFE000  }
0x35b: {  	[tilespmem:s8], [sflag:$0x2] =	stream.indirect.gather [hbm4b:s19+s2], $0x10, s21, s2, $0xb8;
	[tilespmem:$0x7400] =	vst v63  }
0x35c: {  	_ =	swait.ge [sflag:s9], $0x2000  }
0x35d: {  	s19 =	sld [smem:$0x7F9]  }
0x35e: {  	[sflag:s9] =	ssyncset.done $0x0  }
0x35f: {  	[sflag:s9] =	ssyncadd.s32 $0xFFFFE000  }
0x360: {  	[hbm4b:s19+s20] =	stream.strided.scatter [tilespmem:s8], [sflag:$0x4], $0x2000, s6, s20, $0x38;
	[tilespmem:$0x7400] =	vst v63  }
0x361: {  	_ =	swait.ge [sflag:s7], $0x2000  }
0x362: {  	s19 =	sld [smem:$0x7C8]  }
0x363: {  	[sflag:s7] =	ssyncset.done $0x0  }
0x364: {  	s4 =	simm.s32 $0x3000;
	[sflag:s7] =	ssyncadd.s32 $0xFFFFE000  }
0x365: {  	[tilespmem:s10], [sflag:$0x1] =	stream.indirect.gather [hbm4b:s19+s2], $0x10, s4, s2, $0xb8;
	[tilespmem:$0x7400] =	vst v63  }
0x366: {  	_ =	swait.ge [sflag:s12], $0x2000  }
0x367: {  	s19 =	sld [smem:$0x7FA]  }
0x368: {  	[sflag:s12] =	ssyncset.done $0x0  }
0x369: {  	[sflag:s12] =	ssyncadd.s32 $0xFFFFE000  }
0x36a: {  	[hbm4b:s19+s20] =	stream.strided.scatter [tilespmem:s10], [sflag:$0x3], $0x2000, s6, s20, $0x38;
	[tilespmem:$0x7400] =	vst v63  }
0x36b: {  	_ =	swait.ge [sflag:s3], $0x2000  }
0x36c: {  	s18 =	sld [smem:$0x7C9]  }
0x36d: {  	[sflag:s3] =	ssyncset.done $0x0  }
0x36e: {  	s19 =	simm.s32 $0x3200;
	[sflag:s3] =	ssyncadd.s32 $0xFFFFE000  }
0x36f: {  	[tilespmem:s8], [sflag:$0x2] =	stream.indirect.gather [hbm4b:s18+s2], $0x10, s19, s2, $0xb8;
	[tilespmem:$0x7400] =	vst v63  }
0x370: {  	_ =	swait.ge [sflag:s9], $0x2000  }
0x371: {  	s19 =	sld [smem:$0x7FC]  }
0x372: {  	[sflag:s9] =	ssyncset.done $0x0  }
0x373: {  	p1 =	sne.s32 s17, $0x1;
	[sflag:s9] =	ssyncadd.s32 $0xFFFFE000  }
0x374: {  	[hbm4b:s19+s20] =	stream.strided.scatter [tilespmem:s8], [sflag:$0x4], $0x2000, s6, s20, $0x38;
	[tilespmem:$0x7400] =	vst v63  }
.Ltmp2:
0x375: {  	_ =	swait.ge [sflag:s7], $0x2000;
	(pc) =	sbr.rel @p1 .LBB3_2-.Ltmp2, $4  }
0x376: {  	[sflag:s7] =	ssyncset.done $0x0  }
0x377: {  	[sflag:s7] =	ssyncadd.s32 $0xFFFFE000  }
0x378: {  	_ =	swait.ge [sflag:s3], $0x2000  }
0x379: {  	s17 =	sadd.s32 $0xFFFFFFFF, s17;
	s18 =	sld [smem:$0x7FD];
	[sflag:s3] =	ssyncset.done $0x0  }
.LBB3_3:
0x37a: {  	_ = 	snop  }
0x37b: {  	[sflag:s3] =	ssyncadd.s32 @p0 $0xFFFFE000;
	s17 =	sld [smem:$0x7CA]  }
0x37c: {  	[tilespmem:s16], [sflag:$0x5] =	stream.linear.gather [hbm4b:s18+s16], $0x200, $0x38;
	[tilespmem:$0x7400] =	vst v63  }
0x37d: {  	s18 =	sld [smem:$0x7CB]  }
0x37e: {  	[tilespmem:s2], [sflag:$0x5] =	stream.linear.gather [hbm4b:s17+s16], $0x200, $0x38;
	[tilespmem:$0x7400] =	vst v63  }
0x37f: {  	s19 =	simm.s32 $0x400;
	s17 =	sld [smem:$0x7CC]  }
0x380: {  	[tilespmem:s19], [sflag:$0x5] =	stream.linear.gather [hbm4b:s18+s16], $0x200, $0x38;
	[tilespmem:$0x7400] =	vst v63  }
0x381: {  	s18 =	sld [smem:$0x7CD];
	s19 =	simm.s32 $0x600  }
0x382: {  	[tilespmem:s19], [sflag:$0x5] =	stream.linear.gather [hbm4b:s17+s16], $0x200, $0x38;
	[tilespmem:$0x7400] =	vst v63  }
0x383: {  	s17 =	sld [smem:$0x7CE];
	s19 =	simm.s32 $0x800  }
0x384: {  	[tilespmem:s19], [sflag:$0x5] =	stream.linear.gather [hbm4b:s18+s16], $0x200, $0x38;
	[tilespmem:$0x7400] =	vst v63  }
0x385: {  	s18 =	sld [smem:$0x7CF];
	s19 =	simm.s32 $0xA00  }
0x386: {  	[tilespmem:s19], [sflag:$0x5] =	stream.linear.gather [hbm4b:s17+s16], $0x200, $0x38;
	[tilespmem:$0x7400] =	vst v63  }
0x387: {  	s17 =	sld [smem:$0x7D0];
	s19 =	simm.s32 $0xC00  }
0x388: {  	[tilespmem:s19], [sflag:$0x5] =	stream.linear.gather [hbm4b:s18+s16], $0x200, $0x38;
	[tilespmem:$0x7400] =	vst v63  }
0x389: {  	s18 =	sld [smem:$0x7D1];
	s19 =	simm.s32 $0xE00  }
0x38a: {  	[tilespmem:s19], [sflag:$0x5] =	stream.linear.gather [hbm4b:s17+s16], $0x200, $0x38;
	[tilespmem:$0x7400] =	vst v63  }
0x38b: {  	s17 =	sld [smem:$0x7D2]  }
0x38c: {  	[tilespmem:s14], [sflag:$0x5] =	stream.linear.gather [hbm4b:s18+s16], $0x200, $0x38;
	[tilespmem:$0x7400] =	vst v63  }
0x38d: {  	s14 =	sld [smem:$0x7D3]  }
0x38e: {  	[tilespmem:s13], [sflag:$0x5] =	stream.linear.gather [hbm4b:s17+s16], $0x200, $0x38;
	[tilespmem:$0x7400] =	vst v63  }
0x38f: {  	s13 =	sld [smem:$0x7D4]  }
0x390: {  	[tilespmem:s31], [sflag:$0x5] =	stream.linear.gather [hbm4b:s14+s16], $0x200, $0x38;
	[tilespmem:$0x7400] =	vst v63  }
0x391: {  	s14 =	sld [smem:$0x7D5]  }
0x392: {  	[tilespmem:s11], [sflag:$0x5] =	stream.linear.gather [hbm4b:s13+s16], $0x200, $0x38;
	[tilespmem:$0x7400] =	vst v63  }
0x393: {  	s11 =	sld [smem:$0x7D6]  }
0x394: {  	[tilespmem:s5], [sflag:$0x5] =	stream.linear.gather [hbm4b:s14+s16], $0x200, $0x38;
	[tilespmem:$0x7400] =	vst v63  }
0x395: {  	s13 =	sld [smem:$0x7D7]  }
0x396: {  	[tilespmem:s0], [sflag:$0x5] =	stream.linear.gather [hbm4b:s11+s16], $0x200, $0x38;
	[tilespmem:$0x7400] =	vst v63  }
0x397: {  	s14 =	sld [smem:$0x7D8]  }
0x398: {  	[tilespmem:s1], [sflag:$0x5] =	stream.linear.gather [hbm4b:s13+s16], $0x200, $0x38;
	[tilespmem:$0x7400] =	vst v63  }
0x399: {  	s0 =	sld [smem:$0x7D9]  }
0x39a: {  	[tilespmem:s30], [sflag:$0x5] =	stream.linear.gather [hbm4b:s14+s16], $0x200, $0x38;
	[tilespmem:$0x7400] =	vst v63  }
0x39b: {  	s5 =	sld [smem:$0x7DA]  }
0x39c: {  	[tilespmem:s29], [sflag:$0x5] =	stream.linear.gather [hbm4b:s0+s16], $0x200, $0x38;
	[tilespmem:$0x7400] =	vst v63  }
0x39d: {  	s11 =	sld [smem:$0x7DB]  }
0x39e: {  	[tilespmem:s28], [sflag:$0x5] =	stream.linear.gather [hbm4b:s5+s16], $0x200, $0x38;
	[tilespmem:$0x7400] =	vst v63  }
0x39f: {  	s13 =	sld [smem:$0x7DC]  }
0x3a0: {  	[tilespmem:s26], [sflag:$0x5] =	stream.linear.gather [hbm4b:s11+s16], $0x200, $0x38;
	[tilespmem:$0x7400] =	vst v63  }
0x3a1: {  	s14 =	sld [smem:$0x7DD]  }
0x3a2: {  	[tilespmem:s25], [sflag:$0x5] =	stream.linear.gather [hbm4b:s13+s16], $0x200, $0x38;
	[tilespmem:$0x7400] =	vst v63  }
0x3a3: {  	s0 =	sld [smem:$0x7DE]  }
0x3a4: {  	[tilespmem:s24], [sflag:$0x5] =	stream.linear.gather [hbm4b:s14+s16], $0x200, $0x38;
	[tilespmem:$0x7400] =	vst v63  }
0x3a5: {  	s5 =	sld [smem:$0x7DF]  }
0x3a6: {  	[tilespmem:s23], [sflag:$0x5] =	stream.linear.gather [hbm4b:s0+s16], $0x200, $0x38;
	[tilespmem:$0x7400] =	vst v63  }
0x3a7: {  	s11 =	sld [smem:$0x7E0]  }
0x3a8: {  	[tilespmem:s22], [sflag:$0x5] =	stream.linear.gather [hbm4b:s5+s16], $0x200, $0x38;
	[tilespmem:$0x7400] =	vst v63  }
0x3a9: {  	s13 =	sld [smem:$0x7E1]  }
0x3aa: {  	[tilespmem:s21], [sflag:$0x5] =	stream.linear.gather [hbm4b:s11+s16], $0x200, $0x38;
	[tilespmem:$0x7400] =	vst v63  }
0x3ab: {  	s14 =	sld [smem:$0x7E2]  }
0x3ac: {  	[tilespmem:s4], [sflag:$0x5] =	stream.linear.gather [hbm4b:s13+s16], $0x200, $0x38;
	[tilespmem:$0x7400] =	vst v63  }
0x3ad: {  	s18 =	simm.s32 $0x3200  }
0x3ae: {  	[tilespmem:s18], [sflag:$0x5] =	stream.linear.gather [hbm4b:s14+s16], $0x200, $0x38;
	[tilespmem:$0x7400] =	vst v63  }
0x3af: {  	_ =	swait.ge [sflag:s15], $0x200  }
0x3b0: {  	[sflag:s15] =	ssyncset.done $0x0  }
0x3b1: {  	[sflag:s15] =	ssyncadd.s32 $0xFFFFFE00  }
0x3b2: {  	_ =	swait.ge [sflag:s15], $0x200  }
0x3b3: {  	[sflag:s15] =	ssyncset.done $0x0  }
0x3b4: {  	[sflag:s15] =	ssyncadd.s32 $0xFFFFFE00  }
0x3b5: {  	_ =	swait.ge [sflag:s15], $0x200  }
0x3b6: {  	[sflag:s15] =	ssyncset.done $0x0  }
0x3b7: {  	[sflag:s15] =	ssyncadd.s32 $0xFFFFFE00  }
0x3b8: {  	_ =	swait.ge [sflag:s15], $0x200  }
0x3b9: {  	[sflag:s15] =	ssyncset.done $0x0  }
0x3ba: {  	[sflag:s15] =	ssyncadd.s32 $0xFFFFFE00  }
0x3bb: {  	_ =	swait.ge [sflag:s15], $0x200  }
0x3bc: {  	[sflag:s15] =	ssyncset.done $0x0  }
0x3bd: {  	[sflag:s15] =	ssyncadd.s32 $0xFFFFFE00  }
0x3be: {  	_ =	swait.ge [sflag:s15], $0x200  }
0x3bf: {  	[sflag:s15] =	ssyncset.done $0x0  }
0x3c0: {  	[sflag:s15] =	ssyncadd.s32 $0xFFFFFE00  }
0x3c1: {  	_ =	swait.ge [sflag:s15], $0x200  }
0x3c2: {  	[sflag:s15] =	ssyncset.done $0x0  }
0x3c3: {  	[sflag:s15] =	ssyncadd.s32 $0xFFFFFE00  }
0x3c4: {  	_ =	swait.ge [sflag:s15], $0x200  }
0x3c5: {  	[sflag:s15] =	ssyncset.done $0x0  }
0x3c6: {  	[sflag:s15] =	ssyncadd.s32 $0xFFFFFE00  }
0x3c7: {  	_ =	swait.ge [sflag:s15], $0x200  }
0x3c8: {  	[sflag:s15] =	ssyncset.done $0x0  }
0x3c9: {  	[sflag:s15] =	ssyncadd.s32 $0xFFFFFE00  }
0x3ca: {  	_ =	swait.ge [sflag:s15], $0x200  }
0x3cb: {  	[sflag:s15] =	ssyncset.done $0x0  }
0x3cc: {  	[sflag:s15] =	ssyncadd.s32 $0xFFFFFE00  }
0x3cd: {  	_ =	swait.ge [sflag:s15], $0x200  }
0x3ce: {  	[sflag:s15] =	ssyncset.done $0x0  }
0x3cf: {  	[sflag:s15] =	ssyncadd.s32 $0xFFFFFE00  }
0x3d0: {  	_ =	swait.ge [sflag:s15], $0x200  }
0x3d1: {  	[sflag:s15] =	ssyncset.done $0x0  }
0x3d2: {  	[sflag:s15] =	ssyncadd.s32 $0xFFFFFE00  }
0x3d3: {  	_ =	swait.ge [sflag:s15], $0x200  }
0x3d4: {  	[sflag:s15] =	ssyncset.done $0x0  }
0x3d5: {  	[sflag:s15] =	ssyncadd.s32 $0xFFFFFE00  }
0x3d6: {  	_ =	swait.ge [sflag:s15], $0x200  }
0x3d7: {  	[sflag:s15] =	ssyncset.done $0x0  }
0x3d8: {  	[sflag:s15] =	ssyncadd.s32 $0xFFFFFE00  }
0x3d9: {  	_ =	swait.ge [sflag:s15], $0x200  }
0x3da: {  	[sflag:s15] =	ssyncset.done $0x0  }
0x3db: {  	[sflag:s15] =	ssyncadd.s32 $0xFFFFFE00  }
0x3dc: {  	_ =	swait.ge [sflag:s15], $0x200  }
0x3dd: {  	[sflag:s15] =	ssyncset.done $0x0  }
0x3de: {  	[sflag:s15] =	ssyncadd.s32 $0xFFFFFE00  }
0x3df: {  	_ =	swait.ge [sflag:s15], $0x200  }
0x3e0: {  	[sflag:s15] =	ssyncset.done $0x0  }
0x3e1: {  	[sflag:s15] =	ssyncadd.s32 $0xFFFFFE00  }
0x3e2: {  	_ =	swait.ge [sflag:s15], $0x200  }
0x3e3: {  	[sflag:s15] =	ssyncset.done $0x0  }
0x3e4: {  	[sflag:s15] =	ssyncadd.s32 $0xFFFFFE00  }
0x3e5: {  	_ =	swait.ge [sflag:s15], $0x200  }
0x3e6: {  	[sflag:s15] =	ssyncset.done $0x0  }
0x3e7: {  	[sflag:s15] =	ssyncadd.s32 $0xFFFFFE00  }
0x3e8: {  	_ =	swait.ge [sflag:s15], $0x200  }
0x3e9: {  	[sflag:s15] =	ssyncset.done $0x0  }
0x3ea: {  	[sflag:s15] =	ssyncadd.s32 $0xFFFFFE00  }
0x3eb: {  	_ =	swait.ge [sflag:s15], $0x200  }
0x3ec: {  	[sflag:s15] =	ssyncset.done $0x0  }
0x3ed: {  	[sflag:s15] =	ssyncadd.s32 $0xFFFFFE00  }
0x3ee: {  	_ =	swait.ge [sflag:s15], $0x200  }
0x3ef: {  	[sflag:s15] =	ssyncset.done $0x0  }
0x3f0: {  	[sflag:s15] =	ssyncadd.s32 $0xFFFFFE00  }
0x3f1: {  	_ =	swait.ge [sflag:s15], $0x200  }
0x3f2: {  	[sflag:s15] =	ssyncset.done $0x0  }
0x3f3: {  	[sflag:s15] =	ssyncadd.s32 $0xFFFFFE00  }
0x3f4: {  	_ =	swait.ge [sflag:s15], $0x200  }
0x3f5: {  	[sflag:s15] =	ssyncset.done $0x0  }
0x3f6: {  	[sflag:s15] =	ssyncadd.s32 $0xFFFFFE00  }
0x3f7: {  	_ =	swait.ge [sflag:s15], $0x200  }
0x3f8: {  	[sflag:s15] =	ssyncset.done $0x0  }
0x3f9: {  	[sflag:s15] =	ssyncadd.s32 $0xFFFFFE00  }
0x3fa: {  	_ =	swait.ge [sflag:s15], $0x200  }
0x3fb: {  	[sflag:s15] =	ssyncset.done $0x0  }
0x3fc: {  	s0 =	rddreg [dreg:$0xe];
	[sflag:s15] =	ssyncadd.s32 $0xFFFFFE00  }
0x3fd: {  	[tilespmem:s10], [sflag:$0x1] =	stream.indirect.gather [hbm4b:s0+s2], $0x10, s16, s2, $0xb8;
	[tilespmem:$0x7400] =	vst v63  }
0x3fe: {  	_ =	swait.ge [sflag:s12], $0x2000  }
0x3ff: {  	s11 =	sld [smem:$0x7FB]  }
0x400: {  	[sflag:s12] =	ssyncset.done $0x0  }
0x401: {  	[sflag:s12] =	ssyncadd.s32 $0xFFFFE000  }
0x402: {  	[hbm4b:s11+s20] =	stream.strided.scatter [tilespmem:s10], [sflag:$0x3], $0x2000, s6, s20, $0x38;
	[tilespmem:$0x7400] =	vst v63  }
0x403: {  	s5 =	rddreg [dreg:$0xf]  }
0x404: {  	[tilespmem:s8], [sflag:$0x2] =	stream.indirect.gather [hbm4b:s5+s2], $0x10, s2, s2, $0xb8;
	[tilespmem:$0x7400] =	vst v63  }
0x405: {  	_ =	swait.ge [sflag:s9], $0x2000  }
0x406: {  	s13 =	sld [smem:$0x7E3]  }
0x407: {  	[sflag:s9] =	ssyncset.done $0x0  }
0x408: {  	[sflag:s9] =	ssyncadd.s32 $0xFFFFE000  }
0x409: {  	[hbm4b:s13+s20] =	stream.strided.scatter [tilespmem:s8], [sflag:$0x4], $0x2000, s6, s20, $0x38;
	[tilespmem:$0x7400] =	vst v63  }
0x40a: {  	_ =	swait.ge [sflag:s7], $0x2000  }
0x40b: {  	[sflag:s7] =	ssyncset.done $0x0  }
0x40c: {  	s16 =	simm.s32 $0x400;
	s14 =	rddreg [dreg:$0x10];
	[sflag:s7] =	ssyncadd.s32 $0xFFFFE000  }
0x40d: {  	[tilespmem:s10], [sflag:$0x1] =	stream.indirect.gather [hbm4b:s14+s2], $0x10, s16, s2, $0xb8;
	[tilespmem:$0x7400] =	vst v63  }
0x40e: {  	_ =	swait.ge [sflag:s12], $0x2000  }
0x40f: {  	s17 =	sld [smem:$0x7E4]  }
0x410: {  	[sflag:s12] =	ssyncset.done $0x0  }
0x411: {  	[sflag:s12] =	ssyncadd.s32 $0xFFFFE000  }
0x412: {  	[hbm4b:s17+s20] =	stream.strided.scatter [tilespmem:s10], [sflag:$0x3], $0x2000, s6, s20, $0x38;
	[tilespmem:$0x7400] =	vst v63  }
0x413: {  	_ =	swait.ge [sflag:s3], $0x2000  }
0x414: {  	[sflag:s3] =	ssyncset.done $0x0  }
0x415: {  	s5 =	simm.s32 $0x600;
	s0 =	rddreg [dreg:$0x11];
	[sflag:s3] =	ssyncadd.s32 $0xFFFFE000  }
0x416: {  	[tilespmem:s8], [sflag:$0x2] =	stream.indirect.gather [hbm4b:s0+s2], $0x10, s5, s2, $0xb8;
	[tilespmem:$0x7400] =	vst v63  }
0x417: {  	_ =	swait.ge [sflag:s9], $0x2000  }
0x418: {  	s11 =	sld [smem:$0x7E5]  }
0x419: {  	[sflag:s9] =	ssyncset.done $0x0  }
0x41a: {  	[sflag:s9] =	ssyncadd.s32 $0xFFFFE000  }
0x41b: {  	[hbm4b:s11+s20] =	stream.strided.scatter [tilespmem:s8], [sflag:$0x4], $0x2000, s6, s20, $0x38;
	[tilespmem:$0x7400] =	vst v63  }
0x41c: {  	_ =	swait.ge [sflag:s7], $0x2000  }
0x41d: {  	[sflag:s7] =	ssyncset.done $0x0  }
0x41e: {  	s17 =	simm.s32 $0x800;
	s16 =	rddreg [dreg:$0x12];
	[sflag:s7] =	ssyncadd.s32 $0xFFFFE000  }
0x41f: {  	[tilespmem:s10], [sflag:$0x1] =	stream.indirect.gather [hbm4b:s16+s2], $0x10, s17, s2, $0xb8;
	[tilespmem:$0x7400] =	vst v63  }
0x420: {  	_ =	swait.ge [sflag:s12], $0x2000  }
0x421: {  	s0 =	sld [smem:$0x7E6]  }
0x422: {  	[sflag:s12] =	ssyncset.done $0x0  }
0x423: {  	[sflag:s12] =	ssyncadd.s32 $0xFFFFE000  }
0x424: {  	[hbm4b:s0+s20] =	stream.strided.scatter [tilespmem:s10], [sflag:$0x3], $0x2000, s6, s20, $0x38;
	[tilespmem:$0x7400] =	vst v63  }
0x425: {  	_ =	swait.ge [sflag:s3], $0x2000  }
0x426: {  	[sflag:s3] =	ssyncset.done $0x0  }
0x427: {  	s16 =	simm.s32 $0xA00;
	s5 =	rddreg [dreg:$0x13];
	[sflag:s3] =	ssyncadd.s32 $0xFFFFE000  }
0x428: {  	[tilespmem:s8], [sflag:$0x2] =	stream.indirect.gather [hbm4b:s5+s2], $0x10, s16, s2, $0xb8;
	[tilespmem:$0x7400] =	vst v63  }
0x429: {  	_ =	swait.ge [sflag:s9], $0x2000  }
0x42a: {  	s17 =	sld [smem:$0x7E7]  }
0x42b: {  	[sflag:s9] =	ssyncset.done $0x0  }
0x42c: {  	[sflag:s9] =	ssyncadd.s32 $0xFFFFE000  }
0x42d: {  	[hbm4b:s17+s20] =	stream.strided.scatter [tilespmem:s8], [sflag:$0x4], $0x2000, s6, s20, $0x38;
	[tilespmem:$0x7400] =	vst v63  }
0x42e: {  	_ =	swait.ge [sflag:s7], $0x2000  }
0x42f: {  	[sflag:s7] =	ssyncset.done $0x0  }
0x430: {  	s16 =	simm.s32 $0xC00;
	s0 =	rddreg [dreg:$0x14];
	[sflag:s7] =	ssyncadd.s32 $0xFFFFE000  }
0x431: {  	[tilespmem:s10], [sflag:$0x1] =	stream.indirect.gather [hbm4b:s0+s2], $0x10, s16, s2, $0xb8;
	[tilespmem:$0x7400] =	vst v63  }
0x432: {  	_ =	swait.ge [sflag:s12], $0x2000  }
0x433: {  	s17 =	sld [smem:$0x7E8]  }
0x434: {  	[sflag:s12] =	ssyncset.done $0x0  }
0x435: {  	[sflag:s12] =	ssyncadd.s32 $0xFFFFE000  }
0x436: {  	[hbm4b:s17+s20] =	stream.strided.scatter [tilespmem:s10], [sflag:$0x3], $0x2000, s6, s20, $0x38;
	[tilespmem:$0x7400] =	vst v63  }
0x437: {  	_ =	swait.ge [sflag:s3], $0x2000  }
0x438: {  	[sflag:s3] =	ssyncset.done $0x0  }
0x439: {  	s16 =	rddreg [dreg:$0x15];
	[sflag:s3] =	ssyncadd.s32 $0xFFFFE000  }
0x43a: {  	[tilespmem:s8], [sflag:$0x2] =	stream.indirect.gather [hbm4b:s16+s2], $0x10, s19, s2, $0xb8;
	[tilespmem:$0x7400] =	vst v63  }
0x43b: {  	_ =	swait.ge [sflag:s9], $0x2000  }
0x43c: {  	s17 =	sld [smem:$0x7E9]  }
0x43d: {  	[sflag:s9] =	ssyncset.done $0x0  }
0x43e: {  	[sflag:s9] =	ssyncadd.s32 $0xFFFFE000  }
0x43f: {  	[hbm4b:s17+s20] =	stream.strided.scatter [tilespmem:s8], [sflag:$0x4], $0x2000, s6, s20, $0x38;
	[tilespmem:$0x7400] =	vst v63  }
0x440: {  	_ =	swait.ge [sflag:s7], $0x2000  }
0x441: {  	[sflag:s7] =	ssyncset.done $0x0  }
0x442: {  	s15 =	simm.s32 $0x1000;
	s19 =	rddreg [dreg:$0x16];
	[sflag:s7] =	ssyncadd.s32 $0xFFFFE000  }
0x443: {  	[tilespmem:s10], [sflag:$0x1] =	stream.indirect.gather [hbm4b:s19+s2], $0x10, s15, s2, $0xb8;
	[tilespmem:$0x7400] =	vst v63  }
0x444: {  	_ =	swait.ge [sflag:s12], $0x2000  }
0x445: {  	s16 =	sld [smem:$0x7EA]  }
0x446: {  	[sflag:s12] =	ssyncset.done $0x0  }
0x447: {  	[sflag:s12] =	ssyncadd.s32 $0xFFFFE000  }
0x448: {  	[hbm4b:s16+s20] =	stream.strided.scatter [tilespmem:s10], [sflag:$0x3], $0x2000, s6, s20, $0x38;
	[tilespmem:$0x7400] =	vst v63  }
0x449: {  	_ =	swait.ge [sflag:s3], $0x2000  }
0x44a: {  	[sflag:s3] =	ssyncset.done $0x0  }
0x44b: {  	s14 =	simm.s32 $0x1200;
	s17 =	rddreg [dreg:$0x17];
	[sflag:s3] =	ssyncadd.s32 $0xFFFFE000  }
0x44c: {  	[tilespmem:s8], [sflag:$0x2] =	stream.indirect.gather [hbm4b:s17+s2], $0x10, s14, s2, $0xb8;
	[tilespmem:$0x7400] =	vst v63  }
0x44d: {  	_ =	swait.ge [sflag:s9], $0x2000  }
0x44e: {  	s19 =	sld [smem:$0x7EB]  }
0x44f: {  	[sflag:s9] =	ssyncset.done $0x0  }
0x450: {  	[sflag:s9] =	ssyncadd.s32 $0xFFFFE000  }
0x451: {  	[hbm4b:s19+s20] =	stream.strided.scatter [tilespmem:s8], [sflag:$0x4], $0x2000, s6, s20, $0x38;
	[tilespmem:$0x7400] =	vst v63  }
0x452: {  	_ =	swait.ge [sflag:s7], $0x2000  }
0x453: {  	[sflag:s7] =	ssyncset.done $0x0  }
0x454: {  	s14 =	rddreg [dreg:$0x18];
	[sflag:s7] =	ssyncadd.s32 $0xFFFFE000  }
0x455: {  	[tilespmem:s10], [sflag:$0x1] =	stream.indirect.gather [hbm4b:s14+s2], $0x10, s31, s2, $0xb8;
	[tilespmem:$0x7400] =	vst v63  }
0x456: {  	_ =	swait.ge [sflag:s12], $0x2000  }
0x457: {  	s15 =	sld [smem:$0x7EC]  }
0x458: {  	[sflag:s12] =	ssyncset.done $0x0  }
0x459: {  	[sflag:s12] =	ssyncadd.s32 $0xFFFFE000  }
0x45a: {  	[hbm4b:s15+s20] =	stream.strided.scatter [tilespmem:s10], [sflag:$0x3], $0x2000, s6, s20, $0x38;
	[tilespmem:$0x7400] =	vst v63  }
0x45b: {  	_ =	swait.ge [sflag:s3], $0x2000  }
0x45c: {  	[sflag:s3] =	ssyncset.done $0x0  }
0x45d: {  	s13 =	simm.s32 $0x1600;
	s16 =	rddreg [dreg:$0x19];
	[sflag:s3] =	ssyncadd.s32 $0xFFFFE000  }
0x45e: {  	[tilespmem:s8], [sflag:$0x2] =	stream.indirect.gather [hbm4b:s16+s2], $0x10, s13, s2, $0xb8;
	[tilespmem:$0x7400] =	vst v63  }
0x45f: {  	_ =	swait.ge [sflag:s9], $0x2000  }
0x460: {  	s17 =	sld [smem:$0x7ED]  }
0x461: {  	[sflag:s9] =	ssyncset.done $0x0  }
0x462: {  	[sflag:s9] =	ssyncadd.s32 $0xFFFFE000  }
0x463: {  	[hbm4b:s17+s20] =	stream.strided.scatter [tilespmem:s8], [sflag:$0x4], $0x2000, s6, s20, $0x38;
	[tilespmem:$0x7400] =	vst v63  }
0x464: {  	_ =	swait.ge [sflag:s7], $0x2000  }
0x465: {  	[sflag:s7] =	ssyncset.done $0x0  }
0x466: {  	s11 =	simm.s32 $0x1800;
	s19 =	rddreg [dreg:$0x1a];
	[sflag:s7] =	ssyncadd.s32 $0xFFFFE000  }
0x467: {  	[tilespmem:s10], [sflag:$0x1] =	stream.indirect.gather [hbm4b:s19+s2], $0x10, s11, s2, $0xb8;
	[tilespmem:$0x7400] =	vst v63  }
0x468: {  	_ =	swait.ge [sflag:s12], $0x2000  }
0x469: {  	s31 =	sld [smem:$0x7EE]  }
0x46a: {  	[sflag:s12] =	ssyncset.done $0x0  }
0x46b: {  	[sflag:s12] =	ssyncadd.s32 $0xFFFFE000  }
0x46c: {  	[hbm4b:s31+s20] =	stream.strided.scatter [tilespmem:s10], [sflag:$0x3], $0x2000, s6, s20, $0x38;
	[tilespmem:$0x7400] =	vst v63  }
0x46d: {  	_ =	swait.ge [sflag:s3], $0x2000  }
0x46e: {  	[sflag:s3] =	ssyncset.done $0x0  }
0x46f: {  	s5 =	simm.s32 $0x1A00;
	s11 =	rddreg [dreg:$0x1b];
	[sflag:s3] =	ssyncadd.s32 $0xFFFFE000  }
0x470: {  	[tilespmem:s8], [sflag:$0x2] =	stream.indirect.gather [hbm4b:s11+s2], $0x10, s5, s2, $0xb8;
	[tilespmem:$0x7400] =	vst v63  }
0x471: {  	_ =	swait.ge [sflag:s9], $0x2000  }
0x472: {  	s13 =	sld [smem:$0x7EF]  }
0x473: {  	[sflag:s9] =	ssyncset.done $0x0  }
0x474: {  	[sflag:s9] =	ssyncadd.s32 $0xFFFFE000  }
0x475: {  	[hbm4b:s13+s20] =	stream.strided.scatter [tilespmem:s8], [sflag:$0x4], $0x2000, s6, s20, $0x38;
	[tilespmem:$0x7400] =	vst v63  }
0x476: {  	_ =	swait.ge [sflag:s7], $0x2000  }
0x477: {  	[sflag:s7] =	ssyncset.done $0x0  }
0x478: {  	s14 =	rddreg [dreg:$0x1c];
	[sflag:s7] =	ssyncadd.s32 $0xFFFFE000  }
0x479: {  	[tilespmem:s10], [sflag:$0x1] =	stream.indirect.gather [hbm4b:s14+s2], $0x10, s1, s2, $0xb8;
	[tilespmem:$0x7400] =	vst v63  }
0x47a: {  	_ =	swait.ge [sflag:s12], $0x2000  }
0x47b: {  	s15 =	sld [smem:$0x7F0]  }
0x47c: {  	[sflag:s12] =	ssyncset.done $0x0  }
0x47d: {  	[sflag:s12] =	ssyncadd.s32 $0xFFFFE000  }
0x47e: {  	[hbm4b:s15+s20] =	stream.strided.scatter [tilespmem:s10], [sflag:$0x3], $0x2000, s6, s20, $0x38;
	[tilespmem:$0x7400] =	vst v63  }
0x47f: {  	_ =	swait.ge [sflag:s3], $0x2000  }
0x480: {  	[sflag:s3] =	ssyncset.done $0x0  }
0x481: {  	s16 =	rddreg [dreg:$0x1d];
	[sflag:s3] =	ssyncadd.s32 $0xFFFFE000  }
0x482: {  	[tilespmem:s8], [sflag:$0x2] =	stream.indirect.gather [hbm4b:s16+s2], $0x10, s30, s2, $0xb8;
	[tilespmem:$0x7400] =	vst v63  }
0x483: {  	_ =	swait.ge [sflag:s9], $0x2000  }
0x484: {  	s17 =	sld [smem:$0x7F1]  }
0x485: {  	[sflag:s9] =	ssyncset.done $0x0  }
0x486: {  	[sflag:s9] =	ssyncadd.s32 $0xFFFFE000  }
0x487: {  	[hbm4b:s17+s20] =	stream.strided.scatter [tilespmem:s8], [sflag:$0x4], $0x2000, s6, s20, $0x38;
	[tilespmem:$0x7400] =	vst v63  }
0x488: {  	_ =	swait.ge [sflag:s7], $0x2000  }
0x489: {  	[sflag:s7] =	ssyncset.done $0x0  }
0x48a: {  	s19 =	rddreg [dreg:$0x1e];
	[sflag:s7] =	ssyncadd.s32 $0xFFFFE000  }
0x48b: {  	[tilespmem:s10], [sflag:$0x1] =	stream.indirect.gather [hbm4b:s19+s2], $0x10, s29, s2, $0xb8;
	[tilespmem:$0x7400] =	vst v63  }
0x48c: {  	_ =	swait.ge [sflag:s12], $0x2000  }
0x48d: {  	s29 =	sld [smem:$0x7F2]  }
0x48e: {  	[sflag:s12] =	ssyncset.done $0x0  }
0x48f: {  	[sflag:s12] =	ssyncadd.s32 $0xFFFFE000  }
0x490: {  	[hbm4b:s29+s20] =	stream.strided.scatter [tilespmem:s10], [sflag:$0x3], $0x2000, s6, s20, $0x38;
	[tilespmem:$0x7400] =	vst v63  }
0x491: {  	_ =	swait.ge [sflag:s3], $0x2000  }
0x492: {  	[sflag:s3] =	ssyncset.done $0x0  }
0x493: {  	s30 =	rddreg [dreg:$0x1f];
	[sflag:s3] =	ssyncadd.s32 $0xFFFFE000  }
0x494: {  	[tilespmem:s8], [sflag:$0x2] =	stream.indirect.gather [hbm4b:s30+s2], $0x10, s28, s2, $0xb8;
	[tilespmem:$0x7400] =	vst v63  }
0x495: {  	_ =	swait.ge [sflag:s9], $0x2000  }
0x496: {  	s31 =	sld [smem:$0x7F3]  }
0x497: {  	[sflag:s9] =	ssyncset.done $0x0  }
0x498: {  	[sflag:s9] =	ssyncadd.s32 $0xFFFFE000  }
0x499: {  	[hbm4b:s31+s20] =	stream.strided.scatter [tilespmem:s8], [sflag:$0x4], $0x2000, s6, s20, $0x38;
	[tilespmem:$0x7400] =	vst v63  }
0x49a: {  	_ =	swait.ge [sflag:s7], $0x2000  }
0x49b: {  	s1 =	sld [smem:$0x7C2]  }
0x49c: {  	[sflag:s7] =	ssyncset.done $0x0  }
0x49d: {  	[sflag:s7] =	ssyncadd.s32 $0xFFFFE000  }
0x49e: {  	[tilespmem:s10], [sflag:$0x1] =	stream.indirect.gather [hbm4b:s1+s2], $0x10, s26, s2, $0xb8;
	[tilespmem:$0x7400] =	vst v63  }
0x49f: {  	_ =	swait.ge [sflag:s12], $0x2000  }
0x4a0: {  	s5 =	sld [smem:$0x7F4]  }
0x4a1: {  	[sflag:s12] =	ssyncset.done $0x0  }
0x4a2: {  	[sflag:s12] =	ssyncadd.s32 $0xFFFFE000  }
0x4a3: {  	[hbm4b:s5+s20] =	stream.strided.scatter [tilespmem:s10], [sflag:$0x3], $0x2000, s6, s20, $0x38;
	[tilespmem:$0x7400] =	vst v63  }
0x4a4: {  	_ =	swait.ge [sflag:s3], $0x2000  }
0x4a5: {  	s11 =	sld [smem:$0x7C3]  }
0x4a6: {  	[sflag:s3] =	ssyncset.done $0x0  }
0x4a7: {  	[sflag:s3] =	ssyncadd.s32 $0xFFFFE000  }
0x4a8: {  	[tilespmem:s8], [sflag:$0x2] =	stream.indirect.gather [hbm4b:s11+s2], $0x10, s25, s2, $0xb8;
	[tilespmem:$0x7400] =	vst v63  }
0x4a9: {  	_ =	swait.ge [sflag:s9], $0x2000  }
0x4aa: {  	s13 =	sld [smem:$0x7F5]  }
0x4ab: {  	[sflag:s9] =	ssyncset.done $0x0  }
0x4ac: {  	[sflag:s9] =	ssyncadd.s32 $0xFFFFE000  }
0x4ad: {  	[hbm4b:s13+s20] =	stream.strided.scatter [tilespmem:s8], [sflag:$0x4], $0x2000, s6, s20, $0x38;
	[tilespmem:$0x7400] =	vst v63  }
0x4ae: {  	_ =	swait.ge [sflag:s7], $0x2000  }
0x4af: {  	s14 =	sld [smem:$0x7C4]  }
0x4b0: {  	[sflag:s7] =	ssyncset.done $0x0  }
0x4b1: {  	[sflag:s7] =	ssyncadd.s32 $0xFFFFE000  }
0x4b2: {  	[tilespmem:s10], [sflag:$0x1] =	stream.indirect.gather [hbm4b:s14+s2], $0x10, s24, s2, $0xb8;
	[tilespmem:$0x7400] =	vst v63  }
0x4b3: {  	_ =	swait.ge [sflag:s12], $0x2000  }
0x4b4: {  	s15 =	sld [smem:$0x7F6]  }
0x4b5: {  	[sflag:s12] =	ssyncset.done $0x0  }
0x4b6: {  	[sflag:s12] =	ssyncadd.s32 $0xFFFFE000  }
0x4b7: {  	[hbm4b:s15+s20] =	stream.strided.scatter [tilespmem:s10], [sflag:$0x3], $0x2000, s6, s20, $0x38;
	[tilespmem:$0x7400] =	vst v63  }
0x4b8: {  	_ =	swait.ge [sflag:s3], $0x2000  }
0x4b9: {  	s16 =	sld [smem:$0x7C5]  }
0x4ba: {  	[sflag:s3] =	ssyncset.done $0x0  }
0x4bb: {  	[sflag:s3] =	ssyncadd.s32 $0xFFFFE000  }
0x4bc: {  	[tilespmem:s8], [sflag:$0x2] =	stream.indirect.gather [hbm4b:s16+s2], $0x10, s23, s2, $0xb8;
	[tilespmem:$0x7400] =	vst v63  }
0x4bd: {  	_ =	swait.ge [sflag:s9], $0x2000  }
0x4be: {  	s17 =	sld [smem:$0x7F7]  }
0x4bf: {  	[sflag:s9] =	ssyncset.done $0x0  }
0x4c0: {  	[sflag:s9] =	ssyncadd.s32 $0xFFFFE000  }
0x4c1: {  	[hbm4b:s17+s20] =	stream.strided.scatter [tilespmem:s8], [sflag:$0x4], $0x2000, s6, s20, $0x38;
	[tilespmem:$0x7400] =	vst v63  }
0x4c2: {  	_ =	swait.ge [sflag:s7], $0x2000  }
0x4c3: {  	s19 =	sld [smem:$0x7C6]  }
0x4c4: {  	[sflag:s7] =	ssyncset.done $0x0  }
0x4c5: {  	[sflag:s7] =	ssyncadd.s32 $0xFFFFE000  }
0x4c6: {  	[tilespmem:s10], [sflag:$0x1] =	stream.indirect.gather [hbm4b:s19+s2], $0x10, s22, s2, $0xb8;
	[tilespmem:$0x7400] =	vst v63  }
0x4c7: {  	_ =	swait.ge [sflag:s12], $0x2000  }
0x4c8: {  	s23 =	sld [smem:$0x7F8]  }
0x4c9: {  	[sflag:s12] =	ssyncset.done $0x0  }
0x4ca: {  	[sflag:s12] =	ssyncadd.s32 $0xFFFFE000  }
0x4cb: {  	[hbm4b:s23+s20] =	stream.strided.scatter [tilespmem:s10], [sflag:$0x3], $0x2000, s6, s20, $0x38;
	[tilespmem:$0x7400] =	vst v63  }
0x4cc: {  	_ =	swait.ge [sflag:s3], $0x2000  }
0x4cd: {  	s24 =	sld [smem:$0x7C7]  }
0x4ce: {  	[sflag:s3] =	ssyncset.done $0x0  }
0x4cf: {  	[sflag:s3] =	ssyncadd.s32 $0xFFFFE000  }
0x4d0: {  	[tilespmem:s8], [sflag:$0x2] =	stream.indirect.gather [hbm4b:s24+s2], $0x10, s21, s2, $0xb8;
	[tilespmem:$0x7400] =	vst v63  }
0x4d1: {  	_ =	swait.ge [sflag:s9], $0x2000  }
0x4d2: {  	s25 =	sld [smem:$0x7F9]  }
0x4d3: {  	[sflag:s9] =	ssyncset.done $0x0  }
0x4d4: {  	[sflag:s9] =	ssyncadd.s32 $0xFFFFE000  }
0x4d5: {  	[hbm4b:s25+s20] =	stream.strided.scatter [tilespmem:s8], [sflag:$0x4], $0x2000, s6, s20, $0x38;
	[tilespmem:$0x7400] =	vst v63  }
0x4d6: {  	_ =	swait.ge [sflag:s7], $0x2000  }
0x4d7: {  	s26 =	sld [smem:$0x7C8]  }
0x4d8: {  	[sflag:s7] =	ssyncset.done $0x0  }
0x4d9: {  	[sflag:s7] =	ssyncadd.s32 $0xFFFFE000  }
0x4da: {  	[tilespmem:s10], [sflag:$0x1] =	stream.indirect.gather [hbm4b:s26+s2], $0x10, s4, s2, $0xb8;
	[tilespmem:$0x7400] =	vst v63  }
0x4db: {  	_ =	swait.ge [sflag:s12], $0x2000  }
0x4dc: {  	s28 =	sld [smem:$0x7FA]  }
0x4dd: {  	[sflag:s12] =	ssyncset.done $0x0  }
0x4de: {  	[sflag:s12] =	ssyncadd.s32 $0xFFFFE000  }
0x4df: {  	[hbm4b:s28+s20] =	stream.strided.scatter [tilespmem:s10], [sflag:$0x3], $0x2000, s6, s20, $0x38;
	[tilespmem:$0x7400] =	vst v63  }
0x4e0: {  	_ =	swait.ge [sflag:s3], $0x2000  }
0x4e1: {  	s29 =	sld [smem:$0x7C9]  }
0x4e2: {  	[sflag:s3] =	ssyncset.done $0x0  }
0x4e3: {  	[sflag:s3] =	ssyncadd.s32 $0xFFFFE000  }
0x4e4: {  	[tilespmem:s8], [sflag:$0x2] =	stream.indirect.gather [hbm4b:s29+s2], $0x10, s18, s2, $0xb8;
	[tilespmem:$0x7400] =	vst v63  }
0x4e5: {  	_ =	swait.ge [sflag:s9], $0x2000  }
0x4e6: {  	s30 =	sld [smem:$0x7FC]  }
0x4e7: {  	[sflag:s9] =	ssyncset.done $0x0  }
0x4e8: {  	[sflag:s9] =	ssyncadd.s32 $0xFFFFE000  }
0x4e9: {  	[hbm4b:s30+s20] =	stream.strided.scatter [tilespmem:s8], [sflag:$0x4], $0x2000, s6, s20, $0x38;
	[tilespmem:$0x7400] =	vst v63  }
0x4ea: {  	_ =	swait.ge [sflag:s7], $0x2000  }
0x4eb: {  	[sflag:s7] =	ssyncset.done $0x0  }
0x4ec: {  	[sflag:s7] =	ssyncadd.s32 $0xFFFFE000  }
0x4ed: {  	_ =	swait.ge [sflag:s3], $0x2000  }
0x4ee: {  	[sflag:s3] =	ssyncset.done $0x0  }
0x4ef: {  	[sflag:s3] =	ssyncadd.s32 $0xFFFFE000  }
0x4f0: {  	_ =	sfence.sel $0x180000  }
0x4f1: {  	[bflag:$0x0] =	sbarrier.arrive $0xFFFF  }
0x4f2: {  	_ =	strace $0x90000047  }
0x4f3: {  	[bflag:$0x2] =	sbarrier.arrive $0xFFFF  }
0x4f4: {  	s0 =	sld [smem:$0x7C1]  }
0x4f5: {  	s31 =	stileid.u32  }
0x4f6: {  	p0 =	sne.s32 s31, $0x0  }
0x4f7: {  	s0 =	sadd.s32 @!p0 $0x100000, s0  }
0x4f8: {  	[sflag:s0] =	ssyncadd.tile.s32 @!p0 $0x1;
	_ =	shalt  }
.Lfunc_end3:
_tile_overlayer_lowered:
.L_overlay_start_3:
0x4f9: {  	(tag) =	ssettag $0x3  }
0x4fa: {  	s0 =	rddreg [dreg:$0x0];
	s2 =	stileid.u32  }
0x4fb: {  	s1 =	rddreg [dreg:$0x1];
	p0 =	sne.s32 s2, $0x0  }
0x4fc: {  	s3 =	rddreg [dreg:$0x2];
	[bflag:$0x3] =	sbarrier.arrive $0xFFFF;
	s2 =	simm.s32 @!p0 $0x1C06  }
0x4fd: {  	[timem:s3], [sflag:s2] =	dma.local @!p0 [hbm:s0], s1  }
0x4fe: {  	s0 =	simm.s32 @!p0 $0x6  }
0x4ff: {  	_ =	swait.ge @!p0 [sflag:s0], s1  }
0x500: {  	s1 =	ssub.s32 @!p0 $0x0, s1;
	[sflag:s0] =	ssyncset.done @!p0 $0x0  }
0x501: {  	[sflag:s0] =	ssyncadd.s32 @!p0 s1  }
0x502: {  	[bflag:$0x3] =	sbarrier.arrive $0xFFFF  }
0x503: {  	_ =	shalt  }

</sc_bundles>
